<compile_context>
chip_gen: v7x
topology: tpu7x:2x2x1
jax: 0.10.2.dev20260603
libtpu: 0.0.44.dev20260713+nightly
codegen_flags: <defaults>
</compile_context>

<pallas_src>
import functools

import jax
import jax.numpy as jnp
from jax import lax
from jax.experimental import pallas as pl
from jax.experimental.pallas import tpu as pltpu
from jax.experimental.pallas import tpu_sc as plsc

_N = 10000
_E = 320000
_D = 128
_H = 128
_T = 3
_G = 64
_OUT = 10

_NC = 2
_NS = 16
_NW = _NC * _NS
_EPW = _E // _NW
_CH = 128
_NCH = 80
_PADE = _NCH * _CH - _EPW
_HCH = 40
_RPT = 632
_NPAD = _NS * _RPT

_BLK = 1000
_LN2 = 0.6931471805599453


def _ssp(v):
    return jnp.maximum(v, 0.0) + jnp.log1p(jnp.exp(-jnp.abs(v))) - _LN2



def _sc_body(q_hbm, srcp0_hbm, srcp1_hbm, dstp_hbm, zros_hbm, out_hbm,
             src_v, dst_v, buf_v, agg_s, gsem):
    bufa = buf_v.at[0]
    bufb = buf_v.at[1]
    cc = lax.axis_index("c")
    s = lax.axis_index("s")
    w = cc * _NS + s
    pltpu.sync_copy(dstp_hbm.at[w], dst_v)
    pltpu.sync_copy(zros_hbm, bufa)
    for r in range(4):
        pltpu.sync_copy(bufa, agg_s.at[pl.ds(s * _RPT + r * _CH, _CH)])
    pltpu.sync_copy(bufa.at[pl.ds(0, _RPT - 4 * _CH)],
                    agg_s.at[pl.ds(s * _RPT + 4 * _CH, _RPT - 4 * _CH)])
    plsc.subcore_barrier()

    def one_chunk(buf, l, g):
        pltpu.async_copy(q_hbm.at[src_v.at[l]], buf, gsem).wait()
        pltpu.sync_copy(buf, agg_s.at[dst_v.at[g]], add=True)

    for half, srcp_hbm in enumerate((srcp0_hbm, srcp1_hbm)):
        pltpu.sync_copy(srcp_hbm.at[w], src_v)

        def pair(j, carry):
            one_chunk(bufa, 2 * j, half * _HCH + 2 * j)
            one_chunk(bufb, 2 * j + 1, half * _HCH + 2 * j + 1)
            return carry

        lax.fori_loop(0, _HCH // 2, pair, 0)

    plsc.subcore_barrier()
    pltpu.sync_copy(agg_s.at[pl.ds(s * _RPT, _RPT)],
                    out_hbm.at[cc].at[pl.ds(s * _RPT, _RPT)])


_sc_edge_agg = functools.partial(
    pl.kernel,
    mesh=plsc.VectorSubcoreMesh(core_axis_name="c", subcore_axis_name="s"),
    out_type=jax.ShapeDtypeStruct((_NC, _NPAD, _H), jnp.float32),
    scratch_types=[
        pltpu.VMEM((_HCH, _CH), jnp.int32),
        pltpu.VMEM((_NCH, _CH), jnp.int32),
        pltpu.VMEM((2, _CH, _H), jnp.float32),
        pltpu.VMEM_SHARED((_NPAD, _H), jnp.float32),
        pltpu.SemaphoreType.DMA,
    ],
)(_sc_body)



def _tc_first_body(x_ref, wi_ref, bi_ref, w1_ref, b1_ref, h_ref, q_ref):
    h = jnp.dot(x_ref[...], wi_ref[...],
                preferred_element_type=jnp.float32) + bi_ref[...]
    h_ref[...] = h
    q_ref[...] = _ssp(jnp.dot(h, w1_ref[...],
                              preferred_element_type=jnp.float32) + b1_ref[...])


_tc_first = pl.pallas_call(
    _tc_first_body,
    grid=(_N // _BLK,),
    in_specs=[
        pl.BlockSpec((_BLK, _D), lambda i: (i, 0)),
        pl.BlockSpec((_D, _H), lambda i: (0, 0)),
        pl.BlockSpec((1, _H), lambda i: (0, 0)),
        pl.BlockSpec((_H, _H), lambda i: (0, 0)),
        pl.BlockSpec((1, _H), lambda i: (0, 0)),
    ],
    out_specs=[pl.BlockSpec((_BLK, _H), lambda i: (i, 0)),
               pl.BlockSpec((_BLK, _H), lambda i: (i, 0))],
    out_shape=[jax.ShapeDtypeStruct((_N, _H), jnp.float32),
               jax.ShapeDtypeStruct((_N, _H), jnp.float32)],
)


def _tc_mid_body(h_ref, a_ref, w2_ref, b2_ref, w1_ref, b1_ref, ho_ref, q_ref):
    agg = a_ref[0] + a_ref[1]
    h = h_ref[...] + jnp.dot(agg, w2_ref[...],
                             preferred_element_type=jnp.float32) + b2_ref[...]
    ho_ref[...] = h
    q_ref[...] = _ssp(jnp.dot(h, w1_ref[...],
                              preferred_element_type=jnp.float32) + b1_ref[...])


_tc_mid = pl.pallas_call(
    _tc_mid_body,
    grid=(_N // _BLK,),
    in_specs=[
        pl.BlockSpec((_BLK, _H), lambda i: (i, 0)),
        pl.BlockSpec((_NC, _BLK, _H), lambda i: (0, i, 0)),
        pl.BlockSpec((_H, _H), lambda i: (0, 0)),
        pl.BlockSpec((1, _H), lambda i: (0, 0)),
        pl.BlockSpec((_H, _H), lambda i: (0, 0)),
        pl.BlockSpec((1, _H), lambda i: (0, 0)),
    ],
    out_specs=[pl.BlockSpec((_BLK, _H), lambda i: (i, 0)),
               pl.BlockSpec((_BLK, _H), lambda i: (i, 0))],
    out_shape=[jax.ShapeDtypeStruct((_N, _H), jnp.float32),
               jax.ShapeDtypeStruct((_N, _H), jnp.float32)],
)


def _tc_last_body(h_ref, a_ref, w2_ref, b2_ref, batch_ref,
                  wo1_ref, bo1_ref, wo2_ref, bo2_ref, out_ref, g_scr):
    i = pl.program_id(0)
    agg = a_ref[0] + a_ref[1]
    h = h_ref[...] + jnp.dot(agg, w2_ref[...],
                             preferred_element_type=jnp.float32) + b2_ref[...]
    onehot = (batch_ref[...] ==
              lax.broadcasted_iota(jnp.int32, (_BLK, _G), 1)).astype(jnp.float32)
    part = lax.dot_general(onehot, h, (((0,), (0,)), ((), ())),
                           preferred_element_type=jnp.float32)

    @pl.when(i == 0)
    def _():
        g_scr[...] = part

    @pl.when(i > 0)
    def _():
        g_scr[...] += part

    @pl.when(i == pl.num_programs(0) - 1)
    def _():
        g = g_scr[...]
        u = _ssp(jnp.dot(g, wo1_ref[...],
                         preferred_element_type=jnp.float32) + bo1_ref[...])
        out_ref[...] = jnp.dot(u, wo2_ref[...],
                               preferred_element_type=jnp.float32) + bo2_ref[...]


_tc_last = pl.pallas_call(
    _tc_last_body,
    grid=(_N // _BLK,),
    in_specs=[
        pl.BlockSpec((_BLK, _H), lambda i: (i, 0)),
        pl.BlockSpec((_NC, _BLK, _H), lambda i: (0, i, 0)),
        pl.BlockSpec((_H, _H), lambda i: (0, 0)),
        pl.BlockSpec((1, _H), lambda i: (0, 0)),
        pl.BlockSpec((_BLK, 1), lambda i: (i, 0)),
        pl.BlockSpec((_H, _H // 2), lambda i: (0, 0)),
        pl.BlockSpec((1, _H // 2), lambda i: (0, 0)),
        pl.BlockSpec((_H // 2, _OUT), lambda i: (0, 0)),
        pl.BlockSpec((1, _OUT), lambda i: (0, 0)),
    ],
    out_specs=pl.BlockSpec((_G, _OUT), lambda i: (0, 0)),
    out_shape=jax.ShapeDtypeStruct((_G, _OUT), jnp.float32),
    scratch_shapes=[pltpu.VMEM((_G, _H), jnp.float32)],
)


def kernel(x, edge_index, batch, W_in, b_in, W1, b1, W2, b2, Wo1, bo1, Wo2, bo2):
    src = edge_index[0].reshape(_NW, _EPW)
    dst = edge_index[1].reshape(_NW, _EPW)
    srcp = jnp.concatenate(
        [src, jnp.zeros((_NW, _PADE), jnp.int32)], axis=1).reshape(_NW, _NCH, _CH)
    srcp0 = srcp[:, :_HCH]
    srcp1 = srcp[:, _HCH:]
    dstp = jnp.concatenate(
        [dst, jnp.full((_NW, _PADE), _N, jnp.int32)], axis=1).reshape(_NW, _NCH, _CH)
    srcp = jnp.broadcast_to(
        (jnp.arange(_NW, dtype=jnp.int32) % _NS)[:, None, None] * _RPT
        + jnp.arange(_CH, dtype=jnp.int32)[None, None, :], (_NW, _NCH, _CH))
    zros = jnp.zeros((_CH, _H), jnp.float32)

    h, q = _tc_first(x, W_in, b_in.reshape(1, _H),
                     W1[0], b1[0].reshape(1, _H))
    agg = None
    for t in range(_T):
        agg = _sc_edge_agg(q, srcp0, srcp1, dstp, zros)
        if t < _T - 1:
            h, q = _tc_mid(h, agg, W2[t], b2[t].reshape(1, _H),
                           W1[t + 1], b1[t + 1].reshape(1, _H))
    out = _tc_last(h, agg, W2[_T - 1], b2[_T - 1].reshape(1, _H),
                   batch.reshape(_N, 1), Wo1, bo1.reshape(1, _H // 2),
                   Wo2, bo2.reshape(1, _OUT))
    return out

# --- scband reference (transcript-rebuilt; emitter-appended) ---
"""Pipeline reference for scband-sch-net-reg-68083821576345 (READ-ONLY COPY).

The authoritative reference and input builder live on the scoring server;
editing this copy changes nothing except your own understanding.
"""

import jax, jax.numpy as jnp
import numpy as np

N = 10000
E = 320000
D = 128
H = 128
T = 3
G = 64
OUT = 10

def ssp(v):
    return jax.nn.softplus(v) - jnp.log(2.0)

def setup_inputs(seed: int = 0):
    key = jax.random.key(seed)
    ks = jax.random.split(key, 12)
    x = jax.random.normal(ks[0], (N, D), dtype=jnp.float32)
    edge_index = jax.random.randint(ks[1], (2, E), 0, N, dtype=jnp.int32)
    batch = jnp.sort(jax.random.randint(ks[2], (N,), 0, G, dtype=jnp.int32))
    W_in = jax.random.normal(ks[3], (D, H), dtype=jnp.float32) / np.sqrt(D)
    b_in = jnp.zeros((H,), dtype=jnp.float32)
    W1 = jax.random.normal(ks[4], (T, H, H), dtype=jnp.float32) / np.sqrt(H)
    b1 = jnp.zeros((T, H), dtype=jnp.float32)
    W2 = jax.random.normal(ks[5], (T, H, H), dtype=jnp.float32) / np.sqrt(H)
    b2 = jnp.zeros((T, H), dtype=jnp.float32)
    Wo1 = jax.random.normal(ks[6], (H, H // 2), dtype=jnp.float32) / np.sqrt(H)
    bo1 = jnp.zeros((H // 2,), dtype=jnp.float32)
    Wo2 = jax.random.normal(ks[7], (H // 2, OUT), dtype=jnp.float32) / np.sqrt(H // 2)
    bo2 = jnp.zeros((OUT,), dtype=jnp.float32)
    return {"x": x, "edge_index": edge_index, "batch": batch, "W_in": W_in, "b_in": b_in,
            "W1": W1, "b1": b1, "W2": W2, "b2": b2, "Wo1": Wo1, "bo1": bo1, "Wo2": Wo2, "bo2": bo2}

def reference(x, edge_index, batch, W_in, b_in, W1, b1, W2, b2, Wo1, bo1, Wo2, bo2):
    src = edge_index[0]
    dst = edge_index[1]
    h = x @ W_in + b_in
    for t in range(T):
        m = ssp(h[src] @ W1[t] + b1[t])
        agg = jax.ops.segment_sum(m, dst, num_segments=N)
        h = h + agg @ W2[t] + b2[t]
    g = jax.ops.segment_sum(h, batch, num_segments=G)
    out = ssp(g @ Wo1 + bo1) @ Wo2 + bo2
    return out

if __name__ == "__main__":
    import jax
    _d = setup_inputs()
    print(jax.jit(kernel)(*tuple(_d.values())))

</pallas_src>

<mosaic_0001>
#map = affine_map<(d0, d1) -> (0, 0)>
#map1 = affine_map<(d0, d1) -> (0, 0, 0)>
module attributes {stable_mosaic.version = 14 : i64} {
  func.func @_sc_body(%arg0: i32, %arg1: i32, %arg2: memref<10000x128xf32, #tpu.memory_space<hbm>>, %arg3: memref<32x40x128xi32, #tpu.memory_space<hbm>>, %arg4: memref<32x40x128xi32, #tpu.memory_space<hbm>>, %arg5: memref<32x80x128xi32, #tpu.memory_space<hbm>>, %arg6: memref<128x128xf32, #tpu.memory_space<hbm>>, %arg7: memref<2x10112x128xf32, #tpu.memory_space<hbm>>, %arg8: memref<40x128xi32, #tpu.memory_space<vmem>>, %arg9: memref<80x128xi32, #tpu.memory_space<vmem>>, %arg10: memref<2x128x128xf32, #tpu.memory_space<vmem>>, %arg11: memref<10112x128xf32, #tpu.memory_space<vmem_shared>>, %arg12: memref<!tpu.dma_semaphore, #tpu.memory_space<semaphore_mem>>) attributes {dimension_semantics = [#tpu.dimension_semantics<core_parallel>, #tpu.dimension_semantics<subcore_parallel>], iteration_bounds = array<i64: 2, 16>, scalar_prefetch = 0 : i64, scratch_operands = 5 : i64, tpu.core_type = #tpu.core_type<sc_vector_subcore>, window_params = [{transform_indices = #map}, {transform_indices = #map1}, {transform_indices = #map1}, {transform_indices = #map1}, {transform_indices = #map}, {transform_indices = #map1}]} {
    %mul3A = arith.constant 16 : i32
    %mul3A_0 = arith.muli %arg0, %mul3A : i32
    %add3A = arith.addi %mul3A_0, %arg1 : i32
    "tpu.region"() ({
      %run_scoped3A_46 = tpu.sem_alloc : memref<!tpu.dma_semaphore, #tpu.memory_space<semaphore_mem>>
      %dma_start3A = arith.constant 0 : i32
      %dma_start3A_47 = arith.constant 0 : i32
      %dma_start3A_48 = tpu.memref_slice %arg5[%add3A, %dma_start3A, %dma_start3A_47] : memref<32x80x128xi32, #tpu.memory_space<hbm>> -> memref<1x80x128xi32, #tpu.memory_space<hbm>>
      %dma_start3A_49 = tpu.memref_squeeze %dma_start3A_48 : memref<1x80x128xi32, #tpu.memory_space<hbm>> -> memref<80x128xi32, #tpu.memory_space<hbm>>
      %dma_start3A_50 = arith.constant 0 : i32
      %dma_start3A_51 = arith.constant 0 : i32
      %dma_start3A_52 = tpu.memref_slice %arg5[%add3A, %dma_start3A_50, %dma_start3A_51] : memref<32x80x128xi32, #tpu.memory_space<hbm>> -> memref<1x80x128xi32, #tpu.memory_space<hbm>>
      %dma_start3A_53 = tpu.memref_squeeze %dma_start3A_52 : memref<1x80x128xi32, #tpu.memory_space<hbm>> -> memref<80x128xi32, #tpu.memory_space<hbm>>
      tpu.enqueue_dma source(%dma_start3A_53 : memref<80x128xi32, #tpu.memory_space<hbm>>) target(%arg9 : memref<80x128xi32, #tpu.memory_space<vmem>>) target_semaphore(%run_scoped3A_46 : memref<!tpu.dma_semaphore, #tpu.memory_space<semaphore_mem>>)
      %dma_wait3A = arith.constant 0 : i32
      %dma_wait3A_54 = arith.constant 0 : i32
      %dma_wait3A_55 = tpu.memref_slice %arg5[%add3A, %dma_wait3A, %dma_wait3A_54] : memref<32x80x128xi32, #tpu.memory_space<hbm>> -> memref<1x80x128xi32, #tpu.memory_space<hbm>>
      %dma_wait3A_56 = tpu.memref_squeeze %dma_wait3A_55 : memref<1x80x128xi32, #tpu.memory_space<hbm>> -> memref<80x128xi32, #tpu.memory_space<hbm>>
      %dma_wait3A_57 = arith.constant 0 : i32
      %dma_wait3A_58 = arith.constant 0 : i32
      %dma_wait3A_59 = tpu.memref_slice %arg5[%add3A, %dma_wait3A_57, %dma_wait3A_58] : memref<32x80x128xi32, #tpu.memory_space<hbm>> -> memref<1x80x128xi32, #tpu.memory_space<hbm>>
      %dma_wait3A_60 = tpu.memref_squeeze %dma_wait3A_59 : memref<1x80x128xi32, #tpu.memory_space<hbm>> -> memref<80x128xi32, #tpu.memory_space<hbm>>
      tpu.wait_dma2 semaphore(%run_scoped3A_46 : memref<!tpu.dma_semaphore, #tpu.memory_space<semaphore_mem>>) src(%dma_wait3A_60 : memref<80x128xi32, #tpu.memory_space<hbm>>) dst(%arg9 : memref<80x128xi32, #tpu.memory_space<vmem>>)
      tpu.yield
    }) : () -> ()
    %run_scoped3A = arith.constant 0 : i32
    "tpu.region"() ({
      %run_scoped3A_46 = tpu.sem_alloc : memref<!tpu.dma_semaphore, #tpu.memory_space<semaphore_mem>>
      %dma_start3A = arith.constant 0 : i32
      %dma_start3A_47 = arith.constant 0 : i32
      %dma_start3A_48 = tpu.memref_slice %arg10[%run_scoped3A, %dma_start3A, %dma_start3A_47] : memref<2x128x128xf32, #tpu.memory_space<vmem>> -> memref<1x128x128xf32, #tpu.memory_space<vmem>>
      %dma_start3A_49 = tpu.memref_squeeze %dma_start3A_48 : memref<1x128x128xf32, #tpu.memory_space<vmem>> -> memref<128x128xf32, #tpu.memory_space<vmem>>
      %dma_start3A_50 = arith.constant 0 : i32
      %dma_start3A_51 = arith.constant 0 : i32
      %dma_start3A_52 = tpu.memref_slice %arg10[%run_scoped3A, %dma_start3A_50, %dma_start3A_51] : memref<2x128x128xf32, #tpu.memory_space<vmem>> -> memref<1x128x128xf32, #tpu.memory_space<vmem>>
      %dma_start3A_53 = tpu.memref_squeeze %dma_start3A_52 : memref<1x128x128xf32, #tpu.memory_space<vmem>> -> memref<128x128xf32, #tpu.memory_space<vmem>>
      tpu.enqueue_dma source(%arg6 : memref<128x128xf32, #tpu.memory_space<hbm>>) target(%dma_start3A_53 : memref<128x128xf32, #tpu.memory_space<vmem>>) target_semaphore(%run_scoped3A_46 : memref<!tpu.dma_semaphore, #tpu.memory_space<semaphore_mem>>)
      %dma_wait3A = arith.constant 0 : i32
      %dma_wait3A_54 = arith.constant 0 : i32
      %dma_wait3A_55 = tpu.memref_slice %arg10[%run_scoped3A, %dma_wait3A, %dma_wait3A_54] : memref<2x128x128xf32, #tpu.memory_space<vmem>> -> memref<1x128x128xf32, #tpu.memory_space<vmem>>
      %dma_wait3A_56 = tpu.memref_squeeze %dma_wait3A_55 : memref<1x128x128xf32, #tpu.memory_space<vmem>> -> memref<128x128xf32, #tpu.memory_space<vmem>>
      %dma_wait3A_57 = arith.constant 0 : i32
      %dma_wait3A_58 = arith.constant 0 : i32
      %dma_wait3A_59 = tpu.memref_slice %arg10[%run_scoped3A, %dma_wait3A_57, %dma_wait3A_58] : memref<2x128x128xf32, #tpu.memory_space<vmem>> -> memref<1x128x128xf32, #tpu.memory_space<vmem>>
      %dma_wait3A_60 = tpu.memref_squeeze %dma_wait3A_59 : memref<1x128x128xf32, #tpu.memory_space<vmem>> -> memref<128x128xf32, #tpu.memory_space<vmem>>
      tpu.wait_dma2 semaphore(%run_scoped3A_46 : memref<!tpu.dma_semaphore, #tpu.memory_space<semaphore_mem>>) src(%arg6 : memref<128x128xf32, #tpu.memory_space<hbm>>) dst(%dma_wait3A_60 : memref<128x128xf32, #tpu.memory_space<vmem>>)
      tpu.yield
    }) : () -> ()
    %mul3A_1 = arith.constant 632 : i32
    %mul3A_2 = arith.muli %arg1, %mul3A_1 : i32
    %add3A_3 = arith.constant 0 : i32
    %add3A_4 = arith.addi %mul3A_2, %add3A_3 : i32
    %run_scoped3A_5 = arith.constant 0 : i32
    "tpu.region"() ({
      %run_scoped3A_46 = tpu.sem_alloc : memref<!tpu.dma_semaphore, #tpu.memory_space<semaphore_mem>>
      %dma_start3A = arith.constant 0 : i32
      %dma_start3A_47 = arith.constant 0 : i32
      %dma_start3A_48 = tpu.memref_slice %arg10[%run_scoped3A_5, %dma_start3A, %dma_start3A_47] : memref<2x128x128xf32, #tpu.memory_space<vmem>> -> memref<1x128x128xf32, #tpu.memory_space<vmem>>
      %dma_start3A_49 = tpu.memref_squeeze %dma_start3A_48 : memref<1x128x128xf32, #tpu.memory_space<vmem>> -> memref<128x128xf32, #tpu.memory_space<vmem>>
      %dma_start3A_50 = arith.constant 0 : i32
      %dma_start3A_51 = tpu.memref_slice %arg11[%add3A_4, %dma_start3A_50] : memref<10112x128xf32, #tpu.memory_space<vmem_shared>> -> memref<128x128xf32, #tpu.memory_space<vmem_shared>>
      %dma_start3A_52 = arith.constant 0 : i32
      %dma_start3A_53 = tpu.memref_slice %arg11[%add3A_4, %dma_start3A_52] : memref<10112x128xf32, #tpu.memory_space<vmem_shared>> -> memref<128x128xf32, #tpu.memory_space<vmem_shared>>
      %dma_start3A_54 = arith.constant 0 : i32
      %dma_start3A_55 = arith.constant 0 : i32
      %dma_start3A_56 = tpu.memref_slice %arg10[%run_scoped3A_5, %dma_start3A_54, %dma_start3A_55] : memref<2x128x128xf32, #tpu.memory_space<vmem>> -> memref<1x128x128xf32, #tpu.memory_space<vmem>>
      %dma_start3A_57 = tpu.memref_squeeze %dma_start3A_56 : memref<1x128x128xf32, #tpu.memory_space<vmem>> -> memref<128x128xf32, #tpu.memory_space<vmem>>
      tpu.enqueue_dma source(%dma_start3A_57 : memref<128x128xf32, #tpu.memory_space<vmem>>) target(%dma_start3A_53 : memref<128x128xf32, #tpu.memory_space<vmem_shared>>) target_semaphore(%run_scoped3A_46 : memref<!tpu.dma_semaphore, #tpu.memory_space<semaphore_mem>>)
      %dma_wait3A = arith.constant 0 : i32
      %dma_wait3A_58 = arith.constant 0 : i32
      %dma_wait3A_59 = tpu.memref_slice %arg10[%run_scoped3A_5, %dma_wait3A, %dma_wait3A_58] : memref<2x128x128xf32, #tpu.memory_space<vmem>> -> memref<1x128x128xf32, #tpu.memory_space<vmem>>
      %dma_wait3A_60 = tpu.memref_squeeze %dma_wait3A_59 : memref<1x128x128xf32, #tpu.memory_space<vmem>> -> memref<128x128xf32, #tpu.memory_space<vmem>>
      %dma_wait3A_61 = arith.constant 0 : i32
      %dma_wait3A_62 = tpu.memref_slice %arg11[%add3A_4, %dma_wait3A_61] : memref<10112x128xf32, #tpu.memory_space<vmem_shared>> -> memref<128x128xf32, #tpu.memory_space<vmem_shared>>
      %dma_wait3A_63 = arith.constant 0 : i32
      %dma_wait3A_64 = tpu.memref_slice %arg11[%add3A_4, %dma_wait3A_63] : memref<10112x128xf32, #tpu.memory_space<vmem_shared>> -> memref<128x128xf32, #tpu.memory_space<vmem_shared>>
      %dma_wait3A_65 = arith.constant 0 : i32
      %dma_wait3A_66 = arith.constant 0 : i32
      %dma_wait3A_67 = tpu.memref_slice %arg10[%run_scoped3A_5, %dma_wait3A_65, %dma_wait3A_66] : memref<2x128x128xf32, #tpu.memory_space<vmem>> -> memref<1x128x128xf32, #tpu.memory_space<vmem>>
      %dma_wait3A_68 = tpu.memref_squeeze %dma_wait3A_67 : memref<1x128x128xf32, #tpu.memory_space<vmem>> -> memref<128x128xf32, #tpu.memory_space<vmem>>
      tpu.wait_dma2 semaphore(%run_scoped3A_46 : memref<!tpu.dma_semaphore, #tpu.memory_space<semaphore_mem>>) src(%dma_wait3A_68 : memref<128x128xf32, #tpu.memory_space<vmem>>) dst(%dma_wait3A_64 : memref<128x128xf32, #tpu.memory_space<vmem_shared>>)
      tpu.yield
    }) : () -> ()
    %mul3A_6 = arith.constant 632 : i32
    %mul3A_7 = arith.muli %arg1, %mul3A_6 : i32
    %add3A_8 = arith.constant 128 : i32
    %add3A_9 = arith.addi %mul3A_7, %add3A_8 : i32
    %run_scoped3A_10 = arith.constant 0 : i32
    "tpu.region"() ({
      %run_scoped3A_46 = tpu.sem_alloc : memref<!tpu.dma_semaphore, #tpu.memory_space<semaphore_mem>>
      %dma_start3A = arith.constant 0 : i32
      %dma_start3A_47 = arith.constant 0 : i32
      %dma_start3A_48 = tpu.memref_slice %arg10[%run_scoped3A_10, %dma_start3A, %dma_start3A_47] : memref<2x128x128xf32, #tpu.memory_space<vmem>> -> memref<1x128x128xf32, #tpu.memory_space<vmem>>
      %dma_start3A_49 = tpu.memref_squeeze %dma_start3A_48 : memref<1x128x128xf32, #tpu.memory_space<vmem>> -> memref<128x128xf32, #tpu.memory_space<vmem>>
      %dma_start3A_50 = arith.constant 0 : i32
      %dma_start3A_51 = tpu.memref_slice %arg11[%add3A_9, %dma_start3A_50] : memref<10112x128xf32, #tpu.memory_space<vmem_shared>> -> memref<128x128xf32, #tpu.memory_space<vmem_shared>>
      %dma_start3A_52 = arith.constant 0 : i32
      %dma_start3A_53 = tpu.memref_slice %arg11[%add3A_9, %dma_start3A_52] : memref<10112x128xf32, #tpu.memory_space<vmem_shared>> -> memref<128x128xf32, #tpu.memory_space<vmem_shared>>
      %dma_start3A_54 = arith.constant 0 : i32
      %dma_start3A_55 = arith.constant 0 : i32
      %dma_start3A_56 = tpu.memref_slice %arg10[%run_scoped3A_10, %dma_start3A_54, %dma_start3A_55] : memref<2x128x128xf32, #tpu.memory_space<vmem>> -> memref<1x128x128xf32, #tpu.memory_space<vmem>>
      %dma_start3A_57 = tpu.memref_squeeze %dma_start3A_56 : memref<1x128x128xf32, #tpu.memory_space<vmem>> -> memref<128x128xf32, #tpu.memory_space<vmem>>
      tpu.enqueue_dma source(%dma_start3A_57 : memref<128x128xf32, #tpu.memory_space<vmem>>) target(%dma_start3A_53 : memref<128x128xf32, #tpu.memory_space<vmem_shared>>) target_semaphore(%run_scoped3A_46 : memref<!tpu.dma_semaphore, #tpu.memory_space<semaphore_mem>>)
      %dma_wait3A = arith.constant 0 : i32
      %dma_wait3A_58 = arith.constant 0 : i32
      %dma_wait3A_59 = tpu.memref_slice %arg10[%run_scoped3A_10, %dma_wait3A, %dma_wait3A_58] : memref<2x128x128xf32, #tpu.memory_space<vmem>> -> memref<1x128x128xf32, #tpu.memory_space<vmem>>
      %dma_wait3A_60 = tpu.memref_squeeze %dma_wait3A_59 : memref<1x128x128xf32, #tpu.memory_space<vmem>> -> memref<128x128xf32, #tpu.memory_space<vmem>>
      %dma_wait3A_61 = arith.constant 0 : i32
      %dma_wait3A_62 = tpu.memref_slice %arg11[%add3A_9, %dma_wait3A_61] : memref<10112x128xf32, #tpu.memory_space<vmem_shared>> -> memref<128x128xf32, #tpu.memory_space<vmem_shared>>
      %dma_wait3A_63 = arith.constant 0 : i32
      %dma_wait3A_64 = tpu.memref_slice %arg11[%add3A_9, %dma_wait3A_63] : memref<10112x128xf32, #tpu.memory_space<vmem_shared>> -> memref<128x128xf32, #tpu.memory_space<vmem_shared>>
      %dma_wait3A_65 = arith.constant 0 : i32
      %dma_wait3A_66 = arith.constant 0 : i32
      %dma_wait3A_67 = tpu.memref_slice %arg10[%run_scoped3A_10, %dma_wait3A_65, %dma_wait3A_66] : memref<2x128x128xf32, #tpu.memory_space<vmem>> -> memref<1x128x128xf32, #tpu.memory_space<vmem>>
      %dma_wait3A_68 = tpu.memref_squeeze %dma_wait3A_67 : memref<1x128x128xf32, #tpu.memory_space<vmem>> -> memref<128x128xf32, #tpu.memory_space<vmem>>
      tpu.wait_dma2 semaphore(%run_scoped3A_46 : memref<!tpu.dma_semaphore, #tpu.memory_space<semaphore_mem>>) src(%dma_wait3A_68 : memref<128x128xf32, #tpu.memory_space<vmem>>) dst(%dma_wait3A_64 : memref<128x128xf32, #tpu.memory_space<vmem_shared>>)
      tpu.yield
    }) : () -> ()
    %mul3A_11 = arith.constant 632 : i32
    %mul3A_12 = arith.muli %arg1, %mul3A_11 : i32
    %add3A_13 = arith.constant 256 : i32
    %add3A_14 = arith.addi %mul3A_12, %add3A_13 : i32
    %run_scoped3A_15 = arith.constant 0 : i32
    "tpu.region"() ({
      %run_scoped3A_46 = tpu.sem_alloc : memref<!tpu.dma_semaphore, #tpu.memory_space<semaphore_mem>>
      %dma_start3A = arith.constant 0 : i32
      %dma_start3A_47 = arith.constant 0 : i32
      %dma_start3A_48 = tpu.memref_slice %arg10[%run_scoped3A_15, %dma_start3A, %dma_start3A_47] : memref<2x128x128xf32, #tpu.memory_space<vmem>> -> memref<1x128x128xf32, #tpu.memory_space<vmem>>
      %dma_start3A_49 = tpu.memref_squeeze %dma_start3A_48 : memref<1x128x128xf32, #tpu.memory_space<vmem>> -> memref<128x128xf32, #tpu.memory_space<vmem>>
      %dma_start3A_50 = arith.constant 0 : i32
      %dma_start3A_51 = tpu.memref_slice %arg11[%add3A_14, %dma_start3A_50] : memref<10112x128xf32, #tpu.memory_space<vmem_shared>> -> memref<128x128xf32, #tpu.memory_space<vmem_shared>>
      %dma_start3A_52 = arith.constant 0 : i32
      %dma_start3A_53 = tpu.memref_slice %arg11[%add3A_14, %dma_start3A_52] : memref<10112x128xf32, #tpu.memory_space<vmem_shared>> -> memref<128x128xf32, #tpu.memory_space<vmem_shared>>
      %dma_start3A_54 = arith.constant 0 : i32
      %dma_start3A_55 = arith.constant 0 : i32
      %dma_start3A_56 = tpu.memref_slice %arg10[%run_scoped3A_15, %dma_start3A_54, %dma_start3A_55] : memref<2x128x128xf32, #tpu.memory_space<vmem>> -> memref<1x128x128xf32, #tpu.memory_space<vmem>>
      %dma_start3A_57 = tpu.memref_squeeze %dma_start3A_56 : memref<1x128x128xf32, #tpu.memory_space<vmem>> -> memref<128x128xf32, #tpu.memory_space<vmem>>
      tpu.enqueue_dma source(%dma_start3A_57 : memref<128x128xf32, #tpu.memory_space<vmem>>) target(%dma_start3A_53 : memref<128x128xf32, #tpu.memory_space<vmem_shared>>) target_semaphore(%run_scoped3A_46 : memref<!tpu.dma_semaphore, #tpu.memory_space<semaphore_mem>>)
      %dma_wait3A = arith.constant 0 : i32
      %dma_wait3A_58 = arith.constant 0 : i32
      %dma_wait3A_59 = tpu.memref_slice %arg10[%run_scoped3A_15, %dma_wait3A, %dma_wait3A_58] : memref<2x128x128xf32, #tpu.memory_space<vmem>> -> memref<1x128x128xf32, #tpu.memory_space<vmem>>
      %dma_wait3A_60 = tpu.memref_squeeze %dma_wait3A_59 : memref<1x128x128xf32, #tpu.memory_space<vmem>> -> memref<128x128xf32, #tpu.memory_space<vmem>>
      %dma_wait3A_61 = arith.constant 0 : i32
      %dma_wait3A_62 = tpu.memref_slice %arg11[%add3A_14, %dma_wait3A_61] : memref<10112x128xf32, #tpu.memory_space<vmem_shared>> -> memref<128x128xf32, #tpu.memory_space<vmem_shared>>
      %dma_wait3A_63 = arith.constant 0 : i32
      %dma_wait3A_64 = tpu.memref_slice %arg11[%add3A_14, %dma_wait3A_63] : memref<10112x128xf32, #tpu.memory_space<vmem_shared>> -> memref<128x128xf32, #tpu.memory_space<vmem_shared>>
      %dma_wait3A_65 = arith.constant 0 : i32
      %dma_wait3A_66 = arith.constant 0 : i32
      %dma_wait3A_67 = tpu.memref_slice %arg10[%run_scoped3A_15, %dma_wait3A_65, %dma_wait3A_66] : memref<2x128x128xf32, #tpu.memory_space<vmem>> -> memref<1x128x128xf32, #tpu.memory_space<vmem>>
      %dma_wait3A_68 = tpu.memref_squeeze %dma_wait3A_67 : memref<1x128x128xf32, #tpu.memory_space<vmem>> -> memref<128x128xf32, #tpu.memory_space<vmem>>
      tpu.wait_dma2 semaphore(%run_scoped3A_46 : memref<!tpu.dma_semaphore, #tpu.memory_space<semaphore_mem>>) src(%dma_wait3A_68 : memref<128x128xf32, #tpu.memory_space<vmem>>) dst(%dma_wait3A_64 : memref<128x128xf32, #tpu.memory_space<vmem_shared>>)
      tpu.yield
    }) : () -> ()
    %mul3A_16 = arith.constant 632 : i32
    %mul3A_17 = arith.muli %arg1, %mul3A_16 : i32
    %add3A_18 = arith.constant 384 : i32
    %add3A_19 = arith.addi %mul3A_17, %add3A_18 : i32
    %run_scoped3A_20 = arith.constant 0 : i32
    "tpu.region"() ({
      %run_scoped3A_46 = tpu.sem_alloc : memref<!tpu.dma_semaphore, #tpu.memory_space<semaphore_mem>>
      %dma_start3A = arith.constant 0 : i32
      %dma_start3A_47 = arith.constant 0 : i32
      %dma_start3A_48 = tpu.memref_slice %arg10[%run_scoped3A_20, %dma_start3A, %dma_start3A_47] : memref<2x128x128xf32, #tpu.memory_space<vmem>> -> memref<1x128x128xf32, #tpu.memory_space<vmem>>
      %dma_start3A_49 = tpu.memref_squeeze %dma_start3A_48 : memref<1x128x128xf32, #tpu.memory_space<vmem>> -> memref<128x128xf32, #tpu.memory_space<vmem>>
      %dma_start3A_50 = arith.constant 0 : i32
      %dma_start3A_51 = tpu.memref_slice %arg11[%add3A_19, %dma_start3A_50] : memref<10112x128xf32, #tpu.memory_space<vmem_shared>> -> memref<128x128xf32, #tpu.memory_space<vmem_shared>>
      %dma_start3A_52 = arith.constant 0 : i32
      %dma_start3A_53 = tpu.memref_slice %arg11[%add3A_19, %dma_start3A_52] : memref<10112x128xf32, #tpu.memory_space<vmem_shared>> -> memref<128x128xf32, #tpu.memory_space<vmem_shared>>
      %dma_start3A_54 = arith.constant 0 : i32
      %dma_start3A_55 = arith.constant 0 : i32
      %dma_start3A_56 = tpu.memref_slice %arg10[%run_scoped3A_20, %dma_start3A_54, %dma_start3A_55] : memref<2x128x128xf32, #tpu.memory_space<vmem>> -> memref<1x128x128xf32, #tpu.memory_space<vmem>>
      %dma_start3A_57 = tpu.memref_squeeze %dma_start3A_56 : memref<1x128x128xf32, #tpu.memory_space<vmem>> -> memref<128x128xf32, #tpu.memory_space<vmem>>
      tpu.enqueue_dma source(%dma_start3A_57 : memref<128x128xf32, #tpu.memory_space<vmem>>) target(%dma_start3A_53 : memref<128x128xf32, #tpu.memory_space<vmem_shared>>) target_semaphore(%run_scoped3A_46 : memref<!tpu.dma_semaphore, #tpu.memory_space<semaphore_mem>>)
      %dma_wait3A = arith.constant 0 : i32
      %dma_wait3A_58 = arith.constant 0 : i32
      %dma_wait3A_59 = tpu.memref_slice %arg10[%run_scoped3A_20, %dma_wait3A, %dma_wait3A_58] : memref<2x128x128xf32, #tpu.memory_space<vmem>> -> memref<1x128x128xf32, #tpu.memory_space<vmem>>
      %dma_wait3A_60 = tpu.memref_squeeze %dma_wait3A_59 : memref<1x128x128xf32, #tpu.memory_space<vmem>> -> memref<128x128xf32, #tpu.memory_space<vmem>>
      %dma_wait3A_61 = arith.constant 0 : i32
      %dma_wait3A_62 = tpu.memref_slice %arg11[%add3A_19, %dma_wait3A_61] : memref<10112x128xf32, #tpu.memory_space<vmem_shared>> -> memref<128x128xf32, #tpu.memory_space<vmem_shared>>
      %dma_wait3A_63 = arith.constant 0 : i32
      %dma_wait3A_64 = tpu.memref_slice %arg11[%add3A_19, %dma_wait3A_63] : memref<10112x128xf32, #tpu.memory_space<vmem_shared>> -> memref<128x128xf32, #tpu.memory_space<vmem_shared>>
      %dma_wait3A_65 = arith.constant 0 : i32
      %dma_wait3A_66 = arith.constant 0 : i32
      %dma_wait3A_67 = tpu.memref_slice %arg10[%run_scoped3A_20, %dma_wait3A_65, %dma_wait3A_66] : memref<2x128x128xf32, #tpu.memory_space<vmem>> -> memref<1x128x128xf32, #tpu.memory_space<vmem>>
      %dma_wait3A_68 = tpu.memref_squeeze %dma_wait3A_67 : memref<1x128x128xf32, #tpu.memory_space<vmem>> -> memref<128x128xf32, #tpu.memory_space<vmem>>
      tpu.wait_dma2 semaphore(%run_scoped3A_46 : memref<!tpu.dma_semaphore, #tpu.memory_space<semaphore_mem>>) src(%dma_wait3A_68 : memref<128x128xf32, #tpu.memory_space<vmem>>) dst(%dma_wait3A_64 : memref<128x128xf32, #tpu.memory_space<vmem_shared>>)
      tpu.yield
    }) : () -> ()
    %mul3A_21 = arith.constant 632 : i32
    %mul3A_22 = arith.muli %arg1, %mul3A_21 : i32
    %add3A_23 = arith.constant 512 : i32
    %add3A_24 = arith.addi %mul3A_22, %add3A_23 : i32
    %run_scoped3A_25 = arith.constant 0 : i32
    "tpu.region"() ({
      %run_scoped3A_46 = tpu.sem_alloc : memref<!tpu.dma_semaphore, #tpu.memory_space<semaphore_mem>>
      %dma_start3A = arith.constant 0 : i32
      %dma_start3A_47 = arith.constant 0 : i32
      %dma_start3A_48 = tpu.memref_slice %arg10[%run_scoped3A_25, %dma_start3A, %dma_start3A_47] : memref<2x128x128xf32, #tpu.memory_space<vmem>> -> memref<1x128x128xf32, #tpu.memory_space<vmem>>
      %dma_start3A_49 = tpu.memref_squeeze %dma_start3A_48 : memref<1x128x128xf32, #tpu.memory_space<vmem>> -> memref<128x128xf32, #tpu.memory_space<vmem>>
      %dma_start3A_50 = arith.constant 0 : i32
      %dma_start3A_51 = arith.constant 0 : i32
      %dma_start3A_52 = tpu.memref_slice %dma_start3A_49[%dma_start3A_50, %dma_start3A_51] : memref<128x128xf32, #tpu.memory_space<vmem>> -> memref<120x128xf32, #tpu.memory_space<vmem>>
      %dma_start3A_53 = arith.constant 0 : i32
      %dma_start3A_54 = tpu.memref_slice %arg11[%add3A_24, %dma_start3A_53] : memref<10112x128xf32, #tpu.memory_space<vmem_shared>> -> memref<120x128xf32, #tpu.memory_space<vmem_shared>>
      %dma_start3A_55 = arith.constant 0 : i32
      %dma_start3A_56 = tpu.memref_slice %arg11[%add3A_24, %dma_start3A_55] : memref<10112x128xf32, #tpu.memory_space<vmem_shared>> -> memref<120x128xf32, #tpu.memory_space<vmem_shared>>
      %dma_start3A_57 = arith.constant 0 : i32
      %dma_start3A_58 = arith.constant 0 : i32
      %dma_start3A_59 = tpu.memref_slice %arg10[%run_scoped3A_25, %dma_start3A_57, %dma_start3A_58] : memref<2x128x128xf32, #tpu.memory_space<vmem>> -> memref<1x128x128xf32, #tpu.memory_space<vmem>>
      %dma_start3A_60 = tpu.memref_squeeze %dma_start3A_59 : memref<1x128x128xf32, #tpu.memory_space<vmem>> -> memref<128x128xf32, #tpu.memory_space<vmem>>
      %dma_start3A_61 = arith.constant 0 : i32
      %dma_start3A_62 = arith.constant 0 : i32
      %dma_start3A_63 = tpu.memref_slice %dma_start3A_60[%dma_start3A_61, %dma_start3A_62] : memref<128x128xf32, #tpu.memory_space<vmem>> -> memref<120x128xf32, #tpu.memory_space<vmem>>
      tpu.enqueue_dma source(%dma_start3A_63 : memref<120x128xf32, #tpu.memory_space<vmem>>) target(%dma_start3A_56 : memref<120x128xf32, #tpu.memory_space<vmem_shared>>) target_semaphore(%run_scoped3A_46 : memref<!tpu.dma_semaphore, #tpu.memory_space<semaphore_mem>>)
      %dma_wait3A = arith.constant 0 : i32
      %dma_wait3A_64 = arith.constant 0 : i32
      %dma_wait3A_65 = tpu.memref_slice %arg10[%run_scoped3A_25, %dma_wait3A, %dma_wait3A_64] : memref<2x128x128xf32, #tpu.memory_space<vmem>> -> memref<1x128x128xf32, #tpu.memory_space<vmem>>
      %dma_wait3A_66 = tpu.memref_squeeze %dma_wait3A_65 : memref<1x128x128xf32, #tpu.memory_space<vmem>> -> memref<128x128xf32, #tpu.memory_space<vmem>>
      %dma_wait3A_67 = arith.constant 0 : i32
      %dma_wait3A_68 = arith.constant 0 : i32
      %dma_wait3A_69 = tpu.memref_slice %dma_wait3A_66[%dma_wait3A_67, %dma_wait3A_68] : memref<128x128xf32, #tpu.memory_space<vmem>> -> memref<120x128xf32, #tpu.memory_space<vmem>>
      %dma_wait3A_70 = arith.constant 0 : i32
      %dma_wait3A_71 = tpu.memref_slice %arg11[%add3A_24, %dma_wait3A_70] : memref<10112x128xf32, #tpu.memory_space<vmem_shared>> -> memref<120x128xf32, #tpu.memory_space<vmem_shared>>
      %dma_wait3A_72 = arith.constant 0 : i32
      %dma_wait3A_73 = tpu.memref_slice %arg11[%add3A_24, %dma_wait3A_72] : memref<10112x128xf32, #tpu.memory_space<vmem_shared>> -> memref<120x128xf32, #tpu.memory_space<vmem_shared>>
      %dma_wait3A_74 = arith.constant 0 : i32
      %dma_wait3A_75 = arith.constant 0 : i32
      %dma_wait3A_76 = tpu.memref_slice %arg10[%run_scoped3A_25, %dma_wait3A_74, %dma_wait3A_75] : memref<2x128x128xf32, #tpu.memory_space<vmem>> -> memref<1x128x128xf32, #tpu.memory_space<vmem>>
      %dma_wait3A_77 = tpu.memref_squeeze %dma_wait3A_76 : memref<1x128x128xf32, #tpu.memory_space<vmem>> -> memref<128x128xf32, #tpu.memory_space<vmem>>
      %dma_wait3A_78 = arith.constant 0 : i32
      %dma_wait3A_79 = arith.constant 0 : i32
      %dma_wait3A_80 = tpu.memref_slice %dma_wait3A_77[%dma_wait3A_78, %dma_wait3A_79] : memref<128x128xf32, #tpu.memory_space<vmem>> -> memref<120x128xf32, #tpu.memory_space<vmem>>
      tpu.wait_dma2 semaphore(%run_scoped3A_46 : memref<!tpu.dma_semaphore, #tpu.memory_space<semaphore_mem>>) src(%dma_wait3A_80 : memref<120x128xf32, #tpu.memory_space<vmem>>) dst(%dma_wait3A_73 : memref<120x128xf32, #tpu.memory_space<vmem_shared>>)
      tpu.yield
    }) : () -> ()
    %barrier3A = arith.constant 0 : index
    tpu.barrier barrier_id(%barrier3A)
    "tpu.region"() ({
      %run_scoped3A_46 = tpu.sem_alloc : memref<!tpu.dma_semaphore, #tpu.memory_space<semaphore_mem>>
      %dma_start3A = arith.constant 0 : i32
      %dma_start3A_47 = arith.constant 0 : i32
      %dma_start3A_48 = tpu.memref_slice %arg3[%add3A, %dma_start3A, %dma_start3A_47] : memref<32x40x128xi32, #tpu.memory_space<hbm>> -> memref<1x40x128xi32, #tpu.memory_space<hbm>>
      %dma_start3A_49 = tpu.memref_squeeze %dma_start3A_48 : memref<1x40x128xi32, #tpu.memory_space<hbm>> -> memref<40x128xi32, #tpu.memory_space<hbm>>
      %dma_start3A_50 = arith.constant 0 : i32
      %dma_start3A_51 = arith.constant 0 : i32
      %dma_start3A_52 = tpu.memref_slice %arg3[%add3A, %dma_start3A_50, %dma_start3A_51] : memref<32x40x128xi32, #tpu.memory_space<hbm>> -> memref<1x40x128xi32, #tpu.memory_space<hbm>>
      %dma_start3A_53 = tpu.memref_squeeze %dma_start3A_52 : memref<1x40x128xi32, #tpu.memory_space<hbm>> -> memref<40x128xi32, #tpu.memory_space<hbm>>
      tpu.enqueue_dma source(%dma_start3A_53 : memref<40x128xi32, #tpu.memory_space<hbm>>) target(%arg8 : memref<40x128xi32, #tpu.memory_space<vmem>>) target_semaphore(%run_scoped3A_46 : memref<!tpu.dma_semaphore, #tpu.memory_space<semaphore_mem>>)
      %dma_wait3A = arith.constant 0 : i32
      %dma_wait3A_54 = arith.constant 0 : i32
      %dma_wait3A_55 = tpu.memref_slice %arg3[%add3A, %dma_wait3A, %dma_wait3A_54] : memref<32x40x128xi32, #tpu.memory_space<hbm>> -> memref<1x40x128xi32, #tpu.memory_space<hbm>>
      %dma_wait3A_56 = tpu.memref_squeeze %dma_wait3A_55 : memref<1x40x128xi32, #tpu.memory_space<hbm>> -> memref<40x128xi32, #tpu.memory_space<hbm>>
      %dma_wait3A_57 = arith.constant 0 : i32
      %dma_wait3A_58 = arith.constant 0 : i32
      %dma_wait3A_59 = tpu.memref_slice %arg3[%add3A, %dma_wait3A_57, %dma_wait3A_58] : memref<32x40x128xi32, #tpu.memory_space<hbm>> -> memref<1x40x128xi32, #tpu.memory_space<hbm>>
      %dma_wait3A_60 = tpu.memref_squeeze %dma_wait3A_59 : memref<1x40x128xi32, #tpu.memory_space<hbm>> -> memref<40x128xi32, #tpu.memory_space<hbm>>
      tpu.wait_dma2 semaphore(%run_scoped3A_46 : memref<!tpu.dma_semaphore, #tpu.memory_space<semaphore_mem>>) src(%dma_wait3A_60 : memref<40x128xi32, #tpu.memory_space<hbm>>) dst(%arg8 : memref<40x128xi32, #tpu.memory_space<vmem>>)
      tpu.yield
    }) : () -> ()
    %scan3A = arith.constant 0 : i32
    %scan3A_26 = arith.constant 0 : i32
    %scan3A_27 = arith.constant 1 : i32
    %scan3A_28 = arith.constant 0 : i32
    %scan3A_29 = arith.constant 20 : i32
    %scan3A_30 = arith.addi %scan3A_28, %scan3A_29 : i32
    %scan3A_31 = arith.constant 1 : i32
    scf.for %scan3A_46 = %scan3A_28 to %scan3A_30 step %scan3A_31  : i32 {
      %mul3A_47 = arith.constant 2 : i32
      %mul3A_48 = arith.muli %mul3A_47, %scan3A_46 : i32
      %mul3A_49 = arith.constant 2 : i32
      %mul3A_50 = arith.muli %mul3A_49, %scan3A_46 : i32
      %add3A_51 = arith.constant 0 : i32
      %add3A_52 = arith.addi %add3A_51, %mul3A_50 : i32
      %dma_start3A = arith.constant 0 : i32
      %dma_start3A_53 = arith.constant 0 : i32
      %dma_start3A_54 = tpu.memref_slice %arg10[%scan3A_26, %dma_start3A, %dma_start3A_53] : memref<2x128x128xf32, #tpu.memory_space<vmem>> -> memref<1x128x128xf32, #tpu.memory_space<vmem>>
      %dma_start3A_55 = tpu.memref_squeeze %dma_start3A_54 : memref<1x128x128xf32, #tpu.memory_space<vmem>> -> memref<128x128xf32, #tpu.memory_space<vmem>>
      %dma_start3A_56 = arith.constant 0 : i32
      %dma_start3A_57 = tpu.memref_slice %arg8[%mul3A_48, %dma_start3A_56] : memref<40x128xi32, #tpu.memory_space<vmem>> -> memref<1x128xi32, #tpu.memory_space<vmem>>
      %dma_start3A_58 = tpu.memref_squeeze %dma_start3A_57 : memref<1x128xi32, #tpu.memory_space<vmem>> -> memref<128xi32, #tpu.memory_space<vmem>>
      %dma_start3A_59 = arith.constant 0 : i32
      %dma_start3A_60 = arith.constant 0 : i32
      %dma_start3A_61 = tpu.memref_slice %arg2[%dma_start3A_59, %dma_start3A_60] : memref<10000x128xf32, #tpu.memory_space<hbm>> -> memref<10000x128xf32, #tpu.memory_space<hbm>>
      tpu.enqueue_indirect_dma source(%dma_start3A_61 : memref<10000x128xf32, #tpu.memory_space<hbm>>) target(%dma_start3A_55 : memref<128x128xf32, #tpu.memory_space<vmem>>) offsets(%dma_start3A_58 : memref<128xi32, #tpu.memory_space<vmem>>) semaphore(%arg12 : memref<!tpu.dma_semaphore, #tpu.memory_space<semaphore_mem>>)
      %dma_wait3A = arith.constant 0 : i32
      %dma_wait3A_62 = arith.constant 0 : i32
      %dma_wait3A_63 = tpu.memref_slice %arg10[%scan3A_26, %dma_wait3A, %dma_wait3A_62] : memref<2x128x128xf32, #tpu.memory_space<vmem>> -> memref<1x128x128xf32, #tpu.memory_space<vmem>>
      %dma_wait3A_64 = tpu.memref_squeeze %dma_wait3A_63 : memref<1x128x128xf32, #tpu.memory_space<vmem>> -> memref<128x128xf32, #tpu.memory_space<vmem>>
      %dma_wait3A_65 = arith.constant 0 : i32
      %dma_wait3A_66 = tpu.memref_slice %arg8[%mul3A_48, %dma_wait3A_65] : memref<40x128xi32, #tpu.memory_space<vmem>> -> memref<1x128xi32, #tpu.memory_space<vmem>>
      %dma_wait3A_67 = tpu.memref_squeeze %dma_wait3A_66 : memref<1x128xi32, #tpu.memory_space<vmem>> -> memref<128xi32, #tpu.memory_space<vmem>>
      %dma_wait3A_68 = arith.constant 0 : i32
      %dma_wait3A_69 = arith.constant 0 : i32
      %dma_wait3A_70 = tpu.memref_slice %arg2[%dma_wait3A_68, %dma_wait3A_69] : memref<10000x128xf32, #tpu.memory_space<hbm>> -> memref<10000x128xf32, #tpu.memory_space<hbm>>
      tpu.wait_indirect_dma semaphore(%arg12 : memref<!tpu.dma_semaphore, #tpu.memory_space<semaphore_mem>>) src(%dma_wait3A_70 : memref<10000x128xf32, #tpu.memory_space<hbm>>) dst(%dma_wait3A_64 : memref<128x128xf32, #tpu.memory_space<vmem>>)
      "tpu.region"() ({
        %run_scoped3A_101 = tpu.sem_alloc : memref<!tpu.dma_semaphore, #tpu.memory_space<semaphore_mem>>
        %dma_start3A_102 = arith.constant 0 : i32
        %dma_start3A_103 = arith.constant 0 : i32
        %dma_start3A_104 = tpu.memref_slice %arg10[%scan3A_26, %dma_start3A_102, %dma_start3A_103] : memref<2x128x128xf32, #tpu.memory_space<vmem>> -> memref<1x128x128xf32, #tpu.memory_space<vmem>>
        %dma_start3A_105 = tpu.memref_squeeze %dma_start3A_104 : memref<1x128x128xf32, #tpu.memory_space<vmem>> -> memref<128x128xf32, #tpu.memory_space<vmem>>
        %dma_start3A_106 = arith.constant 0 : i32
        %dma_start3A_107 = tpu.memref_slice %arg9[%add3A_52, %dma_start3A_106] : memref<80x128xi32, #tpu.memory_space<vmem>> -> memref<1x128xi32, #tpu.memory_space<vmem>>
        %dma_start3A_108 = tpu.memref_squeeze %dma_start3A_107 : memref<1x128xi32, #tpu.memory_space<vmem>> -> memref<128xi32, #tpu.memory_space<vmem>>
        %dma_start3A_109 = arith.constant 0 : i32
        %dma_start3A_110 = arith.constant 0 : i32
        %dma_start3A_111 = tpu.memref_slice %arg11[%dma_start3A_109, %dma_start3A_110] : memref<10112x128xf32, #tpu.memory_space<vmem_shared>> -> memref<10112x128xf32, #tpu.memory_space<vmem_shared>>
        tpu.enqueue_indirect_dma source(%dma_start3A_105 : memref<128x128xf32, #tpu.memory_space<vmem>>) target(%dma_start3A_111 : memref<10112x128xf32, #tpu.memory_space<vmem_shared>>) offsets(%dma_start3A_108 : memref<128xi32, #tpu.memory_space<vmem>>) semaphore(%run_scoped3A_101 : memref<!tpu.dma_semaphore, #tpu.memory_space<semaphore_mem>>) {add = true}
        %dma_wait3A_112 = arith.constant 0 : i32
        %dma_wait3A_113 = arith.constant 0 : i32
        %dma_wait3A_114 = tpu.memref_slice %arg10[%scan3A_26, %dma_wait3A_112, %dma_wait3A_113] : memref<2x128x128xf32, #tpu.memory_space<vmem>> -> memref<1x128x128xf32, #tpu.memory_space<vmem>>
        %dma_wait3A_115 = tpu.memref_squeeze %dma_wait3A_114 : memref<1x128x128xf32, #tpu.memory_space<vmem>> -> memref<128x128xf32, #tpu.memory_space<vmem>>
        %dma_wait3A_116 = arith.constant 0 : i32
        %dma_wait3A_117 = tpu.memref_slice %arg9[%add3A_52, %dma_wait3A_116] : memref<80x128xi32, #tpu.memory_space<vmem>> -> memref<1x128xi32, #tpu.memory_space<vmem>>
        %dma_wait3A_118 = tpu.memref_squeeze %dma_wait3A_117 : memref<1x128xi32, #tpu.memory_space<vmem>> -> memref<128xi32, #tpu.memory_space<vmem>>
        %dma_wait3A_119 = arith.constant 0 : i32
        %dma_wait3A_120 = arith.constant 0 : i32
        %dma_wait3A_121 = tpu.memref_slice %arg11[%dma_wait3A_119, %dma_wait3A_120] : memref<10112x128xf32, #tpu.memory_space<vmem_shared>> -> memref<10112x128xf32, #tpu.memory_space<vmem_shared>>
        tpu.wait_indirect_dma semaphore(%run_scoped3A_101 : memref<!tpu.dma_semaphore, #tpu.memory_space<semaphore_mem>>) src(%dma_wait3A_115 : memref<128x128xf32, #tpu.memory_space<vmem>>) dst(%dma_wait3A_121 : memref<10112x128xf32, #tpu.memory_space<vmem_shared>>)
        tpu.yield
      }) : () -> ()
      %mul3A_71 = arith.constant 2 : i32
      %mul3A_72 = arith.muli %mul3A_71, %scan3A_46 : i32
      %add3A_73 = arith.constant 1 : i32
      %add3A_74 = arith.addi %mul3A_72, %add3A_73 : i32
      %mul3A_75 = arith.constant 2 : i32
      %mul3A_76 = arith.muli %mul3A_75, %scan3A_46 : i32
      %add3A_77 = arith.constant 0 : i32
      %add3A_78 = arith.addi %add3A_77, %mul3A_76 : i32
      %add3A_79 = arith.constant 1 : i32
      %add3A_80 = arith.addi %add3A_78, %add3A_79 : i32
      %dma_start3A_81 = arith.constant 0 : i32
      %dma_start3A_82 = arith.constant 0 : i32
      %dma_start3A_83 = tpu.memref_slice %arg10[%scan3A_27, %dma_start3A_81, %dma_start3A_82] : memref<2x128x128xf32, #tpu.memory_space<vmem>> -> memref<1x128x128xf32, #tpu.memory_space<vmem>>
      %dma_start3A_84 = tpu.memref_squeeze %dma_start3A_83 : memref<1x128x128xf32, #tpu.memory_space<vmem>> -> memref<128x128xf32, #tpu.memory_space<vmem>>
      %dma_start3A_85 = arith.constant 0 : i32
      %dma_start3A_86 = tpu.memref_slice %arg8[%add3A_74, %dma_start3A_85] : memref<40x128xi32, #tpu.memory_space<vmem>> -> memref<1x128xi32, #tpu.memory_space<vmem>>
      %dma_start3A_87 = tpu.memref_squeeze %dma_start3A_86 : memref<1x128xi32, #tpu.memory_space<vmem>> -> memref<128xi32, #tpu.memory_space<vmem>>
      %dma_start3A_88 = arith.constant 0 : i32
      %dma_start3A_89 = arith.constant 0 : i32
      %dma_start3A_90 = tpu.memref_slice %arg2[%dma_start3A_88, %dma_start3A_89] : memref<10000x128xf32, #tpu.memory_space<hbm>> -> memref<10000x128xf32, #tpu.memory_space<hbm>>
      tpu.enqueue_indirect_dma source(%dma_start3A_90 : memref<10000x128xf32, #tpu.memory_space<hbm>>) target(%dma_start3A_84 : memref<128x128xf32, #tpu.memory_space<vmem>>) offsets(%dma_start3A_87 : memref<128xi32, #tpu.memory_space<vmem>>) semaphore(%arg12 : memref<!tpu.dma_semaphore, #tpu.memory_space<semaphore_mem>>)
      %dma_wait3A_91 = arith.constant 0 : i32
      %dma_wait3A_92 = arith.constant 0 : i32
      %dma_wait3A_93 = tpu.memref_slice %arg10[%scan3A_27, %dma_wait3A_91, %dma_wait3A_92] : memref<2x128x128xf32, #tpu.memory_space<vmem>> -> memref<1x128x128xf32, #tpu.memory_space<vmem>>
      %dma_wait3A_94 = tpu.memref_squeeze %dma_wait3A_93 : memref<1x128x128xf32, #tpu.memory_space<vmem>> -> memref<128x128xf32, #tpu.memory_space<vmem>>
      %dma_wait3A_95 = arith.constant 0 : i32
      %dma_wait3A_96 = tpu.memref_slice %arg8[%add3A_74, %dma_wait3A_95] : memref<40x128xi32, #tpu.memory_space<vmem>> -> memref<1x128xi32, #tpu.memory_space<vmem>>
      %dma_wait3A_97 = tpu.memref_squeeze %dma_wait3A_96 : memref<1x128xi32, #tpu.memory_space<vmem>> -> memref<128xi32, #tpu.memory_space<vmem>>
      %dma_wait3A_98 = arith.constant 0 : i32
      %dma_wait3A_99 = arith.constant 0 : i32
      %dma_wait3A_100 = tpu.memref_slice %arg2[%dma_wait3A_98, %dma_wait3A_99] : memref<10000x128xf32, #tpu.memory_space<hbm>> -> memref<10000x128xf32, #tpu.memory_space<hbm>>
      tpu.wait_indirect_dma semaphore(%arg12 : memref<!tpu.dma_semaphore, #tpu.memory_space<semaphore_mem>>) src(%dma_wait3A_100 : memref<10000x128xf32, #tpu.memory_space<hbm>>) dst(%dma_wait3A_94 : memref<128x128xf32, #tpu.memory_space<vmem>>)
      "tpu.region"() ({
        %run_scoped3A_101 = tpu.sem_alloc : memref<!tpu.dma_semaphore, #tpu.memory_space<semaphore_mem>>
        %dma_start3A_102 = arith.constant 0 : i32
        %dma_start3A_103 = arith.constant 0 : i32
        %dma_start3A_104 = tpu.memref_slice %arg10[%scan3A_27, %dma_start3A_102, %dma_start3A_103] : memref<2x128x128xf32, #tpu.memory_space<vmem>> -> memref<1x128x128xf32, #tpu.memory_space<vmem>>
        %dma_start3A_105 = tpu.memref_squeeze %dma_start3A_104 : memref<1x128x128xf32, #tpu.memory_space<vmem>> -> memref<128x128xf32, #tpu.memory_space<vmem>>
        %dma_start3A_106 = arith.constant 0 : i32
        %dma_start3A_107 = tpu.memref_slice %arg9[%add3A_80, %dma_start3A_106] : memref<80x128xi32, #tpu.memory_space<vmem>> -> memref<1x128xi32, #tpu.memory_space<vmem>>
        %dma_start3A_108 = tpu.memref_squeeze %dma_start3A_107 : memref<1x128xi32, #tpu.memory_space<vmem>> -> memref<128xi32, #tpu.memory_space<vmem>>
        %dma_start3A_109 = arith.constant 0 : i32
        %dma_start3A_110 = arith.constant 0 : i32
        %dma_start3A_111 = tpu.memref_slice %arg11[%dma_start3A_109, %dma_start3A_110] : memref<10112x128xf32, #tpu.memory_space<vmem_shared>> -> memref<10112x128xf32, #tpu.memory_space<vmem_shared>>
        tpu.enqueue_indirect_dma source(%dma_start3A_105 : memref<128x128xf32, #tpu.memory_space<vmem>>) target(%dma_start3A_111 : memref<10112x128xf32, #tpu.memory_space<vmem_shared>>) offsets(%dma_start3A_108 : memref<128xi32, #tpu.memory_space<vmem>>) semaphore(%run_scoped3A_101 : memref<!tpu.dma_semaphore, #tpu.memory_space<semaphore_mem>>) {add = true}
        %dma_wait3A_112 = arith.constant 0 : i32
        %dma_wait3A_113 = arith.constant 0 : i32
        %dma_wait3A_114 = tpu.memref_slice %arg10[%scan3A_27, %dma_wait3A_112, %dma_wait3A_113] : memref<2x128x128xf32, #tpu.memory_space<vmem>> -> memref<1x128x128xf32, #tpu.memory_space<vmem>>
        %dma_wait3A_115 = tpu.memref_squeeze %dma_wait3A_114 : memref<1x128x128xf32, #tpu.memory_space<vmem>> -> memref<128x128xf32, #tpu.memory_space<vmem>>
        %dma_wait3A_116 = arith.constant 0 : i32
        %dma_wait3A_117 = tpu.memref_slice %arg9[%add3A_80, %dma_wait3A_116] : memref<80x128xi32, #tpu.memory_space<vmem>> -> memref<1x128xi32, #tpu.memory_space<vmem>>
        %dma_wait3A_118 = tpu.memref_squeeze %dma_wait3A_117 : memref<1x128xi32, #tpu.memory_space<vmem>> -> memref<128xi32, #tpu.memory_space<vmem>>
        %dma_wait3A_119 = arith.constant 0 : i32
        %dma_wait3A_120 = arith.constant 0 : i32
        %dma_wait3A_121 = tpu.memref_slice %arg11[%dma_wait3A_119, %dma_wait3A_120] : memref<10112x128xf32, #tpu.memory_space<vmem_shared>> -> memref<10112x128xf32, #tpu.memory_space<vmem_shared>>
        tpu.wait_indirect_dma semaphore(%run_scoped3A_101 : memref<!tpu.dma_semaphore, #tpu.memory_space<semaphore_mem>>) src(%dma_wait3A_115 : memref<128x128xf32, #tpu.memory_space<vmem>>) dst(%dma_wait3A_121 : memref<10112x128xf32, #tpu.memory_space<vmem_shared>>)
        tpu.yield
      }) : () -> ()
    }
    %scan3A_32 = arith.constant 20 : i32
    "tpu.region"() ({
      %run_scoped3A_46 = tpu.sem_alloc : memref<!tpu.dma_semaphore, #tpu.memory_space<semaphore_mem>>
      %dma_start3A = arith.constant 0 : i32
      %dma_start3A_47 = arith.constant 0 : i32
      %dma_start3A_48 = tpu.memref_slice %arg4[%add3A, %dma_start3A, %dma_start3A_47] : memref<32x40x128xi32, #tpu.memory_space<hbm>> -> memref<1x40x128xi32, #tpu.memory_space<hbm>>
      %dma_start3A_49 = tpu.memref_squeeze %dma_start3A_48 : memref<1x40x128xi32, #tpu.memory_space<hbm>> -> memref<40x128xi32, #tpu.memory_space<hbm>>
      %dma_start3A_50 = arith.constant 0 : i32
      %dma_start3A_51 = arith.constant 0 : i32
      %dma_start3A_52 = tpu.memref_slice %arg4[%add3A, %dma_start3A_50, %dma_start3A_51] : memref<32x40x128xi32, #tpu.memory_space<hbm>> -> memref<1x40x128xi32, #tpu.memory_space<hbm>>
      %dma_start3A_53 = tpu.memref_squeeze %dma_start3A_52 : memref<1x40x128xi32, #tpu.memory_space<hbm>> -> memref<40x128xi32, #tpu.memory_space<hbm>>
      tpu.enqueue_dma source(%dma_start3A_53 : memref<40x128xi32, #tpu.memory_space<hbm>>) target(%arg8 : memref<40x128xi32, #tpu.memory_space<vmem>>) target_semaphore(%run_scoped3A_46 : memref<!tpu.dma_semaphore, #tpu.memory_space<semaphore_mem>>)
      %dma_wait3A = arith.constant 0 : i32
      %dma_wait3A_54 = arith.constant 0 : i32
      %dma_wait3A_55 = tpu.memref_slice %arg4[%add3A, %dma_wait3A, %dma_wait3A_54] : memref<32x40x128xi32, #tpu.memory_space<hbm>> -> memref<1x40x128xi32, #tpu.memory_space<hbm>>
      %dma_wait3A_56 = tpu.memref_squeeze %dma_wait3A_55 : memref<1x40x128xi32, #tpu.memory_space<hbm>> -> memref<40x128xi32, #tpu.memory_space<hbm>>
      %dma_wait3A_57 = arith.constant 0 : i32
      %dma_wait3A_58 = arith.constant 0 : i32
      %dma_wait3A_59 = tpu.memref_slice %arg4[%add3A, %dma_wait3A_57, %dma_wait3A_58] : memref<32x40x128xi32, #tpu.memory_space<hbm>> -> memref<1x40x128xi32, #tpu.memory_space<hbm>>
      %dma_wait3A_60 = tpu.memref_squeeze %dma_wait3A_59 : memref<1x40x128xi32, #tpu.memory_space<hbm>> -> memref<40x128xi32, #tpu.memory_space<hbm>>
      tpu.wait_dma2 semaphore(%run_scoped3A_46 : memref<!tpu.dma_semaphore, #tpu.memory_space<semaphore_mem>>) src(%dma_wait3A_60 : memref<40x128xi32, #tpu.memory_space<hbm>>) dst(%arg8 : memref<40x128xi32, #tpu.memory_space<vmem>>)
      tpu.yield
    }) : () -> ()
    %scan3A_33 = arith.constant 0 : i32
    %scan3A_34 = arith.constant 0 : i32
    %scan3A_35 = arith.constant 1 : i32
    %scan3A_36 = arith.constant 0 : i32
    %scan3A_37 = arith.constant 20 : i32
    %scan3A_38 = arith.addi %scan3A_36, %scan3A_37 : i32
    %scan3A_39 = arith.constant 1 : i32
    scf.for %scan3A_46 = %scan3A_36 to %scan3A_38 step %scan3A_39  : i32 {
      %mul3A_47 = arith.constant 2 : i32
      %mul3A_48 = arith.muli %mul3A_47, %scan3A_46 : i32
      %mul3A_49 = arith.constant 2 : i32
      %mul3A_50 = arith.muli %mul3A_49, %scan3A_46 : i32
      %add3A_51 = arith.constant 40 : i32
      %add3A_52 = arith.addi %add3A_51, %mul3A_50 : i32
      %dma_start3A = arith.constant 0 : i32
      %dma_start3A_53 = arith.constant 0 : i32
      %dma_start3A_54 = tpu.memref_slice %arg10[%scan3A_34, %dma_start3A, %dma_start3A_53] : memref<2x128x128xf32, #tpu.memory_space<vmem>> -> memref<1x128x128xf32, #tpu.memory_space<vmem>>
      %dma_start3A_55 = tpu.memref_squeeze %dma_start3A_54 : memref<1x128x128xf32, #tpu.memory_space<vmem>> -> memref<128x128xf32, #tpu.memory_space<vmem>>
      %dma_start3A_56 = arith.constant 0 : i32
      %dma_start3A_57 = tpu.memref_slice %arg8[%mul3A_48, %dma_start3A_56] : memref<40x128xi32, #tpu.memory_space<vmem>> -> memref<1x128xi32, #tpu.memory_space<vmem>>
      %dma_start3A_58 = tpu.memref_squeeze %dma_start3A_57 : memref<1x128xi32, #tpu.memory_space<vmem>> -> memref<128xi32, #tpu.memory_space<vmem>>
      %dma_start3A_59 = arith.constant 0 : i32
      %dma_start3A_60 = arith.constant 0 : i32
      %dma_start3A_61 = tpu.memref_slice %arg2[%dma_start3A_59, %dma_start3A_60] : memref<10000x128xf32, #tpu.memory_space<hbm>> -> memref<10000x128xf32, #tpu.memory_space<hbm>>
      tpu.enqueue_indirect_dma source(%dma_start3A_61 : memref<10000x128xf32, #tpu.memory_space<hbm>>) target(%dma_start3A_55 : memref<128x128xf32, #tpu.memory_space<vmem>>) offsets(%dma_start3A_58 : memref<128xi32, #tpu.memory_space<vmem>>) semaphore(%arg12 : memref<!tpu.dma_semaphore, #tpu.memory_space<semaphore_mem>>)
      %dma_wait3A = arith.constant 0 : i32
      %dma_wait3A_62 = arith.constant 0 : i32
      %dma_wait3A_63 = tpu.memref_slice %arg10[%scan3A_34, %dma_wait3A, %dma_wait3A_62] : memref<2x128x128xf32, #tpu.memory_space<vmem>> -> memref<1x128x128xf32, #tpu.memory_space<vmem>>
      %dma_wait3A_64 = tpu.memref_squeeze %dma_wait3A_63 : memref<1x128x128xf32, #tpu.memory_space<vmem>> -> memref<128x128xf32, #tpu.memory_space<vmem>>
      %dma_wait3A_65 = arith.constant 0 : i32
      %dma_wait3A_66 = tpu.memref_slice %arg8[%mul3A_48, %dma_wait3A_65] : memref<40x128xi32, #tpu.memory_space<vmem>> -> memref<1x128xi32, #tpu.memory_space<vmem>>
      %dma_wait3A_67 = tpu.memref_squeeze %dma_wait3A_66 : memref<1x128xi32, #tpu.memory_space<vmem>> -> memref<128xi32, #tpu.memory_space<vmem>>
      %dma_wait3A_68 = arith.constant 0 : i32
      %dma_wait3A_69 = arith.constant 0 : i32
      %dma_wait3A_70 = tpu.memref_slice %arg2[%dma_wait3A_68, %dma_wait3A_69] : memref<10000x128xf32, #tpu.memory_space<hbm>> -> memref<10000x128xf32, #tpu.memory_space<hbm>>
      tpu.wait_indirect_dma semaphore(%arg12 : memref<!tpu.dma_semaphore, #tpu.memory_space<semaphore_mem>>) src(%dma_wait3A_70 : memref<10000x128xf32, #tpu.memory_space<hbm>>) dst(%dma_wait3A_64 : memref<128x128xf32, #tpu.memory_space<vmem>>)
      "tpu.region"() ({
        %run_scoped3A_101 = tpu.sem_alloc : memref<!tpu.dma_semaphore, #tpu.memory_space<semaphore_mem>>
        %dma_start3A_102 = arith.constant 0 : i32
        %dma_start3A_103 = arith.constant 0 : i32
        %dma_start3A_104 = tpu.memref_slice %arg10[%scan3A_34, %dma_start3A_102, %dma_start3A_103] : memref<2x128x128xf32, #tpu.memory_space<vmem>> -> memref<1x128x128xf32, #tpu.memory_space<vmem>>
        %dma_start3A_105 = tpu.memref_squeeze %dma_start3A_104 : memref<1x128x128xf32, #tpu.memory_space<vmem>> -> memref<128x128xf32, #tpu.memory_space<vmem>>
        %dma_start3A_106 = arith.constant 0 : i32
        %dma_start3A_107 = tpu.memref_slice %arg9[%add3A_52, %dma_start3A_106] : memref<80x128xi32, #tpu.memory_space<vmem>> -> memref<1x128xi32, #tpu.memory_space<vmem>>
        %dma_start3A_108 = tpu.memref_squeeze %dma_start3A_107 : memref<1x128xi32, #tpu.memory_space<vmem>> -> memref<128xi32, #tpu.memory_space<vmem>>
        %dma_start3A_109 = arith.constant 0 : i32
        %dma_start3A_110 = arith.constant 0 : i32
        %dma_start3A_111 = tpu.memref_slice %arg11[%dma_start3A_109, %dma_start3A_110] : memref<10112x128xf32, #tpu.memory_space<vmem_shared>> -> memref<10112x128xf32, #tpu.memory_space<vmem_shared>>
        tpu.enqueue_indirect_dma source(%dma_start3A_105 : memref<128x128xf32, #tpu.memory_space<vmem>>) target(%dma_start3A_111 : memref<10112x128xf32, #tpu.memory_space<vmem_shared>>) offsets(%dma_start3A_108 : memref<128xi32, #tpu.memory_space<vmem>>) semaphore(%run_scoped3A_101 : memref<!tpu.dma_semaphore, #tpu.memory_space<semaphore_mem>>) {add = true}
        %dma_wait3A_112 = arith.constant 0 : i32
        %dma_wait3A_113 = arith.constant 0 : i32
        %dma_wait3A_114 = tpu.memref_slice %arg10[%scan3A_34, %dma_wait3A_112, %dma_wait3A_113] : memref<2x128x128xf32, #tpu.memory_space<vmem>> -> memref<1x128x128xf32, #tpu.memory_space<vmem>>
        %dma_wait3A_115 = tpu.memref_squeeze %dma_wait3A_114 : memref<1x128x128xf32, #tpu.memory_space<vmem>> -> memref<128x128xf32, #tpu.memory_space<vmem>>
        %dma_wait3A_116 = arith.constant 0 : i32
        %dma_wait3A_117 = tpu.memref_slice %arg9[%add3A_52, %dma_wait3A_116] : memref<80x128xi32, #tpu.memory_space<vmem>> -> memref<1x128xi32, #tpu.memory_space<vmem>>
        %dma_wait3A_118 = tpu.memref_squeeze %dma_wait3A_117 : memref<1x128xi32, #tpu.memory_space<vmem>> -> memref<128xi32, #tpu.memory_space<vmem>>
        %dma_wait3A_119 = arith.constant 0 : i32
        %dma_wait3A_120 = arith.constant 0 : i32
        %dma_wait3A_121 = tpu.memref_slice %arg11[%dma_wait3A_119, %dma_wait3A_120] : memref<10112x128xf32, #tpu.memory_space<vmem_shared>> -> memref<10112x128xf32, #tpu.memory_space<vmem_shared>>
        tpu.wait_indirect_dma semaphore(%run_scoped3A_101 : memref<!tpu.dma_semaphore, #tpu.memory_space<semaphore_mem>>) src(%dma_wait3A_115 : memref<128x128xf32, #tpu.memory_space<vmem>>) dst(%dma_wait3A_121 : memref<10112x128xf32, #tpu.memory_space<vmem_shared>>)
        tpu.yield
      }) : () -> ()
      %mul3A_71 = arith.constant 2 : i32
      %mul3A_72 = arith.muli %mul3A_71, %scan3A_46 : i32
      %add3A_73 = arith.constant 1 : i32
      %add3A_74 = arith.addi %mul3A_72, %add3A_73 : i32
      %mul3A_75 = arith.constant 2 : i32
      %mul3A_76 = arith.muli %mul3A_75, %scan3A_46 : i32
      %add3A_77 = arith.constant 40 : i32
      %add3A_78 = arith.addi %add3A_77, %mul3A_76 : i32
      %add3A_79 = arith.constant 1 : i32
      %add3A_80 = arith.addi %add3A_78, %add3A_79 : i32
      %dma_start3A_81 = arith.constant 0 : i32
      %dma_start3A_82 = arith.constant 0 : i32
      %dma_start3A_83 = tpu.memref_slice %arg10[%scan3A_35, %dma_start3A_81, %dma_start3A_82] : memref<2x128x128xf32, #tpu.memory_space<vmem>> -> memref<1x128x128xf32, #tpu.memory_space<vmem>>
      %dma_start3A_84 = tpu.memref_squeeze %dma_start3A_83 : memref<1x128x128xf32, #tpu.memory_space<vmem>> -> memref<128x128xf32, #tpu.memory_space<vmem>>
      %dma_start3A_85 = arith.constant 0 : i32
      %dma_start3A_86 = tpu.memref_slice %arg8[%add3A_74, %dma_start3A_85] : memref<40x128xi32, #tpu.memory_space<vmem>> -> memref<1x128xi32, #tpu.memory_space<vmem>>
      %dma_start3A_87 = tpu.memref_squeeze %dma_start3A_86 : memref<1x128xi32, #tpu.memory_space<vmem>> -> memref<128xi32, #tpu.memory_space<vmem>>
      %dma_start3A_88 = arith.constant 0 : i32
      %dma_start3A_89 = arith.constant 0 : i32
      %dma_start3A_90 = tpu.memref_slice %arg2[%dma_start3A_88, %dma_start3A_89] : memref<10000x128xf32, #tpu.memory_space<hbm>> -> memref<10000x128xf32, #tpu.memory_space<hbm>>
      tpu.enqueue_indirect_dma source(%dma_start3A_90 : memref<10000x128xf32, #tpu.memory_space<hbm>>) target(%dma_start3A_84 : memref<128x128xf32, #tpu.memory_space<vmem>>) offsets(%dma_start3A_87 : memref<128xi32, #tpu.memory_space<vmem>>) semaphore(%arg12 : memref<!tpu.dma_semaphore, #tpu.memory_space<semaphore_mem>>)
      %dma_wait3A_91 = arith.constant 0 : i32
      %dma_wait3A_92 = arith.constant 0 : i32
      %dma_wait3A_93 = tpu.memref_slice %arg10[%scan3A_35, %dma_wait3A_91, %dma_wait3A_92] : memref<2x128x128xf32, #tpu.memory_space<vmem>> -> memref<1x128x128xf32, #tpu.memory_space<vmem>>
      %dma_wait3A_94 = tpu.memref_squeeze %dma_wait3A_93 : memref<1x128x128xf32, #tpu.memory_space<vmem>> -> memref<128x128xf32, #tpu.memory_space<vmem>>
      %dma_wait3A_95 = arith.constant 0 : i32
      %dma_wait3A_96 = tpu.memref_slice %arg8[%add3A_74, %dma_wait3A_95] : memref<40x128xi32, #tpu.memory_space<vmem>> -> memref<1x128xi32, #tpu.memory_space<vmem>>
      %dma_wait3A_97 = tpu.memref_squeeze %dma_wait3A_96 : memref<1x128xi32, #tpu.memory_space<vmem>> -> memref<128xi32, #tpu.memory_space<vmem>>
      %dma_wait3A_98 = arith.constant 0 : i32
      %dma_wait3A_99 = arith.constant 0 : i32
      %dma_wait3A_100 = tpu.memref_slice %arg2[%dma_wait3A_98, %dma_wait3A_99] : memref<10000x128xf32, #tpu.memory_space<hbm>> -> memref<10000x128xf32, #tpu.memory_space<hbm>>
      tpu.wait_indirect_dma semaphore(%arg12 : memref<!tpu.dma_semaphore, #tpu.memory_space<semaphore_mem>>) src(%dma_wait3A_100 : memref<10000x128xf32, #tpu.memory_space<hbm>>) dst(%dma_wait3A_94 : memref<128x128xf32, #tpu.memory_space<vmem>>)
      "tpu.region"() ({
        %run_scoped3A_101 = tpu.sem_alloc : memref<!tpu.dma_semaphore, #tpu.memory_space<semaphore_mem>>
        %dma_start3A_102 = arith.constant 0 : i32
        %dma_start3A_103 = arith.constant 0 : i32
        %dma_start3A_104 = tpu.memref_slice %arg10[%scan3A_35, %dma_start3A_102, %dma_start3A_103] : memref<2x128x128xf32, #tpu.memory_space<vmem>> -> memref<1x128x128xf32, #tpu.memory_space<vmem>>
        %dma_start3A_105 = tpu.memref_squeeze %dma_start3A_104 : memref<1x128x128xf32, #tpu.memory_space<vmem>> -> memref<128x128xf32, #tpu.memory_space<vmem>>
        %dma_start3A_106 = arith.constant 0 : i32
        %dma_start3A_107 = tpu.memref_slice %arg9[%add3A_80, %dma_start3A_106] : memref<80x128xi32, #tpu.memory_space<vmem>> -> memref<1x128xi32, #tpu.memory_space<vmem>>
        %dma_start3A_108 = tpu.memref_squeeze %dma_start3A_107 : memref<1x128xi32, #tpu.memory_space<vmem>> -> memref<128xi32, #tpu.memory_space<vmem>>
        %dma_start3A_109 = arith.constant 0 : i32
        %dma_start3A_110 = arith.constant 0 : i32
        %dma_start3A_111 = tpu.memref_slice %arg11[%dma_start3A_109, %dma_start3A_110] : memref<10112x128xf32, #tpu.memory_space<vmem_shared>> -> memref<10112x128xf32, #tpu.memory_space<vmem_shared>>
        tpu.enqueue_indirect_dma source(%dma_start3A_105 : memref<128x128xf32, #tpu.memory_space<vmem>>) target(%dma_start3A_111 : memref<10112x128xf32, #tpu.memory_space<vmem_shared>>) offsets(%dma_start3A_108 : memref<128xi32, #tpu.memory_space<vmem>>) semaphore(%run_scoped3A_101 : memref<!tpu.dma_semaphore, #tpu.memory_space<semaphore_mem>>) {add = true}
        %dma_wait3A_112 = arith.constant 0 : i32
        %dma_wait3A_113 = arith.constant 0 : i32
        %dma_wait3A_114 = tpu.memref_slice %arg10[%scan3A_35, %dma_wait3A_112, %dma_wait3A_113] : memref<2x128x128xf32, #tpu.memory_space<vmem>> -> memref<1x128x128xf32, #tpu.memory_space<vmem>>
        %dma_wait3A_115 = tpu.memref_squeeze %dma_wait3A_114 : memref<1x128x128xf32, #tpu.memory_space<vmem>> -> memref<128x128xf32, #tpu.memory_space<vmem>>
        %dma_wait3A_116 = arith.constant 0 : i32
        %dma_wait3A_117 = tpu.memref_slice %arg9[%add3A_80, %dma_wait3A_116] : memref<80x128xi32, #tpu.memory_space<vmem>> -> memref<1x128xi32, #tpu.memory_space<vmem>>
        %dma_wait3A_118 = tpu.memref_squeeze %dma_wait3A_117 : memref<1x128xi32, #tpu.memory_space<vmem>> -> memref<128xi32, #tpu.memory_space<vmem>>
        %dma_wait3A_119 = arith.constant 0 : i32
        %dma_wait3A_120 = arith.constant 0 : i32
        %dma_wait3A_121 = tpu.memref_slice %arg11[%dma_wait3A_119, %dma_wait3A_120] : memref<10112x128xf32, #tpu.memory_space<vmem_shared>> -> memref<10112x128xf32, #tpu.memory_space<vmem_shared>>
        tpu.wait_indirect_dma semaphore(%run_scoped3A_101 : memref<!tpu.dma_semaphore, #tpu.memory_space<semaphore_mem>>) src(%dma_wait3A_115 : memref<128x128xf32, #tpu.memory_space<vmem>>) dst(%dma_wait3A_121 : memref<10112x128xf32, #tpu.memory_space<vmem_shared>>)
        tpu.yield
      }) : () -> ()
    }
    %scan3A_40 = arith.constant 20 : i32
    %barrier3A_41 = arith.constant 0 : index
    tpu.barrier barrier_id(%barrier3A_41)
    %mul3A_42 = arith.constant 632 : i32
    %mul3A_43 = arith.muli %arg1, %mul3A_42 : i32
    %mul3A_44 = arith.constant 632 : i32
    %mul3A_45 = arith.muli %arg1, %mul3A_44 : i32
    "tpu.region"() ({
      %run_scoped3A_46 = tpu.sem_alloc : memref<!tpu.dma_semaphore, #tpu.memory_space<semaphore_mem>>
      %dma_start3A = arith.constant 0 : i32
      %dma_start3A_47 = arith.constant 0 : i32
      %dma_start3A_48 = tpu.memref_slice %arg7[%arg0, %dma_start3A, %dma_start3A_47] : memref<2x10112x128xf32, #tpu.memory_space<hbm>> -> memref<1x10112x128xf32, #tpu.memory_space<hbm>>
      %dma_start3A_49 = tpu.memref_squeeze %dma_start3A_48 : memref<1x10112x128xf32, #tpu.memory_space<hbm>> -> memref<10112x128xf32, #tpu.memory_space<hbm>>
      %dma_start3A_50 = arith.constant 0 : i32
      %dma_start3A_51 = tpu.memref_slice %dma_start3A_49[%mul3A_45, %dma_start3A_50] : memref<10112x128xf32, #tpu.memory_space<hbm>> -> memref<632x128xf32, #tpu.memory_space<hbm>>
      %dma_start3A_52 = arith.constant 0 : i32
      %dma_start3A_53 = tpu.memref_slice %arg11[%mul3A_43, %dma_start3A_52] : memref<10112x128xf32, #tpu.memory_space<vmem_shared>> -> memref<632x128xf32, #tpu.memory_space<vmem_shared>>
      tpu.enqueue_dma source(%dma_start3A_53 : memref<632x128xf32, #tpu.memory_space<vmem_shared>>) target(%dma_start3A_51 : memref<632x128xf32, #tpu.memory_space<hbm>>) target_semaphore(%run_scoped3A_46 : memref<!tpu.dma_semaphore, #tpu.memory_space<semaphore_mem>>)
      %dma_wait3A = arith.constant 0 : i32
      %dma_wait3A_54 = arith.constant 0 : i32
      %dma_wait3A_55 = tpu.memref_slice %arg7[%arg0, %dma_wait3A, %dma_wait3A_54] : memref<2x10112x128xf32, #tpu.memory_space<hbm>> -> memref<1x10112x128xf32, #tpu.memory_space<hbm>>
      %dma_wait3A_56 = tpu.memref_squeeze %dma_wait3A_55 : memref<1x10112x128xf32, #tpu.memory_space<hbm>> -> memref<10112x128xf32, #tpu.memory_space<hbm>>
      %dma_wait3A_57 = arith.constant 0 : i32
      %dma_wait3A_58 = tpu.memref_slice %dma_wait3A_56[%mul3A_45, %dma_wait3A_57] : memref<10112x128xf32, #tpu.memory_space<hbm>> -> memref<632x128xf32, #tpu.memory_space<hbm>>
      %dma_wait3A_59 = arith.constant 0 : i32
      %dma_wait3A_60 = tpu.memref_slice %arg11[%mul3A_43, %dma_wait3A_59] : memref<10112x128xf32, #tpu.memory_space<vmem_shared>> -> memref<632x128xf32, #tpu.memory_space<vmem_shared>>
      tpu.wait_dma2 semaphore(%run_scoped3A_46 : memref<!tpu.dma_semaphore, #tpu.memory_space<semaphore_mem>>) src(%dma_wait3A_60 : memref<632x128xf32, #tpu.memory_space<vmem_shared>>) dst(%dma_wait3A_58 : memref<632x128xf32, #tpu.memory_space<hbm>>)
      tpu.yield
    }) : () -> ()
    return
  }
}

#map = affine_map<(d0, d1) -> (0, 0)>
#map1 = affine_map<(d0, d1) -> (0, 0, 0)>
module attributes {stable_mosaic.version = 14 : i64} {
  func.func @_sc_body(%arg0: i32, %arg1: i32, %arg2: memref<10000x128xf32, #tpu.memory_space<hbm>>, %arg3: memref<32x40x128xi32, #tpu.memory_space<hbm>>, %arg4: memref<32x40x128xi32, #tpu.memory_space<hbm>>, %arg5: memref<32x80x128xi32, #tpu.memory_space<hbm>>, %arg6: memref<128x128xf32, #tpu.memory_space<hbm>>, %arg7: memref<2x10112x128xf32, #tpu.memory_space<hbm>>, %arg8: memref<40x128xi32, #tpu.memory_space<vmem>>, %arg9: memref<80x128xi32, #tpu.memory_space<vmem>>, %arg10: memref<2x128x128xf32, #tpu.memory_space<vmem>>, %arg11: memref<10112x128xf32, #tpu.memory_space<vmem_shared>>, %arg12: memref<!tpu.dma_semaphore, #tpu.memory_space<semaphore_mem>>) attributes {dimension_semantics = [#tpu.dimension_semantics<core_parallel>, #tpu.dimension_semantics<subcore_parallel>], iteration_bounds = array<i64: 2, 16>, scalar_prefetch = 0 : i64, scratch_operands = 5 : i64, tpu.core_type = #tpu.core_type<sc_vector_subcore>, window_params = [{transform_indices = #map}, {transform_indices = #map1}, {transform_indices = #map1}, {transform_indices = #map1}, {transform_indices = #map}, {transform_indices = #map1}]} {
    %mul3A = arith.constant 16 : i32
    %mul3A_0 = arith.muli %arg0, %mul3A : i32
    %add3A = arith.addi %mul3A_0, %arg1 : i32
    "tpu.region"() ({
      %run_scoped3A_46 = tpu.sem_alloc : memref<!tpu.dma_semaphore, #tpu.memory_space<semaphore_mem>>
      %dma_start3A = arith.constant 0 : i32
      %dma_start3A_47 = arith.constant 0 : i32
      %dma_start3A_48 = tpu.memref_slice %arg5[%add3A, %dma_start3A, %dma_start3A_47] : memref<32x80x128xi32, #tpu.memory_space<hbm>> -> memref<1x80x128xi32, #tpu.memory_space<hbm>>
      %dma_start3A_49 = tpu.memref_squeeze %dma_start3A_48 : memref<1x80x128xi32, #tpu.memory_space<hbm>> -> memref<80x128xi32, #tpu.memory_space<hbm>>
      %dma_start3A_50 = arith.constant 0 : i32
      %dma_start3A_51 = arith.constant 0 : i32
      %dma_start3A_52 = tpu.memref_slice %arg5[%add3A, %dma_start3A_50, %dma_start3A_51] : memref<32x80x128xi32, #tpu.memory_space<hbm>> -> memref<1x80x128xi32, #tpu.memory_space<hbm>>
      %dma_start3A_53 = tpu.memref_squeeze %dma_start3A_52 : memref<1x80x128xi32, #tpu.memory_space<hbm>> -> memref<80x128xi32, #tpu.memory_space<hbm>>
      tpu.enqueue_dma source(%dma_start3A_53 : memref<80x128xi32, #tpu.memory_space<hbm>>) target(%arg9 : memref<80x128xi32, #tpu.memory_space<vmem>>) target_semaphore(%run_scoped3A_46 : memref<!tpu.dma_semaphore, #tpu.memory_space<semaphore_mem>>)
      %dma_wait3A = arith.constant 0 : i32
      %dma_wait3A_54 = arith.constant 0 : i32
      %dma_wait3A_55 = tpu.memref_slice %arg5[%add3A, %dma_wait3A, %dma_wait3A_54] : memref<32x80x128xi32, #tpu.memory_space<hbm>> -> memref<1x80x128xi32, #tpu.memory_space<hbm>>
      %dma_wait3A_56 = tpu.memref_squeeze %dma_wait3A_55 : memref<1x80x128xi32, #tpu.memory_space<hbm>> -> memref<80x128xi32, #tpu.memory_space<hbm>>
      %dma_wait3A_57 = arith.constant 0 : i32
      %dma_wait3A_58 = arith.constant 0 : i32
      %dma_wait3A_59 = tpu.memref_slice %arg5[%add3A, %dma_wait3A_57, %dma_wait3A_58] : memref<32x80x128xi32, #tpu.memory_space<hbm>> -> memref<1x80x128xi32, #tpu.memory_space<hbm>>
      %dma_wait3A_60 = tpu.memref_squeeze %dma_wait3A_59 : memref<1x80x128xi32, #tpu.memory_space<hbm>> -> memref<80x128xi32, #tpu.memory_space<hbm>>
      tpu.wait_dma2 semaphore(%run_scoped3A_46 : memref<!tpu.dma_semaphore, #tpu.memory_space<semaphore_mem>>) src(%dma_wait3A_60 : memref<80x128xi32, #tpu.memory_space<hbm>>) dst(%arg9 : memref<80x128xi32, #tpu.memory_space<vmem>>)
      tpu.yield
    }) : () -> ()
    %run_scoped3A = arith.constant 0 : i32
    "tpu.region"() ({
      %run_scoped3A_46 = tpu.sem_alloc : memref<!tpu.dma_semaphore, #tpu.memory_space<semaphore_mem>>
      %dma_start3A = arith.constant 0 : i32
      %dma_start3A_47 = arith.constant 0 : i32
      %dma_start3A_48 = tpu.memref_slice %arg10[%run_scoped3A, %dma_start3A, %dma_start3A_47] : memref<2x128x128xf32, #tpu.memory_space<vmem>> -> memref<1x128x128xf32, #tpu.memory_space<vmem>>
      %dma_start3A_49 = tpu.memref_squeeze %dma_start3A_48 : memref<1x128x128xf32, #tpu.memory_space<vmem>> -> memref<128x128xf32, #tpu.memory_space<vmem>>
      %dma_start3A_50 = arith.constant 0 : i32
      %dma_start3A_51 = arith.constant 0 : i32
      %dma_start3A_52 = tpu.memref_slice %arg10[%run_scoped3A, %dma_start3A_50, %dma_start3A_51] : memref<2x128x128xf32, #tpu.memory_space<vmem>> -> memref<1x128x128xf32, #tpu.memory_space<vmem>>
      %dma_start3A_53 = tpu.memref_squeeze %dma_start3A_52 : memref<1x128x128xf32, #tpu.memory_space<vmem>> -> memref<128x128xf32, #tpu.memory_space<vmem>>
      tpu.enqueue_dma source(%arg6 : memref<128x128xf32, #tpu.memory_space<hbm>>) target(%dma_start3A_53 : memref<128x128xf32, #tpu.memory_space<vmem>>) target_semaphore(%run_scoped3A_46 : memref<!tpu.dma_semaphore, #tpu.memory_space<semaphore_mem>>)
      %dma_wait3A = arith.constant 0 : i32
      %dma_wait3A_54 = arith.constant 0 : i32
      %dma_wait3A_55 = tpu.memref_slice %arg10[%run_scoped3A, %dma_wait3A, %dma_wait3A_54] : memref<2x128x128xf32, #tpu.memory_space<vmem>> -> memref<1x128x128xf32, #tpu.memory_space<vmem>>
      %dma_wait3A_56 = tpu.memref_squeeze %dma_wait3A_55 : memref<1x128x128xf32, #tpu.memory_space<vmem>> -> memref<128x128xf32, #tpu.memory_space<vmem>>
      %dma_wait3A_57 = arith.constant 0 : i32
      %dma_wait3A_58 = arith.constant 0 : i32
      %dma_wait3A_59 = tpu.memref_slice %arg10[%run_scoped3A, %dma_wait3A_57, %dma_wait3A_58] : memref<2x128x128xf32, #tpu.memory_space<vmem>> -> memref<1x128x128xf32, #tpu.memory_space<vmem>>
      %dma_wait3A_60 = tpu.memref_squeeze %dma_wait3A_59 : memref<1x128x128xf32, #tpu.memory_space<vmem>> -> memref<128x128xf32, #tpu.memory_space<vmem>>
      tpu.wait_dma2 semaphore(%run_scoped3A_46 : memref<!tpu.dma_semaphore, #tpu.memory_space<semaphore_mem>>) src(%arg6 : memref<128x128xf32, #tpu.memory_space<hbm>>) dst(%dma_wait3A_60 : memref<128x128xf32, #tpu.memory_space<vmem>>)
      tpu.yield
    }) : () -> ()
    %mul3A_1 = arith.constant 632 : i32
    %mul3A_2 = arith.muli %arg1, %mul3A_1 : i32
    %add3A_3 = arith.constant 0 : i32
    %add3A_4 = arith.addi %mul3A_2, %add3A_3 : i32
    %run_scoped3A_5 = arith.constant 0 : i32
    "tpu.region"() ({
      %run_scoped3A_46 = tpu.sem_alloc : memref<!tpu.dma_semaphore, #tpu.memory_space<semaphore_mem>>
      %dma_start3A = arith.constant 0 : i32
      %dma_start3A_47 = arith.constant 0 : i32
      %dma_start3A_48 = tpu.memref_slice %arg10[%run_scoped3A_5, %dma_start3A, %dma_start3A_47] : memref<2x128x128xf32, #tpu.memory_space<vmem>> -> memref<1x128x128xf32, #tpu.memory_space<vmem>>
      %dma_start3A_49 = tpu.memref_squeeze %dma_start3A_48 : memref<1x128x128xf32, #tpu.memory_space<vmem>> -> memref<128x128xf32, #tpu.memory_space<vmem>>
      %dma_start3A_50 = arith.constant 0 : i32
      %dma_start3A_51 = tpu.memref_slice %arg11[%add3A_4, %dma_start3A_50] : memref<10112x128xf32, #tpu.memory_space<vmem_shared>> -> memref<128x128xf32, #tpu.memory_space<vmem_shared>>
      %dma_start3A_52 = arith.constant 0 : i32
      %dma_start3A_53 = tpu.memref_slice %arg11[%add3A_4, %dma_start3A_52] : memref<10112x128xf32, #tpu.memory_space<vmem_shared>> -> memref<128x128xf32, #tpu.memory_space<vmem_shared>>
      %dma_start3A_54 = arith.constant 0 : i32
      %dma_start3A_55 = arith.constant 0 : i32
      %dma_start3A_56 = tpu.memref_slice %arg10[%run_scoped3A_5, %dma_start3A_54, %dma_start3A_55] : memref<2x128x128xf32, #tpu.memory_space<vmem>> -> memref<1x128x128xf32, #tpu.memory_space<vmem>>
      %dma_start3A_57 = tpu.memref_squeeze %dma_start3A_56 : memref<1x128x128xf32, #tpu.memory_space<vmem>> -> memref<128x128xf32, #tpu.memory_space<vmem>>
      tpu.enqueue_dma source(%dma_start3A_57 : memref<128x128xf32, #tpu.memory_space<vmem>>) target(%dma_start3A_53 : memref<128x128xf32, #tpu.memory_space<vmem_shared>>) target_semaphore(%run_scoped3A_46 : memref<!tpu.dma_semaphore, #tpu.memory_space<semaphore_mem>>)
      %dma_wait3A = arith.constant 0 : i32
      %dma_wait3A_58 = arith.constant 0 : i32
      %dma_wait3A_59 = tpu.memref_slice %arg10[%run_scoped3A_5, %dma_wait3A, %dma_wait3A_58] : memref<2x128x128xf32, #tpu.memory_space<vmem>> -> memref<1x128x128xf32, #tpu.memory_space<vmem>>
      %dma_wait3A_60 = tpu.memref_squeeze %dma_wait3A_59 : memref<1x128x128xf32, #tpu.memory_space<vmem>> -> memref<128x128xf32, #tpu.memory_space<vmem>>
      %dma_wait3A_61 = arith.constant 0 : i32
      %dma_wait3A_62 = tpu.memref_slice %arg11[%add3A_4, %dma_wait3A_61] : memref<10112x128xf32, #tpu.memory_space<vmem_shared>> -> memref<128x128xf32, #tpu.memory_space<vmem_shared>>
      %dma_wait3A_63 = arith.constant 0 : i32
      %dma_wait3A_64 = tpu.memref_slice %arg11[%add3A_4, %dma_wait3A_63] : memref<10112x128xf32, #tpu.memory_space<vmem_shared>> -> memref<128x128xf32, #tpu.memory_space<vmem_shared>>
      %dma_wait3A_65 = arith.constant 0 : i32
      %dma_wait3A_66 = arith.constant 0 : i32
      %dma_wait3A_67 = tpu.memref_slice %arg10[%run_scoped3A_5, %dma_wait3A_65, %dma_wait3A_66] : memref<2x128x128xf32, #tpu.memory_space<vmem>> -> memref<1x128x128xf32, #tpu.memory_space<vmem>>
      %dma_wait3A_68 = tpu.memref_squeeze %dma_wait3A_67 : memref<1x128x128xf32, #tpu.memory_space<vmem>> -> memref<128x128xf32, #tpu.memory_space<vmem>>
      tpu.wait_dma2 semaphore(%run_scoped3A_46 : memref<!tpu.dma_semaphore, #tpu.memory_space<semaphore_mem>>) src(%dma_wait3A_68 : memref<128x128xf32, #tpu.memory_space<vmem>>) dst(%dma_wait3A_64 : memref<128x128xf32, #tpu.memory_space<vmem_shared>>)
      tpu.yield
    }) : () -> ()
    %mul3A_6 = arith.constant 632 : i32
    %mul3A_7 = arith.muli %arg1, %mul3A_6 : i32
    %add3A_8 = arith.constant 128 : i32
    %add3A_9 = arith.addi %mul3A_7, %add3A_8 : i32
    %run_scoped3A_10 = arith.constant 0 : i32
    "tpu.region"() ({
      %run_scoped3A_46 = tpu.sem_alloc : memref<!tpu.dma_semaphore, #tpu.memory_space<semaphore_mem>>
      %dma_start3A = arith.constant 0 : i32
      %dma_start3A_47 = arith.constant 0 : i32
      %dma_start3A_48 = tpu.memref_slice %arg10[%run_scoped3A_10, %dma_start3A, %dma_start3A_47] : memref<2x128x128xf32, #tpu.memory_space<vmem>> -> memref<1x128x128xf32, #tpu.memory_space<vmem>>
      %dma_start3A_49 = tpu.memref_squeeze %dma_start3A_48 : memref<1x128x128xf32, #tpu.memory_space<vmem>> -> memref<128x128xf32, #tpu.memory_space<vmem>>
      %dma_start3A_50 = arith.constant 0 : i32
      %dma_start3A_51 = tpu.memref_slice %arg11[%add3A_9, %dma_start3A_50] : memref<10112x128xf32, #tpu.memory_space<vmem_shared>> -> memref<128x128xf32, #tpu.memory_space<vmem_shared>>
      %dma_start3A_52 = arith.constant 0 : i32
      %dma_start3A_53 = tpu.memref_slice %arg11[%add3A_9, %dma_start3A_52] : memref<10112x128xf32, #tpu.memory_space<vmem_shared>> -> memref<128x128xf32, #tpu.memory_space<vmem_shared>>
      %dma_start3A_54 = arith.constant 0 : i32
      %dma_start3A_55 = arith.constant 0 : i32
      %dma_start3A_56 = tpu.memref_slice %arg10[%run_scoped3A_10, %dma_start3A_54, %dma_start3A_55] : memref<2x128x128xf32, #tpu.memory_space<vmem>> -> memref<1x128x128xf32, #tpu.memory_space<vmem>>
      %dma_start3A_57 = tpu.memref_squeeze %dma_start3A_56 : memref<1x128x128xf32, #tpu.memory_space<vmem>> -> memref<128x128xf32, #tpu.memory_space<vmem>>
      tpu.enqueue_dma source(%dma_start3A_57 : memref<128x128xf32, #tpu.memory_space<vmem>>) target(%dma_start3A_53 : memref<128x128xf32, #tpu.memory_space<vmem_shared>>) target_semaphore(%run_scoped3A_46 : memref<!tpu.dma_semaphore, #tpu.memory_space<semaphore_mem>>)
      %dma_wait3A = arith.constant 0 : i32
      %dma_wait3A_58 = arith.constant 0 : i32
      %dma_wait3A_59 = tpu.memref_slice %arg10[%run_scoped3A_10, %dma_wait3A, %dma_wait3A_58] : memref<2x128x128xf32, #tpu.memory_space<vmem>> -> memref<1x128x128xf32, #tpu.memory_space<vmem>>
      %dma_wait3A_60 = tpu.memref_squeeze %dma_wait3A_59 : memref<1x128x128xf32, #tpu.memory_space<vmem>> -> memref<128x128xf32, #tpu.memory_space<vmem>>
      %dma_wait3A_61 = arith.constant 0 : i32
      %dma_wait3A_62 = tpu.memref_slice %arg11[%add3A_9, %dma_wait3A_61] : memref<10112x128xf32, #tpu.memory_space<vmem_shared>> -> memref<128x128xf32, #tpu.memory_space<vmem_shared>>
      %dma_wait3A_63 = arith.constant 0 : i32
      %dma_wait3A_64 = tpu.memref_slice %arg11[%add3A_9, %dma_wait3A_63] : memref<10112x128xf32, #tpu.memory_space<vmem_shared>> -> memref<128x128xf32, #tpu.memory_space<vmem_shared>>
      %dma_wait3A_65 = arith.constant 0 : i32
      %dma_wait3A_66 = arith.constant 0 : i32
      %dma_wait3A_67 = tpu.memref_slice %arg10[%run_scoped3A_10, %dma_wait3A_65, %dma_wait3A_66] : memref<2x128x128xf32, #tpu.memory_space<vmem>> -> memref<1x128x128xf32, #tpu.memory_space<vmem>>
      %dma_wait3A_68 = tpu.memref_squeeze %dma_wait3A_67 : memref<1x128x128xf32, #tpu.memory_space<vmem>> -> memref<128x128xf32, #tpu.memory_space<vmem>>
      tpu.wait_dma2 semaphore(%run_scoped3A_46 : memref<!tpu.dma_semaphore, #tpu.memory_space<semaphore_mem>>) src(%dma_wait3A_68 : memref<128x128xf32, #tpu.memory_space<vmem>>) dst(%dma_wait3A_64 : memref<128x128xf32, #tpu.memory_space<vmem_shared>>)
      tpu.yield
    }) : () -> ()
    %mul3A_11 = arith.constant 632 : i32
    %mul3A_12 = arith.muli %arg1, %mul3A_11 : i32
    %add3A_13 = arith.constant 256 : i32
    %add3A_14 = arith.addi %mul3A_12, %add3A_13 : i32
    %run_scoped3A_15 = arith.constant 0 : i32
    "tpu.region"() ({
      %run_scoped3A_46 = tpu.sem_alloc : memref<!tpu.dma_semaphore, #tpu.memory_space<semaphore_mem>>
      %dma_start3A = arith.constant 0 : i32
      %dma_start3A_47 = arith.constant 0 : i32
      %dma_start3A_48 = tpu.memref_slice %arg10[%run_scoped3A_15, %dma_start3A, %dma_start3A_47] : memref<2x128x128xf32, #tpu.memory_space<vmem>> -> memref<1x128x128xf32, #tpu.memory_space<vmem>>
      %dma_start3A_49 = tpu.memref_squeeze %dma_start3A_48 : memref<1x128x128xf32, #tpu.memory_space<vmem>> -> memref<128x128xf32, #tpu.memory_space<vmem>>
      %dma_start3A_50 = arith.constant 0 : i32
      %dma_start3A_51 = tpu.memref_slice %arg11[%add3A_14, %dma_start3A_50] : memref<10112x128xf32, #tpu.memory_space<vmem_shared>> -> memref<128x128xf32, #tpu.memory_space<vmem_shared>>
      %dma_start3A_52 = arith.constant 0 : i32
      %dma_start3A_53 = tpu.memref_slice %arg11[%add3A_14, %dma_start3A_52] : memref<10112x128xf32, #tpu.memory_space<vmem_shared>> -> memref<128x128xf32, #tpu.memory_space<vmem_shared>>
      %dma_start3A_54 = arith.constant 0 : i32
      %dma_start3A_55 = arith.constant 0 : i32
      %dma_start3A_56 = tpu.memref_slice %arg10[%run_scoped3A_15, %dma_start3A_54, %dma_start3A_55] : memref<2x128x128xf32, #tpu.memory_space<vmem>> -> memref<1x128x128xf32, #tpu.memory_space<vmem>>
      %dma_start3A_57 = tpu.memref_squeeze %dma_start3A_56 : memref<1x128x128xf32, #tpu.memory_space<vmem>> -> memref<128x128xf32, #tpu.memory_space<vmem>>
      tpu.enqueue_dma source(%dma_start3A_57 : memref<128x128xf32, #tpu.memory_space<vmem>>) target(%dma_start3A_53 : memref<128x128xf32, #tpu.memory_space<vmem_shared>>) target_semaphore(%run_scoped3A_46 : memref<!tpu.dma_semaphore, #tpu.memory_space<semaphore_mem>>)
      %dma_wait3A = arith.constant 0 : i32
      %dma_wait3A_58 = arith.constant 0 : i32
      %dma_wait3A_59 = tpu.memref_slice %arg10[%run_scoped3A_15, %dma_wait3A, %dma_wait3A_58] : memref<2x128x128xf32, #tpu.memory_space<vmem>> -> memref<1x128x128xf32, #tpu.memory_space<vmem>>
      %dma_wait3A_60 = tpu.memref_squeeze %dma_wait3A_59 : memref<1x128x128xf32, #tpu.memory_space<vmem>> -> memref<128x128xf32, #tpu.memory_space<vmem>>
      %dma_wait3A_61 = arith.constant 0 : i32
      %dma_wait3A_62 = tpu.memref_slice %arg11[%add3A_14, %dma_wait3A_61] : memref<10112x128xf32, #tpu.memory_space<vmem_shared>> -> memref<128x128xf32, #tpu.memory_space<vmem_shared>>
      %dma_wait3A_63 = arith.constant 0 : i32
      %dma_wait3A_64 = tpu.memref_slice %arg11[%add3A_14, %dma_wait3A_63] : memref<10112x128xf32, #tpu.memory_space<vmem_shared>> -> memref<128x128xf32, #tpu.memory_space<vmem_shared>>
      %dma_wait3A_65 = arith.constant 0 : i32
      %dma_wait3A_66 = arith.constant 0 : i32
      %dma_wait3A_67 = tpu.memref_slice %arg10[%run_scoped3A_15, %dma_wait3A_65, %dma_wait3A_66] : memref<2x128x128xf32, #tpu.memory_space<vmem>> -> memref<1x128x128xf32, #tpu.memory_space<vmem>>
      %dma_wait3A_68 = tpu.memref_squeeze %dma_wait3A_67 : memref<1x128x128xf32, #tpu.memory_space<vmem>> -> memref<128x128xf32, #tpu.memory_space<vmem>>
      tpu.wait_dma2 semaphore(%run_scoped3A_46 : memref<!tpu.dma_semaphore, #tpu.memory_space<semaphore_mem>>) src(%dma_wait3A_68 : memref<128x128xf32, #tpu.memory_space<vmem>>) dst(%dma_wait3A_64 : memref<128x128xf32, #tpu.memory_space<vmem_shared>>)
      tpu.yield
    }) : () -> ()
    %mul3A_16 = arith.constant 632 : i32
    %mul3A_17 = arith.muli %arg1, %mul3A_16 : i32
    %add3A_18 = arith.constant 384 : i32
    %add3A_19 = arith.addi %mul3A_17, %add3A_18 : i32
    %run_scoped3A_20 = arith.constant 0 : i32
    "tpu.region"() ({
      %run_scoped3A_46 = tpu.sem_alloc : memref<!tpu.dma_semaphore, #tpu.memory_space<semaphore_mem>>
      %dma_start3A = arith.constant 0 : i32
      %dma_start3A_47 = arith.constant 0 : i32
      %dma_start3A_48 = tpu.memref_slice %arg10[%run_scoped3A_20, %dma_start3A, %dma_start3A_47] : memref<2x128x128xf32, #tpu.memory_space<vmem>> -> memref<1x128x128xf32, #tpu.memory_space<vmem>>
      %dma_start3A_49 = tpu.memref_squeeze %dma_start3A_48 : memref<1x128x128xf32, #tpu.memory_space<vmem>> -> memref<128x128xf32, #tpu.memory_space<vmem>>
      %dma_start3A_50 = arith.constant 0 : i32
      %dma_start3A_51 = tpu.memref_slice %arg11[%add3A_19, %dma_start3A_50] : memref<10112x128xf32, #tpu.memory_space<vmem_shared>> -> memref<128x128xf32, #tpu.memory_space<vmem_shared>>
      %dma_start3A_52 = arith.constant 0 : i32
      %dma_start3A_53 = tpu.memref_slice %arg11[%add3A_19, %dma_start3A_52] : memref<10112x128xf32, #tpu.memory_space<vmem_shared>> -> memref<128x128xf32, #tpu.memory_space<vmem_shared>>
      %dma_start3A_54 = arith.constant 0 : i32
      %dma_start3A_55 = arith.constant 0 : i32
      %dma_start3A_56 = tpu.memref_slice %arg10[%run_scoped3A_20, %dma_start3A_54, %dma_start3A_55] : memref<2x128x128xf32, #tpu.memory_space<vmem>> -> memref<1x128x128xf32, #tpu.memory_space<vmem>>
      %dma_start3A_57 = tpu.memref_squeeze %dma_start3A_56 : memref<1x128x128xf32, #tpu.memory_space<vmem>> -> memref<128x128xf32, #tpu.memory_space<vmem>>
      tpu.enqueue_dma source(%dma_start3A_57 : memref<128x128xf32, #tpu.memory_space<vmem>>) target(%dma_start3A_53 : memref<128x128xf32, #tpu.memory_space<vmem_shared>>) target_semaphore(%run_scoped3A_46 : memref<!tpu.dma_semaphore, #tpu.memory_space<semaphore_mem>>)
      %dma_wait3A = arith.constant 0 : i32
      %dma_wait3A_58 = arith.constant 0 : i32
      %dma_wait3A_59 = tpu.memref_slice %arg10[%run_scoped3A_20, %dma_wait3A, %dma_wait3A_58] : memref<2x128x128xf32, #tpu.memory_space<vmem>> -> memref<1x128x128xf32, #tpu.memory_space<vmem>>
      %dma_wait3A_60 = tpu.memref_squeeze %dma_wait3A_59 : memref<1x128x128xf32, #tpu.memory_space<vmem>> -> memref<128x128xf32, #tpu.memory_space<vmem>>
      %dma_wait3A_61 = arith.constant 0 : i32
      %dma_wait3A_62 = tpu.memref_slice %arg11[%add3A_19, %dma_wait3A_61] : memref<10112x128xf32, #tpu.memory_space<vmem_shared>> -> memref<128x128xf32, #tpu.memory_space<vmem_shared>>
      %dma_wait3A_63 = arith.constant 0 : i32
      %dma_wait3A_64 = tpu.memref_slice %arg11[%add3A_19, %dma_wait3A_63] : memref<10112x128xf32, #tpu.memory_space<vmem_shared>> -> memref<128x128xf32, #tpu.memory_space<vmem_shared>>
      %dma_wait3A_65 = arith.constant 0 : i32
      %dma_wait3A_66 = arith.constant 0 : i32
      %dma_wait3A_67 = tpu.memref_slice %arg10[%run_scoped3A_20, %dma_wait3A_65, %dma_wait3A_66] : memref<2x128x128xf32, #tpu.memory_space<vmem>> -> memref<1x128x128xf32, #tpu.memory_space<vmem>>
      %dma_wait3A_68 = tpu.memref_squeeze %dma_wait3A_67 : memref<1x128x128xf32, #tpu.memory_space<vmem>> -> memref<128x128xf32, #tpu.memory_space<vmem>>
      tpu.wait_dma2 semaphore(%run_scoped3A_46 : memref<!tpu.dma_semaphore, #tpu.memory_space<semaphore_mem>>) src(%dma_wait3A_68 : memref<128x128xf32, #tpu.memory_space<vmem>>) dst(%dma_wait3A_64 : memref<128x128xf32, #tpu.memory_space<vmem_shared>>)
      tpu.yield
    }) : () -> ()
    %mul3A_21 = arith.constant 632 : i32
    %mul3A_22 = arith.muli %arg1, %mul3A_21 : i32
    %add3A_23 = arith.constant 512 : i32
    %add3A_24 = arith.addi %mul3A_22, %add3A_23 : i32
    %run_scoped3A_25 = arith.constant 0 : i32
    "tpu.region"() ({
      %run_scoped3A_46 = tpu.sem_alloc : memref<!tpu.dma_semaphore, #tpu.memory_space<semaphore_mem>>
      %dma_start3A = arith.constant 0 : i32
      %dma_start3A_47 = arith.constant 0 : i32
      %dma_start3A_48 = tpu.memref_slice %arg10[%run_scoped3A_25, %dma_start3A, %dma_start3A_47] : memref<2x128x128xf32, #tpu.memory_space<vmem>> -> memref<1x128x128xf32, #tpu.memory_space<vmem>>
      %dma_start3A_49 = tpu.memref_squeeze %dma_start3A_48 : memref<1x128x128xf32, #tpu.memory_space<vmem>> -> memref<128x128xf32, #tpu.memory_space<vmem>>
      %dma_start3A_50 = arith.constant 0 : i32
      %dma_start3A_51 = arith.constant 0 : i32
      %dma_start3A_52 = tpu.memref_slice %dma_start3A_49[%dma_start3A_50, %dma_start3A_51] : memref<128x128xf32, #tpu.memory_space<vmem>> -> memref<120x128xf32, #tpu.memory_space<vmem>>
      %dma_start3A_53 = arith.constant 0 : i32
      %dma_start3A_54 = tpu.memref_slice %arg11[%add3A_24, %dma_start3A_53] : memref<10112x128xf32, #tpu.memory_space<vmem_shared>> -> memref<120x128xf32, #tpu.memory_space<vmem_shared>>
      %dma_start3A_55 = arith.constant 0 : i32
      %dma_start3A_56 = tpu.memref_slice %arg11[%add3A_24, %dma_start3A_55] : memref<10112x128xf32, #tpu.memory_space<vmem_shared>> -> memref<120x128xf32, #tpu.memory_space<vmem_shared>>
      %dma_start3A_57 = arith.constant 0 : i32
      %dma_start3A_58 = arith.constant 0 : i32
      %dma_start3A_59 = tpu.memref_slice %arg10[%run_scoped3A_25, %dma_start3A_57, %dma_start3A_58] : memref<2x128x128xf32, #tpu.memory_space<vmem>> -> memref<1x128x128xf32, #tpu.memory_space<vmem>>
      %dma_start3A_60 = tpu.memref_squeeze %dma_start3A_59 : memref<1x128x128xf32, #tpu.memory_space<vmem>> -> memref<128x128xf32, #tpu.memory_space<vmem>>
      %dma_start3A_61 = arith.constant 0 : i32
      %dma_start3A_62 = arith.constant 0 : i32
      %dma_start3A_63 = tpu.memref_slice %dma_start3A_60[%dma_start3A_61, %dma_start3A_62] : memref<128x128xf32, #tpu.memory_space<vmem>> -> memref<120x128xf32, #tpu.memory_space<vmem>>
      tpu.enqueue_dma source(%dma_start3A_63 : memref<120x128xf32, #tpu.memory_space<vmem>>) target(%dma_start3A_56 : memref<120x128xf32, #tpu.memory_space<vmem_shared>>) target_semaphore(%run_scoped3A_46 : memref<!tpu.dma_semaphore, #tpu.memory_space<semaphore_mem>>)
      %dma_wait3A = arith.constant 0 : i32
      %dma_wait3A_64 = arith.constant 0 : i32
      %dma_wait3A_65 = tpu.memref_slice %arg10[%run_scoped3A_25, %dma_wait3A, %dma_wait3A_64] : memref<2x128x128xf32, #tpu.memory_space<vmem>> -> memref<1x128x128xf32, #tpu.memory_space<vmem>>
      %dma_wait3A_66 = tpu.memref_squeeze %dma_wait3A_65 : memref<1x128x128xf32, #tpu.memory_space<vmem>> -> memref<128x128xf32, #tpu.memory_space<vmem>>
      %dma_wait3A_67 = arith.constant 0 : i32
      %dma_wait3A_68 = arith.constant 0 : i32
      %dma_wait3A_69 = tpu.memref_slice %dma_wait3A_66[%dma_wait3A_67, %dma_wait3A_68] : memref<128x128xf32, #tpu.memory_space<vmem>> -> memref<120x128xf32, #tpu.memory_space<vmem>>
      %dma_wait3A_70 = arith.constant 0 : i32
      %dma_wait3A_71 = tpu.memref_slice %arg11[%add3A_24, %dma_wait3A_70] : memref<10112x128xf32, #tpu.memory_space<vmem_shared>> -> memref<120x128xf32, #tpu.memory_space<vmem_shared>>
      %dma_wait3A_72 = arith.constant 0 : i32
      %dma_wait3A_73 = tpu.memref_slice %arg11[%add3A_24, %dma_wait3A_72] : memref<10112x128xf32, #tpu.memory_space<vmem_shared>> -> memref<120x128xf32, #tpu.memory_space<vmem_shared>>
      %dma_wait3A_74 = arith.constant 0 : i32
      %dma_wait3A_75 = arith.constant 0 : i32
      %dma_wait3A_76 = tpu.memref_slice %arg10[%run_scoped3A_25, %dma_wait3A_74, %dma_wait3A_75] : memref<2x128x128xf32, #tpu.memory_space<vmem>> -> memref<1x128x128xf32, #tpu.memory_space<vmem>>
      %dma_wait3A_77 = tpu.memref_squeeze %dma_wait3A_76 : memref<1x128x128xf32, #tpu.memory_space<vmem>> -> memref<128x128xf32, #tpu.memory_space<vmem>>
      %dma_wait3A_78 = arith.constant 0 : i32
      %dma_wait3A_79 = arith.constant 0 : i32
      %dma_wait3A_80 = tpu.memref_slice %dma_wait3A_77[%dma_wait3A_78, %dma_wait3A_79] : memref<128x128xf32, #tpu.memory_space<vmem>> -> memref<120x128xf32, #tpu.memory_space<vmem>>
      tpu.wait_dma2 semaphore(%run_scoped3A_46 : memref<!tpu.dma_semaphore, #tpu.memory_space<semaphore_mem>>) src(%dma_wait3A_80 : memref<120x128xf32, #tpu.memory_space<vmem>>) dst(%dma_wait3A_73 : memref<120x128xf32, #tpu.memory_space<vmem_shared>>)
      tpu.yield
    }) : () -> ()
    %barrier3A = arith.constant 0 : index
    tpu.barrier barrier_id(%barrier3A)
    "tpu.region"() ({
      %run_scoped3A_46 = tpu.sem_alloc : memref<!tpu.dma_semaphore, #tpu.memory_space<semaphore_mem>>
      %dma_start3A = arith.constant 0 : i32
      %dma_start3A_47 = arith.constant 0 : i32
      %dma_start3A_48 = tpu.memref_slice %arg3[%add3A, %dma_start3A, %dma_start3A_47] : memref<32x40x128xi32, #tpu.memory_space<hbm>> -> memref<1x40x128xi32, #tpu.memory_space<hbm>>
      %dma_start3A_49 = tpu.memref_squeeze %dma_start3A_48 : memref<1x40x128xi32, #tpu.memory_space<hbm>> -> memref<40x128xi32, #tpu.memory_space<hbm>>
      %dma_start3A_50 = arith.constant 0 : i32
      %dma_start3A_51 = arith.constant 0 : i32
      %dma_start3A_52 = tpu.memref_slice %arg3[%add3A, %dma_start3A_50, %dma_start3A_51] : memref<32x40x128xi32, #tpu.memory_space<hbm>> -> memref<1x40x128xi32, #tpu.memory_space<hbm>>
      %dma_start3A_53 = tpu.memref_squeeze %dma_start3A_52 : memref<1x40x128xi32, #tpu.memory_space<hbm>> -> memref<40x128xi32, #tpu.memory_space<hbm>>
      tpu.enqueue_dma source(%dma_start3A_53 : memref<40x128xi32, #tpu.memory_space<hbm>>) target(%arg8 : memref<40x128xi32, #tpu.memory_space<vmem>>) target_semaphore(%run_scoped3A_46 : memref<!tpu.dma_semaphore, #tpu.memory_space<semaphore_mem>>)
      %dma_wait3A = arith.constant 0 : i32
      %dma_wait3A_54 = arith.constant 0 : i32
      %dma_wait3A_55 = tpu.memref_slice %arg3[%add3A, %dma_wait3A, %dma_wait3A_54] : memref<32x40x128xi32, #tpu.memory_space<hbm>> -> memref<1x40x128xi32, #tpu.memory_space<hbm>>
      %dma_wait3A_56 = tpu.memref_squeeze %dma_wait3A_55 : memref<1x40x128xi32, #tpu.memory_space<hbm>> -> memref<40x128xi32, #tpu.memory_space<hbm>>
      %dma_wait3A_57 = arith.constant 0 : i32
      %dma_wait3A_58 = arith.constant 0 : i32
      %dma_wait3A_59 = tpu.memref_slice %arg3[%add3A, %dma_wait3A_57, %dma_wait3A_58] : memref<32x40x128xi32, #tpu.memory_space<hbm>> -> memref<1x40x128xi32, #tpu.memory_space<hbm>>
      %dma_wait3A_60 = tpu.memref_squeeze %dma_wait3A_59 : memref<1x40x128xi32, #tpu.memory_space<hbm>> -> memref<40x128xi32, #tpu.memory_space<hbm>>
      tpu.wait_dma2 semaphore(%run_scoped3A_46 : memref<!tpu.dma_semaphore, #tpu.memory_space<semaphore_mem>>) src(%dma_wait3A_60 : memref<40x128xi32, #tpu.memory_space<hbm>>) dst(%arg8 : memref<40x128xi32, #tpu.memory_space<vmem>>)
      tpu.yield
    }) : () -> ()
    %scan3A = arith.constant 0 : i32
    %scan3A_26 = arith.constant 0 : i32
    %scan3A_27 = arith.constant 1 : i32
    %scan3A_28 = arith.constant 0 : i32
    %scan3A_29 = arith.constant 20 : i32
    %scan3A_30 = arith.addi %scan3A_28, %scan3A_29 : i32
    %scan3A_31 = arith.constant 1 : i32
    scf.for %scan3A_46 = %scan3A_28 to %scan3A_30 step %scan3A_31  : i32 {
      %mul3A_47 = arith.constant 2 : i32
      %mul3A_48 = arith.muli %mul3A_47, %scan3A_46 : i32
      %mul3A_49 = arith.constant 2 : i32
      %mul3A_50 = arith.muli %mul3A_49, %scan3A_46 : i32
      %add3A_51 = arith.constant 0 : i32
      %add3A_52 = arith.addi %add3A_51, %mul3A_50 : i32
      %dma_start3A = arith.constant 0 : i32
      %dma_start3A_53 = arith.constant 0 : i32
      %dma_start3A_54 = tpu.memref_slice %arg10[%scan3A_26, %dma_start3A, %dma_start3A_53] : memref<2x128x128xf32, #tpu.memory_space<vmem>> -> memref<1x128x128xf32, #tpu.memory_space<vmem>>
      %dma_start3A_55 = tpu.memref_squeeze %dma_start3A_54 : memref<1x128x128xf32, #tpu.memory_space<vmem>> -> memref<128x128xf32, #tpu.memory_space<vmem>>
      %dma_start3A_56 = arith.constant 0 : i32
      %dma_start3A_57 = tpu.memref_slice %arg8[%mul3A_48, %dma_start3A_56] : memref<40x128xi32, #tpu.memory_space<vmem>> -> memref<1x128xi32, #tpu.memory_space<vmem>>
      %dma_start3A_58 = tpu.memref_squeeze %dma_start3A_57 : memref<1x128xi32, #tpu.memory_space<vmem>> -> memref<128xi32, #tpu.memory_space<vmem>>
      %dma_start3A_59 = arith.constant 0 : i32
      %dma_start3A_60 = arith.constant 0 : i32
      %dma_start3A_61 = tpu.memref_slice %arg2[%dma_start3A_59, %dma_start3A_60] : memref<10000x128xf32, #tpu.memory_space<hbm>> -> memref<10000x128xf32, #tpu.memory_space<hbm>>
      tpu.enqueue_indirect_dma source(%dma_start3A_61 : memref<10000x128xf32, #tpu.memory_space<hbm>>) target(%dma_start3A_55 : memref<128x128xf32, #tpu.memory_space<vmem>>) offsets(%dma_start3A_58 : memref<128xi32, #tpu.memory_space<vmem>>) semaphore(%arg12 : memref<!tpu.dma_semaphore, #tpu.memory_space<semaphore_mem>>)
      %dma_wait3A = arith.constant 0 : i32
      %dma_wait3A_62 = arith.constant 0 : i32
      %dma_wait3A_63 = tpu.memref_slice %arg10[%scan3A_26, %dma_wait3A, %dma_wait3A_62] : memref<2x128x128xf32, #tpu.memory_space<vmem>> -> memref<1x128x128xf32, #tpu.memory_space<vmem>>
      %dma_wait3A_64 = tpu.memref_squeeze %dma_wait3A_63 : memref<1x128x128xf32, #tpu.memory_space<vmem>> -> memref<128x128xf32, #tpu.memory_space<vmem>>
      %dma_wait3A_65 = arith.constant 0 : i32
      %dma_wait3A_66 = tpu.memref_slice %arg8[%mul3A_48, %dma_wait3A_65] : memref<40x128xi32, #tpu.memory_space<vmem>> -> memref<1x128xi32, #tpu.memory_space<vmem>>
      %dma_wait3A_67 = tpu.memref_squeeze %dma_wait3A_66 : memref<1x128xi32, #tpu.memory_space<vmem>> -> memref<128xi32, #tpu.memory_space<vmem>>
      %dma_wait3A_68 = arith.constant 0 : i32
      %dma_wait3A_69 = arith.constant 0 : i32
      %dma_wait3A_70 = tpu.memref_slice %arg2[%dma_wait3A_68, %dma_wait3A_69] : memref<10000x128xf32, #tpu.memory_space<hbm>> -> memref<10000x128xf32, #tpu.memory_space<hbm>>
      tpu.wait_indirect_dma semaphore(%arg12 : memref<!tpu.dma_semaphore, #tpu.memory_space<semaphore_mem>>) src(%dma_wait3A_70 : memref<10000x128xf32, #tpu.memory_space<hbm>>) dst(%dma_wait3A_64 : memref<128x128xf32, #tpu.memory_space<vmem>>)
      "tpu.region"() ({
        %run_scoped3A_101 = tpu.sem_alloc : memref<!tpu.dma_semaphore, #tpu.memory_space<semaphore_mem>>
        %dma_start3A_102 = arith.constant 0 : i32
        %dma_start3A_103 = arith.constant 0 : i32
        %dma_start3A_104 = tpu.memref_slice %arg10[%scan3A_26, %dma_start3A_102, %dma_start3A_103] : memref<2x128x128xf32, #tpu.memory_space<vmem>> -> memref<1x128x128xf32, #tpu.memory_space<vmem>>
        %dma_start3A_105 = tpu.memref_squeeze %dma_start3A_104 : memref<1x128x128xf32, #tpu.memory_space<vmem>> -> memref<128x128xf32, #tpu.memory_space<vmem>>
        %dma_start3A_106 = arith.constant 0 : i32
        %dma_start3A_107 = tpu.memref_slice %arg9[%add3A_52, %dma_start3A_106] : memref<80x128xi32, #tpu.memory_space<vmem>> -> memref<1x128xi32, #tpu.memory_space<vmem>>
        %dma_start3A_108 = tpu.memref_squeeze %dma_start3A_107 : memref<1x128xi32, #tpu.memory_space<vmem>> -> memref<128xi32, #tpu.memory_space<vmem>>
        %dma_start3A_109 = arith.constant 0 : i32
        %dma_start3A_110 = arith.constant 0 : i32
        %dma_start3A_111 = tpu.memref_slice %arg11[%dma_start3A_109, %dma_start3A_110] : memref<10112x128xf32, #tpu.memory_space<vmem_shared>> -> memref<10112x128xf32, #tpu.memory_space<vmem_shared>>
        tpu.enqueue_indirect_dma source(%dma_start3A_105 : memref<128x128xf32, #tpu.memory_space<vmem>>) target(%dma_start3A_111 : memref<10112x128xf32, #tpu.memory_space<vmem_shared>>) offsets(%dma_start3A_108 : memref<128xi32, #tpu.memory_space<vmem>>) semaphore(%run_scoped3A_101 : memref<!tpu.dma_semaphore, #tpu.memory_space<semaphore_mem>>) {add = true}
        %dma_wait3A_112 = arith.constant 0 : i32
        %dma_wait3A_113 = arith.constant 0 : i32
        %dma_wait3A_114 = tpu.memref_slice %arg10[%scan3A_26, %dma_wait3A_112, %dma_wait3A_113] : memref<2x128x128xf32, #tpu.memory_space<vmem>> -> memref<1x128x128xf32, #tpu.memory_space<vmem>>
        %dma_wait3A_115 = tpu.memref_squeeze %dma_wait3A_114 : memref<1x128x128xf32, #tpu.memory_space<vmem>> -> memref<128x128xf32, #tpu.memory_space<vmem>>
        %dma_wait3A_116 = arith.constant 0 : i32
        %dma_wait3A_117 = tpu.memref_slice %arg9[%add3A_52, %dma_wait3A_116] : memref<80x128xi32, #tpu.memory_space<vmem>> -> memref<1x128xi32, #tpu.memory_space<vmem>>
        %dma_wait3A_118 = tpu.memref_squeeze %dma_wait3A_117 : memref<1x128xi32, #tpu.memory_space<vmem>> -> memref<128xi32, #tpu.memory_space<vmem>>
        %dma_wait3A_119 = arith.constant 0 : i32
        %dma_wait3A_120 = arith.constant 0 : i32
        %dma_wait3A_121 = tpu.memref_slice %arg11[%dma_wait3A_119, %dma_wait3A_120] : memref<10112x128xf32, #tpu.memory_space<vmem_shared>> -> memref<10112x128xf32, #tpu.memory_space<vmem_shared>>
        tpu.wait_indirect_dma semaphore(%run_scoped3A_101 : memref<!tpu.dma_semaphore, #tpu.memory_space<semaphore_mem>>) src(%dma_wait3A_115 : memref<128x128xf32, #tpu.memory_space<vmem>>) dst(%dma_wait3A_121 : memref<10112x128xf32, #tpu.memory_space<vmem_shared>>)
        tpu.yield
      }) : () -> ()
      %mul3A_71 = arith.constant 2 : i32
      %mul3A_72 = arith.muli %mul3A_71, %scan3A_46 : i32
      %add3A_73 = arith.constant 1 : i32
      %add3A_74 = arith.addi %mul3A_72, %add3A_73 : i32
      %mul3A_75 = arith.constant 2 : i32
      %mul3A_76 = arith.muli %mul3A_75, %scan3A_46 : i32
      %add3A_77 = arith.constant 0 : i32
      %add3A_78 = arith.addi %add3A_77, %mul3A_76 : i32
      %add3A_79 = arith.constant 1 : i32
      %add3A_80 = arith.addi %add3A_78, %add3A_79 : i32
      %dma_start3A_81 = arith.constant 0 : i32
      %dma_start3A_82 = arith.constant 0 : i32
      %dma_start3A_83 = tpu.memref_slice %arg10[%scan3A_27, %dma_start3A_81, %dma_start3A_82] : memref<2x128x128xf32, #tpu.memory_space<vmem>> -> memref<1x128x128xf32, #tpu.memory_space<vmem>>
      %dma_start3A_84 = tpu.memref_squeeze %dma_start3A_83 : memref<1x128x128xf32, #tpu.memory_space<vmem>> -> memref<128x128xf32, #tpu.memory_space<vmem>>
      %dma_start3A_85 = arith.constant 0 : i32
      %dma_start3A_86 = tpu.memref_slice %arg8[%add3A_74, %dma_start3A_85] : memref<40x128xi32, #tpu.memory_space<vmem>> -> memref<1x128xi32, #tpu.memory_space<vmem>>
      %dma_start3A_87 = tpu.memref_squeeze %dma_start3A_86 : memref<1x128xi32, #tpu.memory_space<vmem>> -> memref<128xi32, #tpu.memory_space<vmem>>
      %dma_start3A_88 = arith.constant 0 : i32
      %dma_start3A_89 = arith.constant 0 : i32
      %dma_start3A_90 = tpu.memref_slice %arg2[%dma_start3A_88, %dma_start3A_89] : memref<10000x128xf32, #tpu.memory_space<hbm>> -> memref<10000x128xf32, #tpu.memory_space<hbm>>
      tpu.enqueue_indirect_dma source(%dma_start3A_90 : memref<10000x128xf32, #tpu.memory_space<hbm>>) target(%dma_start3A_84 : memref<128x128xf32, #tpu.memory_space<vmem>>) offsets(%dma_start3A_87 : memref<128xi32, #tpu.memory_space<vmem>>) semaphore(%arg12 : memref<!tpu.dma_semaphore, #tpu.memory_space<semaphore_mem>>)
      %dma_wait3A_91 = arith.constant 0 : i32
      %dma_wait3A_92 = arith.constant 0 : i32
      %dma_wait3A_93 = tpu.memref_slice %arg10[%scan3A_27, %dma_wait3A_91, %dma_wait3A_92] : memref<2x128x128xf32, #tpu.memory_space<vmem>> -> memref<1x128x128xf32, #tpu.memory_space<vmem>>
      %dma_wait3A_94 = tpu.memref_squeeze %dma_wait3A_93 : memref<1x128x128xf32, #tpu.memory_space<vmem>> -> memref<128x128xf32, #tpu.memory_space<vmem>>
      %dma_wait3A_95 = arith.constant 0 : i32
      %dma_wait3A_96 = tpu.memref_slice %arg8[%add3A_74, %dma_wait3A_95] : memref<40x128xi32, #tpu.memory_space<vmem>> -> memref<1x128xi32, #tpu.memory_space<vmem>>
      %dma_wait3A_97 = tpu.memref_squeeze %dma_wait3A_96 : memref<1x128xi32, #tpu.memory_space<vmem>> -> memref<128xi32, #tpu.memory_space<vmem>>
      %dma_wait3A_98 = arith.constant 0 : i32
      %dma_wait3A_99 = arith.constant 0 : i32
      %dma_wait3A_100 = tpu.memref_slice %arg2[%dma_wait3A_98, %dma_wait3A_99] : memref<10000x128xf32, #tpu.memory_space<hbm>> -> memref<10000x128xf32, #tpu.memory_space<hbm>>
      tpu.wait_indirect_dma semaphore(%arg12 : memref<!tpu.dma_semaphore, #tpu.memory_space<semaphore_mem>>) src(%dma_wait3A_100 : memref<10000x128xf32, #tpu.memory_space<hbm>>) dst(%dma_wait3A_94 : memref<128x128xf32, #tpu.memory_space<vmem>>)
      "tpu.region"() ({
        %run_scoped3A_101 = tpu.sem_alloc : memref<!tpu.dma_semaphore, #tpu.memory_space<semaphore_mem>>
        %dma_start3A_102 = arith.constant 0 : i32
        %dma_start3A_103 = arith.constant 0 : i32
        %dma_start3A_104 = tpu.memref_slice %arg10[%scan3A_27, %dma_start3A_102, %dma_start3A_103] : memref<2x128x128xf32, #tpu.memory_space<vmem>> -> memref<1x128x128xf32, #tpu.memory_space<vmem>>
        %dma_start3A_105 = tpu.memref_squeeze %dma_start3A_104 : memref<1x128x128xf32, #tpu.memory_space<vmem>> -> memref<128x128xf32, #tpu.memory_space<vmem>>
        %dma_start3A_106 = arith.constant 0 : i32
        %dma_start3A_107 = tpu.memref_slice %arg9[%add3A_80, %dma_start3A_106] : memref<80x128xi32, #tpu.memory_space<vmem>> -> memref<1x128xi32, #tpu.memory_space<vmem>>
        %dma_start3A_108 = tpu.memref_squeeze %dma_start3A_107 : memref<1x128xi32, #tpu.memory_space<vmem>> -> memref<128xi32, #tpu.memory_space<vmem>>
        %dma_start3A_109 = arith.constant 0 : i32
        %dma_start3A_110 = arith.constant 0 : i32
        %dma_start3A_111 = tpu.memref_slice %arg11[%dma_start3A_109, %dma_start3A_110] : memref<10112x128xf32, #tpu.memory_space<vmem_shared>> -> memref<10112x128xf32, #tpu.memory_space<vmem_shared>>
        tpu.enqueue_indirect_dma source(%dma_start3A_105 : memref<128x128xf32, #tpu.memory_space<vmem>>) target(%dma_start3A_111 : memref<10112x128xf32, #tpu.memory_space<vmem_shared>>) offsets(%dma_start3A_108 : memref<128xi32, #tpu.memory_space<vmem>>) semaphore(%run_scoped3A_101 : memref<!tpu.dma_semaphore, #tpu.memory_space<semaphore_mem>>) {add = true}
        %dma_wait3A_112 = arith.constant 0 : i32
        %dma_wait3A_113 = arith.constant 0 : i32
        %dma_wait3A_114 = tpu.memref_slice %arg10[%scan3A_27, %dma_wait3A_112, %dma_wait3A_113] : memref<2x128x128xf32, #tpu.memory_space<vmem>> -> memref<1x128x128xf32, #tpu.memory_space<vmem>>
        %dma_wait3A_115 = tpu.memref_squeeze %dma_wait3A_114 : memref<1x128x128xf32, #tpu.memory_space<vmem>> -> memref<128x128xf32, #tpu.memory_space<vmem>>
        %dma_wait3A_116 = arith.constant 0 : i32
        %dma_wait3A_117 = tpu.memref_slice %arg9[%add3A_80, %dma_wait3A_116] : memref<80x128xi32, #tpu.memory_space<vmem>> -> memref<1x128xi32, #tpu.memory_space<vmem>>
        %dma_wait3A_118 = tpu.memref_squeeze %dma_wait3A_117 : memref<1x128xi32, #tpu.memory_space<vmem>> -> memref<128xi32, #tpu.memory_space<vmem>>
        %dma_wait3A_119 = arith.constant 0 : i32
        %dma_wait3A_120 = arith.constant 0 : i32
        %dma_wait3A_121 = tpu.memref_slice %arg11[%dma_wait3A_119, %dma_wait3A_120] : memref<10112x128xf32, #tpu.memory_space<vmem_shared>> -> memref<10112x128xf32, #tpu.memory_space<vmem_shared>>
        tpu.wait_indirect_dma semaphore(%run_scoped3A_101 : memref<!tpu.dma_semaphore, #tpu.memory_space<semaphore_mem>>) src(%dma_wait3A_115 : memref<128x128xf32, #tpu.memory_space<vmem>>) dst(%dma_wait3A_121 : memref<10112x128xf32, #tpu.memory_space<vmem_shared>>)
        tpu.yield
      }) : () -> ()
    }
    %scan3A_32 = arith.constant 20 : i32
    "tpu.region"() ({
      %run_scoped3A_46 = tpu.sem_alloc : memref<!tpu.dma_semaphore, #tpu.memory_space<semaphore_mem>>
      %dma_start3A = arith.constant 0 : i32
      %dma_start3A_47 = arith.constant 0 : i32
      %dma_start3A_48 = tpu.memref_slice %arg4[%add3A, %dma_start3A, %dma_start3A_47] : memref<32x40x128xi32, #tpu.memory_space<hbm>> -> memref<1x40x128xi32, #tpu.memory_space<hbm>>
      %dma_start3A_49 = tpu.memref_squeeze %dma_start3A_48 : memref<1x40x128xi32, #tpu.memory_space<hbm>> -> memref<40x128xi32, #tpu.memory_space<hbm>>
      %dma_start3A_50 = arith.constant 0 : i32
      %dma_start3A_51 = arith.constant 0 : i32
      %dma_start3A_52 = tpu.memref_slice %arg4[%add3A, %dma_start3A_50, %dma_start3A_51] : memref<32x40x128xi32, #tpu.memory_space<hbm>> -> memref<1x40x128xi32, #tpu.memory_space<hbm>>
      %dma_start3A_53 = tpu.memref_squeeze %dma_start3A_52 : memref<1x40x128xi32, #tpu.memory_space<hbm>> -> memref<40x128xi32, #tpu.memory_space<hbm>>
      tpu.enqueue_dma source(%dma_start3A_53 : memref<40x128xi32, #tpu.memory_space<hbm>>) target(%arg8 : memref<40x128xi32, #tpu.memory_space<vmem>>) target_semaphore(%run_scoped3A_46 : memref<!tpu.dma_semaphore, #tpu.memory_space<semaphore_mem>>)
      %dma_wait3A = arith.constant 0 : i32
      %dma_wait3A_54 = arith.constant 0 : i32
      %dma_wait3A_55 = tpu.memref_slice %arg4[%add3A, %dma_wait3A, %dma_wait3A_54] : memref<32x40x128xi32, #tpu.memory_space<hbm>> -> memref<1x40x128xi32, #tpu.memory_space<hbm>>
      %dma_wait3A_56 = tpu.memref_squeeze %dma_wait3A_55 : memref<1x40x128xi32, #tpu.memory_space<hbm>> -> memref<40x128xi32, #tpu.memory_space<hbm>>
      %dma_wait3A_57 = arith.constant 0 : i32
      %dma_wait3A_58 = arith.constant 0 : i32
      %dma_wait3A_59 = tpu.memref_slice %arg4[%add3A, %dma_wait3A_57, %dma_wait3A_58] : memref<32x40x128xi32, #tpu.memory_space<hbm>> -> memref<1x40x128xi32, #tpu.memory_space<hbm>>
      %dma_wait3A_60 = tpu.memref_squeeze %dma_wait3A_59 : memref<1x40x128xi32, #tpu.memory_space<hbm>> -> memref<40x128xi32, #tpu.memory_space<hbm>>
      tpu.wait_dma2 semaphore(%run_scoped3A_46 : memref<!tpu.dma_semaphore, #tpu.memory_space<semaphore_mem>>) src(%dma_wait3A_60 : memref<40x128xi32, #tpu.memory_space<hbm>>) dst(%arg8 : memref<40x128xi32, #tpu.memory_space<vmem>>)
      tpu.yield
    }) : () -> ()
    %scan3A_33 = arith.constant 0 : i32
    %scan3A_34 = arith.constant 0 : i32
    %scan3A_35 = arith.constant 1 : i32
    %scan3A_36 = arith.constant 0 : i32
    %scan3A_37 = arith.constant 20 : i32
    %scan3A_38 = arith.addi %scan3A_36, %scan3A_37 : i32
    %scan3A_39 = arith.constant 1 : i32
    scf.for %scan3A_46 = %scan3A_36 to %scan3A_38 step %scan3A_39  : i32 {
      %mul3A_47 = arith.constant 2 : i32
      %mul3A_48 = arith.muli %mul3A_47, %scan3A_46 : i32
      %mul3A_49 = arith.constant 2 : i32
      %mul3A_50 = arith.muli %mul3A_49, %scan3A_46 : i32
      %add3A_51 = arith.constant 40 : i32
      %add3A_52 = arith.addi %add3A_51, %mul3A_50 : i32
      %dma_start3A = arith.constant 0 : i32
      %dma_start3A_53 = arith.constant 0 : i32
      %dma_start3A_54 = tpu.memref_slice %arg10[%scan3A_34, %dma_start3A, %dma_start3A_53] : memref<2x128x128xf32, #tpu.memory_space<vmem>> -> memref<1x128x128xf32, #tpu.memory_space<vmem>>
      %dma_start3A_55 = tpu.memref_squeeze %dma_start3A_54 : memref<1x128x128xf32, #tpu.memory_space<vmem>> -> memref<128x128xf32, #tpu.memory_space<vmem>>
      %dma_start3A_56 = arith.constant 0 : i32
      %dma_start3A_57 = tpu.memref_slice %arg8[%mul3A_48, %dma_start3A_56] : memref<40x128xi32, #tpu.memory_space<vmem>> -> memref<1x128xi32, #tpu.memory_space<vmem>>
      %dma_start3A_58 = tpu.memref_squeeze %dma_start3A_57 : memref<1x128xi32, #tpu.memory_space<vmem>> -> memref<128xi32, #tpu.memory_space<vmem>>
      %dma_start3A_59 = arith.constant 0 : i32
      %dma_start3A_60 = arith.constant 0 : i32
      %dma_start3A_61 = tpu.memref_slice %arg2[%dma_start3A_59, %dma_start3A_60] : memref<10000x128xf32, #tpu.memory_space<hbm>> -> memref<10000x128xf32, #tpu.memory_space<hbm>>
      tpu.enqueue_indirect_dma source(%dma_start3A_61 : memref<10000x128xf32, #tpu.memory_space<hbm>>) target(%dma_start3A_55 : memref<128x128xf32, #tpu.memory_space<vmem>>) offsets(%dma_start3A_58 : memref<128xi32, #tpu.memory_space<vmem>>) semaphore(%arg12 : memref<!tpu.dma_semaphore, #tpu.memory_space<semaphore_mem>>)
      %dma_wait3A = arith.constant 0 : i32
      %dma_wait3A_62 = arith.constant 0 : i32
      %dma_wait3A_63 = tpu.memref_slice %arg10[%scan3A_34, %dma_wait3A, %dma_wait3A_62] : memref<2x128x128xf32, #tpu.memory_space<vmem>> -> memref<1x128x128xf32, #tpu.memory_space<vmem>>
      %dma_wait3A_64 = tpu.memref_squeeze %dma_wait3A_63 : memref<1x128x128xf32, #tpu.memory_space<vmem>> -> memref<128x128xf32, #tpu.memory_space<vmem>>
      %dma_wait3A_65 = arith.constant 0 : i32
      %dma_wait3A_66 = tpu.memref_slice %arg8[%mul3A_48, %dma_wait3A_65] : memref<40x128xi32, #tpu.memory_space<vmem>> -> memref<1x128xi32, #tpu.memory_space<vmem>>
      %dma_wait3A_67 = tpu.memref_squeeze %dma_wait3A_66 : memref<1x128xi32, #tpu.memory_space<vmem>> -> memref<128xi32, #tpu.memory_space<vmem>>
      %dma_wait3A_68 = arith.constant 0 : i32
      %dma_wait3A_69 = arith.constant 0 : i32
      %dma_wait3A_70 = tpu.memref_slice %arg2[%dma_wait3A_68, %dma_wait3A_69] : memref<10000x128xf32, #tpu.memory_space<hbm>> -> memref<10000x128xf32, #tpu.memory_space<hbm>>
      tpu.wait_indirect_dma semaphore(%arg12 : memref<!tpu.dma_semaphore, #tpu.memory_space<semaphore_mem>>) src(%dma_wait3A_70 : memref<10000x128xf32, #tpu.memory_space<hbm>>) dst(%dma_wait3A_64 : memref<128x128xf32, #tpu.memory_space<vmem>>)
      "tpu.region"() ({
        %run_scoped3A_101 = tpu.sem_alloc : memref<!tpu.dma_semaphore, #tpu.memory_space<semaphore_mem>>
        %dma_start3A_102 = arith.constant 0 : i32
        %dma_start3A_103 = arith.constant 0 : i32
        %dma_start3A_104 = tpu.memref_slice %arg10[%scan3A_34, %dma_start3A_102, %dma_start3A_103] : memref<2x128x128xf32, #tpu.memory_space<vmem>> -> memref<1x128x128xf32, #tpu.memory_space<vmem>>
        %dma_start3A_105 = tpu.memref_squeeze %dma_start3A_104 : memref<1x128x128xf32, #tpu.memory_space<vmem>> -> memref<128x128xf32, #tpu.memory_space<vmem>>
        %dma_start3A_106 = arith.constant 0 : i32
        %dma_start3A_107 = tpu.memref_slice %arg9[%add3A_52, %dma_start3A_106] : memref<80x128xi32, #tpu.memory_space<vmem>> -> memref<1x128xi32, #tpu.memory_space<vmem>>
        %dma_start3A_108 = tpu.memref_squeeze %dma_start3A_107 : memref<1x128xi32, #tpu.memory_space<vmem>> -> memref<128xi32, #tpu.memory_space<vmem>>
        %dma_start3A_109 = arith.constant 0 : i32
        %dma_start3A_110 = arith.constant 0 : i32
        %dma_start3A_111 = tpu.memref_slice %arg11[%dma_start3A_109, %dma_start3A_110] : memref<10112x128xf32, #tpu.memory_space<vmem_shared>> -> memref<10112x128xf32, #tpu.memory_space<vmem_shared>>
        tpu.enqueue_indirect_dma source(%dma_start3A_105 : memref<128x128xf32, #tpu.memory_space<vmem>>) target(%dma_start3A_111 : memref<10112x128xf32, #tpu.memory_space<vmem_shared>>) offsets(%dma_start3A_108 : memref<128xi32, #tpu.memory_space<vmem>>) semaphore(%run_scoped3A_101 : memref<!tpu.dma_semaphore, #tpu.memory_space<semaphore_mem>>) {add = true}
        %dma_wait3A_112 = arith.constant 0 : i32
        %dma_wait3A_113 = arith.constant 0 : i32
        %dma_wait3A_114 = tpu.memref_slice %arg10[%scan3A_34, %dma_wait3A_112, %dma_wait3A_113] : memref<2x128x128xf32, #tpu.memory_space<vmem>> -> memref<1x128x128xf32, #tpu.memory_space<vmem>>
        %dma_wait3A_115 = tpu.memref_squeeze %dma_wait3A_114 : memref<1x128x128xf32, #tpu.memory_space<vmem>> -> memref<128x128xf32, #tpu.memory_space<vmem>>
        %dma_wait3A_116 = arith.constant 0 : i32
        %dma_wait3A_117 = tpu.memref_slice %arg9[%add3A_52, %dma_wait3A_116] : memref<80x128xi32, #tpu.memory_space<vmem>> -> memref<1x128xi32, #tpu.memory_space<vmem>>
        %dma_wait3A_118 = tpu.memref_squeeze %dma_wait3A_117 : memref<1x128xi32, #tpu.memory_space<vmem>> -> memref<128xi32, #tpu.memory_space<vmem>>
        %dma_wait3A_119 = arith.constant 0 : i32
        %dma_wait3A_120 = arith.constant 0 : i32
        %dma_wait3A_121 = tpu.memref_slice %arg11[%dma_wait3A_119, %dma_wait3A_120] : memref<10112x128xf32, #tpu.memory_space<vmem_shared>> -> memref<10112x128xf32, #tpu.memory_space<vmem_shared>>
        tpu.wait_indirect_dma semaphore(%run_scoped3A_101 : memref<!tpu.dma_semaphore, #tpu.memory_space<semaphore_mem>>) src(%dma_wait3A_115 : memref<128x128xf32, #tpu.memory_space<vmem>>) dst(%dma_wait3A_121 : memref<10112x128xf32, #tpu.memory_space<vmem_shared>>)
        tpu.yield
      }) : () -> ()
      %mul3A_71 = arith.constant 2 : i32
      %mul3A_72 = arith.muli %mul3A_71, %scan3A_46 : i32
      %add3A_73 = arith.constant 1 : i32
      %add3A_74 = arith.addi %mul3A_72, %add3A_73 : i32
      %mul3A_75 = arith.constant 2 : i32
      %mul3A_76 = arith.muli %mul3A_75, %scan3A_46 : i32
      %add3A_77 = arith.constant 40 : i32
      %add3A_78 = arith.addi %add3A_77, %mul3A_76 : i32
      %add3A_79 = arith.constant 1 : i32
      %add3A_80 = arith.addi %add3A_78, %add3A_79 : i32
      %dma_start3A_81 = arith.constant 0 : i32
      %dma_start3A_82 = arith.constant 0 : i32
      %dma_start3A_83 = tpu.memref_slice %arg10[%scan3A_35, %dma_start3A_81, %dma_start3A_82] : memref<2x128x128xf32, #tpu.memory_space<vmem>> -> memref<1x128x128xf32, #tpu.memory_space<vmem>>
      %dma_start3A_84 = tpu.memref_squeeze %dma_start3A_83 : memref<1x128x128xf32, #tpu.memory_space<vmem>> -> memref<128x128xf32, #tpu.memory_space<vmem>>
      %dma_start3A_85 = arith.constant 0 : i32
      %dma_start3A_86 = tpu.memref_slice %arg8[%add3A_74, %dma_start3A_85] : memref<40x128xi32, #tpu.memory_space<vmem>> -> memref<1x128xi32, #tpu.memory_space<vmem>>
      %dma_start3A_87 = tpu.memref_squeeze %dma_start3A_86 : memref<1x128xi32, #tpu.memory_space<vmem>> -> memref<128xi32, #tpu.memory_space<vmem>>
      %dma_start3A_88 = arith.constant 0 : i32
      %dma_start3A_89 = arith.constant 0 : i32
      %dma_start3A_90 = tpu.memref_slice %arg2[%dma_start3A_88, %dma_start3A_89] : memref<10000x128xf32, #tpu.memory_space<hbm>> -> memref<10000x128xf32, #tpu.memory_space<hbm>>
      tpu.enqueue_indirect_dma source(%dma_start3A_90 : memref<10000x128xf32, #tpu.memory_space<hbm>>) target(%dma_start3A_84 : memref<128x128xf32, #tpu.memory_space<vmem>>) offsets(%dma_start3A_87 : memref<128xi32, #tpu.memory_space<vmem>>) semaphore(%arg12 : memref<!tpu.dma_semaphore, #tpu.memory_space<semaphore_mem>>)
      %dma_wait3A_91 = arith.constant 0 : i32
      %dma_wait3A_92 = arith.constant 0 : i32
      %dma_wait3A_93 = tpu.memref_slice %arg10[%scan3A_35, %dma_wait3A_91, %dma_wait3A_92] : memref<2x128x128xf32, #tpu.memory_space<vmem>> -> memref<1x128x128xf32, #tpu.memory_space<vmem>>
      %dma_wait3A_94 = tpu.memref_squeeze %dma_wait3A_93 : memref<1x128x128xf32, #tpu.memory_space<vmem>> -> memref<128x128xf32, #tpu.memory_space<vmem>>
      %dma_wait3A_95 = arith.constant 0 : i32
      %dma_wait3A_96 = tpu.memref_slice %arg8[%add3A_74, %dma_wait3A_95] : memref<40x128xi32, #tpu.memory_space<vmem>> -> memref<1x128xi32, #tpu.memory_space<vmem>>
      %dma_wait3A_97 = tpu.memref_squeeze %dma_wait3A_96 : memref<1x128xi32, #tpu.memory_space<vmem>> -> memref<128xi32, #tpu.memory_space<vmem>>
      %dma_wait3A_98 = arith.constant 0 : i32
      %dma_wait3A_99 = arith.constant 0 : i32
      %dma_wait3A_100 = tpu.memref_slice %arg2[%dma_wait3A_98, %dma_wait3A_99] : memref<10000x128xf32, #tpu.memory_space<hbm>> -> memref<10000x128xf32, #tpu.memory_space<hbm>>
      tpu.wait_indirect_dma semaphore(%arg12 : memref<!tpu.dma_semaphore, #tpu.memory_space<semaphore_mem>>) src(%dma_wait3A_100 : memref<10000x128xf32, #tpu.memory_space<hbm>>) dst(%dma_wait3A_94 : memref<128x128xf32, #tpu.memory_space<vmem>>)
      "tpu.region"() ({
        %run_scoped3A_101 = tpu.sem_alloc : memref<!tpu.dma_semaphore, #tpu.memory_space<semaphore_mem>>
        %dma_start3A_102 = arith.constant 0 : i32
        %dma_start3A_103 = arith.constant 0 : i32
        %dma_start3A_104 = tpu.memref_slice %arg10[%scan3A_35, %dma_start3A_102, %dma_start3A_103] : memref<2x128x128xf32, #tpu.memory_space<vmem>> -> memref<1x128x128xf32, #tpu.memory_space<vmem>>
        %dma_start3A_105 = tpu.memref_squeeze %dma_start3A_104 : memref<1x128x128xf32, #tpu.memory_space<vmem>> -> memref<128x128xf32, #tpu.memory_space<vmem>>
        %dma_start3A_106 = arith.constant 0 : i32
        %dma_start3A_107 = tpu.memref_slice %arg9[%add3A_80, %dma_start3A_106] : memref<80x128xi32, #tpu.memory_space<vmem>> -> memref<1x128xi32, #tpu.memory_space<vmem>>
        %dma_start3A_108 = tpu.memref_squeeze %dma_start3A_107 : memref<1x128xi32, #tpu.memory_space<vmem>> -> memref<128xi32, #tpu.memory_space<vmem>>
        %dma_start3A_109 = arith.constant 0 : i32
        %dma_start3A_110 = arith.constant 0 : i32
        %dma_start3A_111 = tpu.memref_slice %arg11[%dma_start3A_109, %dma_start3A_110] : memref<10112x128xf32, #tpu.memory_space<vmem_shared>> -> memref<10112x128xf32, #tpu.memory_space<vmem_shared>>
        tpu.enqueue_indirect_dma source(%dma_start3A_105 : memref<128x128xf32, #tpu.memory_space<vmem>>) target(%dma_start3A_111 : memref<10112x128xf32, #tpu.memory_space<vmem_shared>>) offsets(%dma_start3A_108 : memref<128xi32, #tpu.memory_space<vmem>>) semaphore(%run_scoped3A_101 : memref<!tpu.dma_semaphore, #tpu.memory_space<semaphore_mem>>) {add = true}
        %dma_wait3A_112 = arith.constant 0 : i32
        %dma_wait3A_113 = arith.constant 0 : i32
        %dma_wait3A_114 = tpu.memref_slice %arg10[%scan3A_35, %dma_wait3A_112, %dma_wait3A_113] : memref<2x128x128xf32, #tpu.memory_space<vmem>> -> memref<1x128x128xf32, #tpu.memory_space<vmem>>
        %dma_wait3A_115 = tpu.memref_squeeze %dma_wait3A_114 : memref<1x128x128xf32, #tpu.memory_space<vmem>> -> memref<128x128xf32, #tpu.memory_space<vmem>>
        %dma_wait3A_116 = arith.constant 0 : i32
        %dma_wait3A_117 = tpu.memref_slice %arg9[%add3A_80, %dma_wait3A_116] : memref<80x128xi32, #tpu.memory_space<vmem>> -> memref<1x128xi32, #tpu.memory_space<vmem>>
        %dma_wait3A_118 = tpu.memref_squeeze %dma_wait3A_117 : memref<1x128xi32, #tpu.memory_space<vmem>> -> memref<128xi32, #tpu.memory_space<vmem>>
        %dma_wait3A_119 = arith.constant 0 : i32
        %dma_wait3A_120 = arith.constant 0 : i32
        %dma_wait3A_121 = tpu.memref_slice %arg11[%dma_wait3A_119, %dma_wait3A_120] : memref<10112x128xf32, #tpu.memory_space<vmem_shared>> -> memref<10112x128xf32, #tpu.memory_space<vmem_shared>>
        tpu.wait_indirect_dma semaphore(%run_scoped3A_101 : memref<!tpu.dma_semaphore, #tpu.memory_space<semaphore_mem>>) src(%dma_wait3A_115 : memref<128x128xf32, #tpu.memory_space<vmem>>) dst(%dma_wait3A_121 : memref<10112x128xf32, #tpu.memory_space<vmem_shared>>)
        tpu.yield
      }) : () -> ()
    }
    %scan3A_40 = arith.constant 20 : i32
    %barrier3A_41 = arith.constant 0 : index
    tpu.barrier barrier_id(%barrier3A_41)
    %mul3A_42 = arith.constant 632 : i32
    %mul3A_43 = arith.muli %arg1, %mul3A_42 : i32
    %mul3A_44 = arith.constant 632 : i32
    %mul3A_45 = arith.muli %arg1, %mul3A_44 : i32
    "tpu.region"() ({
      %run_scoped3A_46 = tpu.sem_alloc : memref<!tpu.dma_semaphore, #tpu.memory_space<semaphore_mem>>
      %dma_start3A = arith.constant 0 : i32
      %dma_start3A_47 = arith.constant 0 : i32
      %dma_start3A_48 = tpu.memref_slice %arg7[%arg0, %dma_start3A, %dma_start3A_47] : memref<2x10112x128xf32, #tpu.memory_space<hbm>> -> memref<1x10112x128xf32, #tpu.memory_space<hbm>>
      %dma_start3A_49 = tpu.memref_squeeze %dma_start3A_48 : memref<1x10112x128xf32, #tpu.memory_space<hbm>> -> memref<10112x128xf32, #tpu.memory_space<hbm>>
      %dma_start3A_50 = arith.constant 0 : i32
      %dma_start3A_51 = tpu.memref_slice %dma_start3A_49[%mul3A_45, %dma_start3A_50] : memref<10112x128xf32, #tpu.memory_space<hbm>> -> memref<632x128xf32, #tpu.memory_space<hbm>>
      %dma_start3A_52 = arith.constant 0 : i32
      %dma_start3A_53 = tpu.memref_slice %arg11[%mul3A_43, %dma_start3A_52] : memref<10112x128xf32, #tpu.memory_space<vmem_shared>> -> memref<632x128xf32, #tpu.memory_space<vmem_shared>>
      tpu.enqueue_dma source(%dma_start3A_53 : memref<632x128xf32, #tpu.memory_space<vmem_shared>>) target(%dma_start3A_51 : memref<632x128xf32, #tpu.memory_space<hbm>>) target_semaphore(%run_scoped3A_46 : memref<!tpu.dma_semaphore, #tpu.memory_space<semaphore_mem>>)
      %dma_wait3A = arith.constant 0 : i32
      %dma_wait3A_54 = arith.constant 0 : i32
      %dma_wait3A_55 = tpu.memref_slice %arg7[%arg0, %dma_wait3A, %dma_wait3A_54] : memref<2x10112x128xf32, #tpu.memory_space<hbm>> -> memref<1x10112x128xf32, #tpu.memory_space<hbm>>
      %dma_wait3A_56 = tpu.memref_squeeze %dma_wait3A_55 : memref<1x10112x128xf32, #tpu.memory_space<hbm>> -> memref<10112x128xf32, #tpu.memory_space<hbm>>
      %dma_wait3A_57 = arith.constant 0 : i32
      %dma_wait3A_58 = tpu.memref_slice %dma_wait3A_56[%mul3A_45, %dma_wait3A_57] : memref<10112x128xf32, #tpu.memory_space<hbm>> -> memref<632x128xf32, #tpu.memory_space<hbm>>
      %dma_wait3A_59 = arith.constant 0 : i32
      %dma_wait3A_60 = tpu.memref_slice %arg11[%mul3A_43, %dma_wait3A_59] : memref<10112x128xf32, #tpu.memory_space<vmem_shared>> -> memref<632x128xf32, #tpu.memory_space<vmem_shared>>
      tpu.wait_dma2 semaphore(%run_scoped3A_46 : memref<!tpu.dma_semaphore, #tpu.memory_space<semaphore_mem>>) src(%dma_wait3A_60 : memref<632x128xf32, #tpu.memory_space<vmem_shared>>) dst(%dma_wait3A_58 : memref<632x128xf32, #tpu.memory_space<hbm>>)
      tpu.yield
    }) : () -> ()
    return
  }
}

#map = affine_map<(d0, d1) -> (0, 0)>
#map1 = affine_map<(d0, d1) -> (0, 0, 0)>
module attributes {stable_mosaic.version = 14 : i64} {
  func.func @_sc_body(%arg0: i32, %arg1: i32, %arg2: memref<10000x128xf32, #tpu.memory_space<hbm>>, %arg3: memref<32x40x128xi32, #tpu.memory_space<hbm>>, %arg4: memref<32x40x128xi32, #tpu.memory_space<hbm>>, %arg5: memref<32x80x128xi32, #tpu.memory_space<hbm>>, %arg6: memref<128x128xf32, #tpu.memory_space<hbm>>, %arg7: memref<2x10112x128xf32, #tpu.memory_space<hbm>>, %arg8: memref<40x128xi32, #tpu.memory_space<vmem>>, %arg9: memref<80x128xi32, #tpu.memory_space<vmem>>, %arg10: memref<2x128x128xf32, #tpu.memory_space<vmem>>, %arg11: memref<10112x128xf32, #tpu.memory_space<vmem_shared>>, %arg12: memref<!tpu.dma_semaphore, #tpu.memory_space<semaphore_mem>>) attributes {dimension_semantics = [#tpu.dimension_semantics<core_parallel>, #tpu.dimension_semantics<subcore_parallel>], iteration_bounds = array<i64: 2, 16>, scalar_prefetch = 0 : i64, scratch_operands = 5 : i64, tpu.core_type = #tpu.core_type<sc_vector_subcore>, window_params = [{transform_indices = #map}, {transform_indices = #map1}, {transform_indices = #map1}, {transform_indices = #map1}, {transform_indices = #map}, {transform_indices = #map1}]} {
    %mul3A = arith.constant 16 : i32
    %mul3A_0 = arith.muli %arg0, %mul3A : i32
    %add3A = arith.addi %mul3A_0, %arg1 : i32
    "tpu.region"() ({
      %run_scoped3A_46 = tpu.sem_alloc : memref<!tpu.dma_semaphore, #tpu.memory_space<semaphore_mem>>
      %dma_start3A = arith.constant 0 : i32
      %dma_start3A_47 = arith.constant 0 : i32
      %dma_start3A_48 = tpu.memref_slice %arg5[%add3A, %dma_start3A, %dma_start3A_47] : memref<32x80x128xi32, #tpu.memory_space<hbm>> -> memref<1x80x128xi32, #tpu.memory_space<hbm>>
      %dma_start3A_49 = tpu.memref_squeeze %dma_start3A_48 : memref<1x80x128xi32, #tpu.memory_space<hbm>> -> memref<80x128xi32, #tpu.memory_space<hbm>>
      %dma_start3A_50 = arith.constant 0 : i32
      %dma_start3A_51 = arith.constant 0 : i32
      %dma_start3A_52 = tpu.memref_slice %arg5[%add3A, %dma_start3A_50, %dma_start3A_51] : memref<32x80x128xi32, #tpu.memory_space<hbm>> -> memref<1x80x128xi32, #tpu.memory_space<hbm>>
      %dma_start3A_53 = tpu.memref_squeeze %dma_start3A_52 : memref<1x80x128xi32, #tpu.memory_space<hbm>> -> memref<80x128xi32, #tpu.memory_space<hbm>>
      tpu.enqueue_dma source(%dma_start3A_53 : memref<80x128xi32, #tpu.memory_space<hbm>>) target(%arg9 : memref<80x128xi32, #tpu.memory_space<vmem>>) target_semaphore(%run_scoped3A_46 : memref<!tpu.dma_semaphore, #tpu.memory_space<semaphore_mem>>)
      %dma_wait3A = arith.constant 0 : i32
      %dma_wait3A_54 = arith.constant 0 : i32
      %dma_wait3A_55 = tpu.memref_slice %arg5[%add3A, %dma_wait3A, %dma_wait3A_54] : memref<32x80x128xi32, #tpu.memory_space<hbm>> -> memref<1x80x128xi32, #tpu.memory_space<hbm>>
      %dma_wait3A_56 = tpu.memref_squeeze %dma_wait3A_55 : memref<1x80x128xi32, #tpu.memory_space<hbm>> -> memref<80x128xi32, #tpu.memory_space<hbm>>
      %dma_wait3A_57 = arith.constant 0 : i32
      %dma_wait3A_58 = arith.constant 0 : i32
      %dma_wait3A_59 = tpu.memref_slice %arg5[%add3A, %dma_wait3A_57, %dma_wait3A_58] : memref<32x80x128xi32, #tpu.memory_space<hbm>> -> memref<1x80x128xi32, #tpu.memory_space<hbm>>
      %dma_wait3A_60 = tpu.memref_squeeze %dma_wait3A_59 : memref<1x80x128xi32, #tpu.memory_space<hbm>> -> memref<80x128xi32, #tpu.memory_space<hbm>>
      tpu.wait_dma2 semaphore(%run_scoped3A_46 : memref<!tpu.dma_semaphore, #tpu.memory_space<semaphore_mem>>) src(%dma_wait3A_60 : memref<80x128xi32, #tpu.memory_space<hbm>>) dst(%arg9 : memref<80x128xi32, #tpu.memory_space<vmem>>)
      tpu.yield
    }) : () -> ()
    %run_scoped3A = arith.constant 0 : i32
    "tpu.region"() ({
      %run_scoped3A_46 = tpu.sem_alloc : memref<!tpu.dma_semaphore, #tpu.memory_space<semaphore_mem>>
      %dma_start3A = arith.constant 0 : i32
      %dma_start3A_47 = arith.constant 0 : i32
      %dma_start3A_48 = tpu.memref_slice %arg10[%run_scoped3A, %dma_start3A, %dma_start3A_47] : memref<2x128x128xf32, #tpu.memory_space<vmem>> -> memref<1x128x128xf32, #tpu.memory_space<vmem>>
      %dma_start3A_49 = tpu.memref_squeeze %dma_start3A_48 : memref<1x128x128xf32, #tpu.memory_space<vmem>> -> memref<128x128xf32, #tpu.memory_space<vmem>>
      %dma_start3A_50 = arith.constant 0 : i32
      %dma_start3A_51 = arith.constant 0 : i32
      %dma_start3A_52 = tpu.memref_slice %arg10[%run_scoped3A, %dma_start3A_50, %dma_start3A_51] : memref<2x128x128xf32, #tpu.memory_space<vmem>> -> memref<1x128x128xf32, #tpu.memory_space<vmem>>
      %dma_start3A_53 = tpu.memref_squeeze %dma_start3A_52 : memref<1x128x128xf32, #tpu.memory_space<vmem>> -> memref<128x128xf32, #tpu.memory_space<vmem>>
      tpu.enqueue_dma source(%arg6 : memref<128x128xf32, #tpu.memory_space<hbm>>) target(%dma_start3A_53 : memref<128x128xf32, #tpu.memory_space<vmem>>) target_semaphore(%run_scoped3A_46 : memref<!tpu.dma_semaphore, #tpu.memory_space<semaphore_mem>>)
      %dma_wait3A = arith.constant 0 : i32
      %dma_wait3A_54 = arith.constant 0 : i32
      %dma_wait3A_55 = tpu.memref_slice %arg10[%run_scoped3A, %dma_wait3A, %dma_wait3A_54] : memref<2x128x128xf32, #tpu.memory_space<vmem>> -> memref<1x128x128xf32, #tpu.memory_space<vmem>>
      %dma_wait3A_56 = tpu.memref_squeeze %dma_wait3A_55 : memref<1x128x128xf32, #tpu.memory_space<vmem>> -> memref<128x128xf32, #tpu.memory_space<vmem>>
      %dma_wait3A_57 = arith.constant 0 : i32
      %dma_wait3A_58 = arith.constant 0 : i32
      %dma_wait3A_59 = tpu.memref_slice %arg10[%run_scoped3A, %dma_wait3A_57, %dma_wait3A_58] : memref<2x128x128xf32, #tpu.memory_space<vmem>> -> memref<1x128x128xf32, #tpu.memory_space<vmem>>
      %dma_wait3A_60 = tpu.memref_squeeze %dma_wait3A_59 : memref<1x128x128xf32, #tpu.memory_space<vmem>> -> memref<128x128xf32, #tpu.memory_space<vmem>>
      tpu.wait_dma2 semaphore(%run_scoped3A_46 : memref<!tpu.dma_semaphore, #tpu.memory_space<semaphore_mem>>) src(%arg6 : memref<128x128xf32, #tpu.memory_space<hbm>>) dst(%dma_wait3A_60 : memref<128x128xf32, #tpu.memory_space<vmem>>)
      tpu.yield
    }) : () -> ()
    %mul3A_1 = arith.constant 632 : i32
    %mul3A_2 = arith.muli %arg1, %mul3A_1 : i32
    %add3A_3 = arith.constant 0 : i32
    %add3A_4 = arith.addi %mul3A_2, %add3A_3 : i32
    %run_scoped3A_5 = arith.constant 0 : i32
    "tpu.region"() ({
      %run_scoped3A_46 = tpu.sem_alloc : memref<!tpu.dma_semaphore, #tpu.memory_space<semaphore_mem>>
      %dma_start3A = arith.constant 0 : i32
      %dma_start3A_47 = arith.constant 0 : i32
      %dma_start3A_48 = tpu.memref_slice %arg10[%run_scoped3A_5, %dma_start3A, %dma_start3A_47] : memref<2x128x128xf32, #tpu.memory_space<vmem>> -> memref<1x128x128xf32, #tpu.memory_space<vmem>>
      %dma_start3A_49 = tpu.memref_squeeze %dma_start3A_48 : memref<1x128x128xf32, #tpu.memory_space<vmem>> -> memref<128x128xf32, #tpu.memory_space<vmem>>
      %dma_start3A_50 = arith.constant 0 : i32
      %dma_start3A_51 = tpu.memref_slice %arg11[%add3A_4, %dma_start3A_50] : memref<10112x128xf32, #tpu.memory_space<vmem_shared>> -> memref<128x128xf32, #tpu.memory_space<vmem_shared>>
      %dma_start3A_52 = arith.constant 0 : i32
      %dma_start3A_53 = tpu.memref_slice %arg11[%add3A_4, %dma_start3A_52] : memref<10112x128xf32, #tpu.memory_space<vmem_shared>> -> memref<128x128xf32, #tpu.memory_space<vmem_shared>>
      %dma_start3A_54 = arith.constant 0 : i32
      %dma_start3A_55 = arith.constant 0 : i32
      %dma_start3A_56 = tpu.memref_slice %arg10[%run_scoped3A_5, %dma_start3A_54, %dma_start3A_55] : memref<2x128x128xf32, #tpu.memory_space<vmem>> -> memref<1x128x128xf32, #tpu.memory_space<vmem>>
      %dma_start3A_57 = tpu.memref_squeeze %dma_start3A_56 : memref<1x128x128xf32, #tpu.memory_space<vmem>> -> memref<128x128xf32, #tpu.memory_space<vmem>>
      tpu.enqueue_dma source(%dma_start3A_57 : memref<128x128xf32, #tpu.memory_space<vmem>>) target(%dma_start3A_53 : memref<128x128xf32, #tpu.memory_space<vmem_shared>>) target_semaphore(%run_scoped3A_46 : memref<!tpu.dma_semaphore, #tpu.memory_space<semaphore_mem>>)
      %dma_wait3A = arith.constant 0 : i32
      %dma_wait3A_58 = arith.constant 0 : i32
      %dma_wait3A_59 = tpu.memref_slice %arg10[%run_scoped3A_5, %dma_wait3A, %dma_wait3A_58] : memref<2x128x128xf32, #tpu.memory_space<vmem>> -> memref<1x128x128xf32, #tpu.memory_space<vmem>>
      %dma_wait3A_60 = tpu.memref_squeeze %dma_wait3A_59 : memref<1x128x128xf32, #tpu.memory_space<vmem>> -> memref<128x128xf32, #tpu.memory_space<vmem>>
      %dma_wait3A_61 = arith.constant 0 : i32
      %dma_wait3A_62 = tpu.memref_slice %arg11[%add3A_4, %dma_wait3A_61] : memref<10112x128xf32, #tpu.memory_space<vmem_shared>> -> memref<128x128xf32, #tpu.memory_space<vmem_shared>>
      %dma_wait3A_63 = arith.constant 0 : i32
      %dma_wait3A_64 = tpu.memref_slice %arg11[%add3A_4, %dma_wait3A_63] : memref<10112x128xf32, #tpu.memory_space<vmem_shared>> -> memref<128x128xf32, #tpu.memory_space<vmem_shared>>
      %dma_wait3A_65 = arith.constant 0 : i32
      %dma_wait3A_66 = arith.constant 0 : i32
      %dma_wait3A_67 = tpu.memref_slice %arg10[%run_scoped3A_5, %dma_wait3A_65, %dma_wait3A_66] : memref<2x128x128xf32, #tpu.memory_space<vmem>> -> memref<1x128x128xf32, #tpu.memory_space<vmem>>
      %dma_wait3A_68 = tpu.memref_squeeze %dma_wait3A_67 : memref<1x128x128xf32, #tpu.memory_space<vmem>> -> memref<128x128xf32, #tpu.memory_space<vmem>>
      tpu.wait_dma2 semaphore(%run_scoped3A_46 : memref<!tpu.dma_semaphore, #tpu.memory_space<semaphore_mem>>) src(%dma_wait3A_68 : memref<128x128xf32, #tpu.memory_space<vmem>>) dst(%dma_wait3A_64 : memref<128x128xf32, #tpu.memory_space<vmem_shared>>)
      tpu.yield
    }) : () -> ()
    %mul3A_6 = arith.constant 632 : i32
    %mul3A_7 = arith.muli %arg1, %mul3A_6 : i32
    %add3A_8 = arith.constant 128 : i32
    %add3A_9 = arith.addi %mul3A_7, %add3A_8 : i32
    %run_scoped3A_10 = arith.constant 0 : i32
    "tpu.region"() ({
      %run_scoped3A_46 = tpu.sem_alloc : memref<!tpu.dma_semaphore, #tpu.memory_space<semaphore_mem>>
      %dma_start3A = arith.constant 0 : i32
      %dma_start3A_47 = arith.constant 0 : i32
      %dma_start3A_48 = tpu.memref_slice %arg10[%run_scoped3A_10, %dma_start3A, %dma_start3A_47] : memref<2x128x128xf32, #tpu.memory_space<vmem>> -> memref<1x128x128xf32, #tpu.memory_space<vmem>>
      %dma_start3A_49 = tpu.memref_squeeze %dma_start3A_48 : memref<1x128x128xf32, #tpu.memory_space<vmem>> -> memref<128x128xf32, #tpu.memory_space<vmem>>
      %dma_start3A_50 = arith.constant 0 : i32
      %dma_start3A_51 = tpu.memref_slice %arg11[%add3A_9, %dma_start3A_50] : memref<10112x128xf32, #tpu.memory_space<vmem_shared>> -> memref<128x128xf32, #tpu.memory_space<vmem_shared>>
      %dma_start3A_52 = arith.constant 0 : i32
      %dma_start3A_53 = tpu.memref_slice %arg11[%add3A_9, %dma_start3A_52] : memref<10112x128xf32, #tpu.memory_space<vmem_shared>> -> memref<128x128xf32, #tpu.memory_space<vmem_shared>>
      %dma_start3A_54 = arith.constant 0 : i32
      %dma_start3A_55 = arith.constant 0 : i32
      %dma_start3A_56 = tpu.memref_slice %arg10[%run_scoped3A_10, %dma_start3A_54, %dma_start3A_55] : memref<2x128x128xf32, #tpu.memory_space<vmem>> -> memref<1x128x128xf32, #tpu.memory_space<vmem>>
      %dma_start3A_57 = tpu.memref_squeeze %dma_start3A_56 : memref<1x128x128xf32, #tpu.memory_space<vmem>> -> memref<128x128xf32, #tpu.memory_space<vmem>>
      tpu.enqueue_dma source(%dma_start3A_57 : memref<128x128xf32, #tpu.memory_space<vmem>>) target(%dma_start3A_53 : memref<128x128xf32, #tpu.memory_space<vmem_shared>>) target_semaphore(%run_scoped3A_46 : memref<!tpu.dma_semaphore, #tpu.memory_space<semaphore_mem>>)
      %dma_wait3A = arith.constant 0 : i32
      %dma_wait3A_58 = arith.constant 0 : i32
      %dma_wait3A_59 = tpu.memref_slice %arg10[%run_scoped3A_10, %dma_wait3A, %dma_wait3A_58] : memref<2x128x128xf32, #tpu.memory_space<vmem>> -> memref<1x128x128xf32, #tpu.memory_space<vmem>>
      %dma_wait3A_60 = tpu.memref_squeeze %dma_wait3A_59 : memref<1x128x128xf32, #tpu.memory_space<vmem>> -> memref<128x128xf32, #tpu.memory_space<vmem>>
      %dma_wait3A_61 = arith.constant 0 : i32
      %dma_wait3A_62 = tpu.memref_slice %arg11[%add3A_9, %dma_wait3A_61] : memref<10112x128xf32, #tpu.memory_space<vmem_shared>> -> memref<128x128xf32, #tpu.memory_space<vmem_shared>>
      %dma_wait3A_63 = arith.constant 0 : i32
      %dma_wait3A_64 = tpu.memref_slice %arg11[%add3A_9, %dma_wait3A_63] : memref<10112x128xf32, #tpu.memory_space<vmem_shared>> -> memref<128x128xf32, #tpu.memory_space<vmem_shared>>
      %dma_wait3A_65 = arith.constant 0 : i32
      %dma_wait3A_66 = arith.constant 0 : i32
      %dma_wait3A_67 = tpu.memref_slice %arg10[%run_scoped3A_10, %dma_wait3A_65, %dma_wait3A_66] : memref<2x128x128xf32, #tpu.memory_space<vmem>> -> memref<1x128x128xf32, #tpu.memory_space<vmem>>
      %dma_wait3A_68 = tpu.memref_squeeze %dma_wait3A_67 : memref<1x128x128xf32, #tpu.memory_space<vmem>> -> memref<128x128xf32, #tpu.memory_space<vmem>>
      tpu.wait_dma2 semaphore(%run_scoped3A_46 : memref<!tpu.dma_semaphore, #tpu.memory_space<semaphore_mem>>) src(%dma_wait3A_68 : memref<128x128xf32, #tpu.memory_space<vmem>>) dst(%dma_wait3A_64 : memref<128x128xf32, #tpu.memory_space<vmem_shared>>)
      tpu.yield
    }) : () -> ()
    %mul3A_11 = arith.constant 632 : i32
    %mul3A_12 = arith.muli %arg1, %mul3A_11 : i32
    %add3A_13 = arith.constant 256 : i32
    %add3A_14 = arith.addi %mul3A_12, %add3A_13 : i32
    %run_scoped3A_15 = arith.constant 0 : i32
    "tpu.region"() ({
      %run_scoped3A_46 = tpu.sem_alloc : memref<!tpu.dma_semaphore, #tpu.memory_space<semaphore_mem>>
      %dma_start3A = arith.constant 0 : i32
      %dma_start3A_47 = arith.constant 0 : i32
      %dma_start3A_48 = tpu.memref_slice %arg10[%run_scoped3A_15, %dma_start3A, %dma_start3A_47] : memref<2x128x128xf32, #tpu.memory_space<vmem>> -> memref<1x128x128xf32, #tpu.memory_space<vmem>>
      %dma_start3A_49 = tpu.memref_squeeze %dma_start3A_48 : memref<1x128x128xf32, #tpu.memory_space<vmem>> -> memref<128x128xf32, #tpu.memory_space<vmem>>
      %dma_start3A_50 = arith.constant 0 : i32
      %dma_start3A_51 = tpu.memref_slice %arg11[%add3A_14, %dma_start3A_50] : memref<10112x128xf32, #tpu.memory_space<vmem_shared>> -> memref<128x128xf32, #tpu.memory_space<vmem_shared>>
      %dma_start3A_52 = arith.constant 0 : i32
      %dma_start3A_53 = tpu.memref_slice %arg11[%add3A_14, %dma_start3A_52] : memref<10112x128xf32, #tpu.memory_space<vmem_shared>> -> memref<128x128xf32, #tpu.memory_space<vmem_shared>>
      %dma_start3A_54 = arith.constant 0 : i32
      %dma_start3A_55 = arith.constant 0 : i32
      %dma_start3A_56 = tpu.memref_slice %arg10[%run_scoped3A_15, %dma_start3A_54, %dma_start3A_55] : memref<2x128x128xf32, #tpu.memory_space<vmem>> -> memref<1x128x128xf32, #tpu.memory_space<vmem>>
      %dma_start3A_57 = tpu.memref_squeeze %dma_start3A_56 : memref<1x128x128xf32, #tpu.memory_space<vmem>> -> memref<128x128xf32, #tpu.memory_space<vmem>>
      tpu.enqueue_dma source(%dma_start3A_57 : memref<128x128xf32, #tpu.memory_space<vmem>>) target(%dma_start3A_53 : memref<128x128xf32, #tpu.memory_space<vmem_shared>>) target_semaphore(%run_scoped3A_46 : memref<!tpu.dma_semaphore, #tpu.memory_space<semaphore_mem>>)
      %dma_wait3A = arith.constant 0 : i32
      %dma_wait3A_58 = arith.constant 0 : i32
      %dma_wait3A_59 = tpu.memref_slice %arg10[%run_scoped3A_15, %dma_wait3A, %dma_wait3A_58] : memref<2x128x128xf32, #tpu.memory_space<vmem>> -> memref<1x128x128xf32, #tpu.memory_space<vmem>>
      %dma_wait3A_60 = tpu.memref_squeeze %dma_wait3A_59 : memref<1x128x128xf32, #tpu.memory_space<vmem>> -> memref<128x128xf32, #tpu.memory_space<vmem>>
      %dma_wait3A_61 = arith.constant 0 : i32
      %dma_wait3A_62 = tpu.memref_slice %arg11[%add3A_14, %dma_wait3A_61] : memref<10112x128xf32, #tpu.memory_space<vmem_shared>> -> memref<128x128xf32, #tpu.memory_space<vmem_shared>>
      %dma_wait3A_63 = arith.constant 0 : i32
      %dma_wait3A_64 = tpu.memref_slice %arg11[%add3A_14, %dma_wait3A_63] : memref<10112x128xf32, #tpu.memory_space<vmem_shared>> -> memref<128x128xf32, #tpu.memory_space<vmem_shared>>
      %dma_wait3A_65 = arith.constant 0 : i32
      %dma_wait3A_66 = arith.constant 0 : i32
      %dma_wait3A_67 = tpu.memref_slice %arg10[%run_scoped3A_15, %dma_wait3A_65, %dma_wait3A_66] : memref<2x128x128xf32, #tpu.memory_space<vmem>> -> memref<1x128x128xf32, #tpu.memory_space<vmem>>
      %dma_wait3A_68 = tpu.memref_squeeze %dma_wait3A_67 : memref<1x128x128xf32, #tpu.memory_space<vmem>> -> memref<128x128xf32, #tpu.memory_space<vmem>>
      tpu.wait_dma2 semaphore(%run_scoped3A_46 : memref<!tpu.dma_semaphore, #tpu.memory_space<semaphore_mem>>) src(%dma_wait3A_68 : memref<128x128xf32, #tpu.memory_space<vmem>>) dst(%dma_wait3A_64 : memref<128x128xf32, #tpu.memory_space<vmem_shared>>)
      tpu.yield
    }) : () -> ()
    %mul3A_16 = arith.constant 632 : i32
    %mul3A_17 = arith.muli %arg1, %mul3A_16 : i32
    %add3A_18 = arith.constant 384 : i32
    %add3A_19 = arith.addi %mul3A_17, %add3A_18 : i32
    %run_scoped3A_20 = arith.constant 0 : i32
    "tpu.region"() ({
      %run_scoped3A_46 = tpu.sem_alloc : memref<!tpu.dma_semaphore, #tpu.memory_space<semaphore_mem>>
      %dma_start3A = arith.constant 0 : i32
      %dma_start3A_47 = arith.constant 0 : i32
      %dma_start3A_48 = tpu.memref_slice %arg10[%run_scoped3A_20, %dma_start3A, %dma_start3A_47] : memref<2x128x128xf32, #tpu.memory_space<vmem>> -> memref<1x128x128xf32, #tpu.memory_space<vmem>>
      %dma_start3A_49 = tpu.memref_squeeze %dma_start3A_48 : memref<1x128x128xf32, #tpu.memory_space<vmem>> -> memref<128x128xf32, #tpu.memory_space<vmem>>
      %dma_start3A_50 = arith.constant 0 : i32
      %dma_start3A_51 = tpu.memref_slice %arg11[%add3A_19, %dma_start3A_50] : memref<10112x128xf32, #tpu.memory_space<vmem_shared>> -> memref<128x128xf32, #tpu.memory_space<vmem_shared>>
      %dma_start3A_52 = arith.constant 0 : i32
      %dma_start3A_53 = tpu.memref_slice %arg11[%add3A_19, %dma_start3A_52] : memref<10112x128xf32, #tpu.memory_space<vmem_shared>> -> memref<128x128xf32, #tpu.memory_space<vmem_shared>>
      %dma_start3A_54 = arith.constant 0 : i32
      %dma_start3A_55 = arith.constant 0 : i32
      %dma_start3A_56 = tpu.memref_slice %arg10[%run_scoped3A_20, %dma_start3A_54, %dma_start3A_55] : memref<2x128x128xf32, #tpu.memory_space<vmem>> -> memref<1x128x128xf32, #tpu.memory_space<vmem>>
      %dma_start3A_57 = tpu.memref_squeeze %dma_start3A_56 : memref<1x128x128xf32, #tpu.memory_space<vmem>> -> memref<128x128xf32, #tpu.memory_space<vmem>>
      tpu.enqueue_dma source(%dma_start3A_57 : memref<128x128xf32, #tpu.memory_space<vmem>>) target(%dma_start3A_53 : memref<128x128xf32, #tpu.memory_space<vmem_shared>>) target_semaphore(%run_scoped3A_46 : memref<!tpu.dma_semaphore, #tpu.memory_space<semaphore_mem>>)
      %dma_wait3A = arith.constant 0 : i32
      %dma_wait3A_58 = arith.constant 0 : i32
      %dma_wait3A_59 = tpu.memref_slice %arg10[%run_scoped3A_20, %dma_wait3A, %dma_wait3A_58] : memref<2x128x128xf32, #tpu.memory_space<vmem>> -> memref<1x128x128xf32, #tpu.memory_space<vmem>>
      %dma_wait3A_60 = tpu.memref_squeeze %dma_wait3A_59 : memref<1x128x128xf32, #tpu.memory_space<vmem>> -> memref<128x128xf32, #tpu.memory_space<vmem>>
      %dma_wait3A_61 = arith.constant 0 : i32
      %dma_wait3A_62 = tpu.memref_slice %arg11[%add3A_19, %dma_wait3A_61] : memref<10112x128xf32, #tpu.memory_space<vmem_shared>> -> memref<128x128xf32, #tpu.memory_space<vmem_shared>>
      %dma_wait3A_63 = arith.constant 0 : i32
      %dma_wait3A_64 = tpu.memref_slice %arg11[%add3A_19, %dma_wait3A_63] : memref<10112x128xf32, #tpu.memory_space<vmem_shared>> -> memref<128x128xf32, #tpu.memory_space<vmem_shared>>
      %dma_wait3A_65 = arith.constant 0 : i32
      %dma_wait3A_66 = arith.constant 0 : i32
      %dma_wait3A_67 = tpu.memref_slice %arg10[%run_scoped3A_20, %dma_wait3A_65, %dma_wait3A_66] : memref<2x128x128xf32, #tpu.memory_space<vmem>> -> memref<1x128x128xf32, #tpu.memory_space<vmem>>
      %dma_wait3A_68 = tpu.memref_squeeze %dma_wait3A_67 : memref<1x128x128xf32, #tpu.memory_space<vmem>> -> memref<128x128xf32, #tpu.memory_space<vmem>>
      tpu.wait_dma2 semaphore(%run_scoped3A_46 : memref<!tpu.dma_semaphore, #tpu.memory_space<semaphore_mem>>) src(%dma_wait3A_68 : memref<128x128xf32, #tpu.memory_space<vmem>>) dst(%dma_wait3A_64 : memref<128x128xf32, #tpu.memory_space<vmem_shared>>)
      tpu.yield
    }) : () -> ()
    %mul3A_21 = arith.constant 632 : i32
    %mul3A_22 = arith.muli %arg1, %mul3A_21 : i32
    %add3A_23 = arith.constant 512 : i32
    %add3A_24 = arith.addi %mul3A_22, %add3A_23 : i32
    %run_scoped3A_25 = arith.constant 0 : i32
    "tpu.region"() ({
      %run_scoped3A_46 = tpu.sem_alloc : memref<!tpu.dma_semaphore, #tpu.memory_space<semaphore_mem>>
      %dma_start3A = arith.constant 0 : i32
      %dma_start3A_47 = arith.constant 0 : i32
      %dma_start3A_48 = tpu.memref_slice %arg10[%run_scoped3A_25, %dma_start3A, %dma_start3A_47] : memref<2x128x128xf32, #tpu.memory_space<vmem>> -> memref<1x128x128xf32, #tpu.memory_space<vmem>>
      %dma_start3A_49 = tpu.memref_squeeze %dma_start3A_48 : memref<1x128x128xf32, #tpu.memory_space<vmem>> -> memref<128x128xf32, #tpu.memory_space<vmem>>
      %dma_start3A_50 = arith.constant 0 : i32
      %dma_start3A_51 = arith.constant 0 : i32
      %dma_start3A_52 = tpu.memref_slice %dma_start3A_49[%dma_start3A_50, %dma_start3A_51] : memref<128x128xf32, #tpu.memory_space<vmem>> -> memref<120x128xf32, #tpu.memory_space<vmem>>
      %dma_start3A_53 = arith.constant 0 : i32
      %dma_start3A_54 = tpu.memref_slice %arg11[%add3A_24, %dma_start3A_53] : memref<10112x128xf32, #tpu.memory_space<vmem_shared>> -> memref<120x128xf32, #tpu.memory_space<vmem_shared>>
      %dma_start3A_55 = arith.constant 0 : i32
      %dma_start3A_56 = tpu.memref_slice %arg11[%add3A_24, %dma_start3A_55] : memref<10112x128xf32, #tpu.memory_space<vmem_shared>> -> memref<120x128xf32, #tpu.memory_space<vmem_shared>>
      %dma_start3A_57 = arith.constant 0 : i32
      %dma_start3A_58 = arith.constant 0 : i32
      %dma_start3A_59 = tpu.memref_slice %arg10[%run_scoped3A_25, %dma_start3A_57, %dma_start3A_58] : memref<2x128x128xf32, #tpu.memory_space<vmem>> -> memref<1x128x128xf32, #tpu.memory_space<vmem>>
      %dma_start3A_60 = tpu.memref_squeeze %dma_start3A_59 : memref<1x128x128xf32, #tpu.memory_space<vmem>> -> memref<128x128xf32, #tpu.memory_space<vmem>>
      %dma_start3A_61 = arith.constant 0 : i32
      %dma_start3A_62 = arith.constant 0 : i32
      %dma_start3A_63 = tpu.memref_slice %dma_start3A_60[%dma_start3A_61, %dma_start3A_62] : memref<128x128xf32, #tpu.memory_space<vmem>> -> memref<120x128xf32, #tpu.memory_space<vmem>>
      tpu.enqueue_dma source(%dma_start3A_63 : memref<120x128xf32, #tpu.memory_space<vmem>>) target(%dma_start3A_56 : memref<120x128xf32, #tpu.memory_space<vmem_shared>>) target_semaphore(%run_scoped3A_46 : memref<!tpu.dma_semaphore, #tpu.memory_space<semaphore_mem>>)
      %dma_wait3A = arith.constant 0 : i32
      %dma_wait3A_64 = arith.constant 0 : i32
      %dma_wait3A_65 = tpu.memref_slice %arg10[%run_scoped3A_25, %dma_wait3A, %dma_wait3A_64] : memref<2x128x128xf32, #tpu.memory_space<vmem>> -> memref<1x128x128xf32, #tpu.memory_space<vmem>>
      %dma_wait3A_66 = tpu.memref_squeeze %dma_wait3A_65 : memref<1x128x128xf32, #tpu.memory_space<vmem>> -> memref<128x128xf32, #tpu.memory_space<vmem>>
      %dma_wait3A_67 = arith.constant 0 : i32
      %dma_wait3A_68 = arith.constant 0 : i32
      %dma_wait3A_69 = tpu.memref_slice %dma_wait3A_66[%dma_wait3A_67, %dma_wait3A_68] : memref<128x128xf32, #tpu.memory_space<vmem>> -> memref<120x128xf32, #tpu.memory_space<vmem>>
      %dma_wait3A_70 = arith.constant 0 : i32
      %dma_wait3A_71 = tpu.memref_slice %arg11[%add3A_24, %dma_wait3A_70] : memref<10112x128xf32, #tpu.memory_space<vmem_shared>> -> memref<120x128xf32, #tpu.memory_space<vmem_shared>>
      %dma_wait3A_72 = arith.constant 0 : i32
      %dma_wait3A_73 = tpu.memref_slice %arg11[%add3A_24, %dma_wait3A_72] : memref<10112x128xf32, #tpu.memory_space<vmem_shared>> -> memref<120x128xf32, #tpu.memory_space<vmem_shared>>
      %dma_wait3A_74 = arith.constant 0 : i32
      %dma_wait3A_75 = arith.constant 0 : i32
      %dma_wait3A_76 = tpu.memref_slice %arg10[%run_scoped3A_25, %dma_wait3A_74, %dma_wait3A_75] : memref<2x128x128xf32, #tpu.memory_space<vmem>> -> memref<1x128x128xf32, #tpu.memory_space<vmem>>
      %dma_wait3A_77 = tpu.memref_squeeze %dma_wait3A_76 : memref<1x128x128xf32, #tpu.memory_space<vmem>> -> memref<128x128xf32, #tpu.memory_space<vmem>>
      %dma_wait3A_78 = arith.constant 0 : i32
      %dma_wait3A_79 = arith.constant 0 : i32
      %dma_wait3A_80 = tpu.memref_slice %dma_wait3A_77[%dma_wait3A_78, %dma_wait3A_79] : memref<128x128xf32, #tpu.memory_space<vmem>> -> memref<120x128xf32, #tpu.memory_space<vmem>>
      tpu.wait_dma2 semaphore(%run_scoped3A_46 : memref<!tpu.dma_semaphore, #tpu.memory_space<semaphore_mem>>) src(%dma_wait3A_80 : memref<120x128xf32, #tpu.memory_space<vmem>>) dst(%dma_wait3A_73 : memref<120x128xf32, #tpu.memory_space<vmem_shared>>)
      tpu.yield
    }) : () -> ()
    %barrier3A = arith.constant 0 : index
    tpu.barrier barrier_id(%barrier3A)
    "tpu.region"() ({
      %run_scoped3A_46 = tpu.sem_alloc : memref<!tpu.dma_semaphore, #tpu.memory_space<semaphore_mem>>
      %dma_start3A = arith.constant 0 : i32
      %dma_start3A_47 = arith.constant 0 : i32
      %dma_start3A_48 = tpu.memref_slice %arg3[%add3A, %dma_start3A, %dma_start3A_47] : memref<32x40x128xi32, #tpu.memory_space<hbm>> -> memref<1x40x128xi32, #tpu.memory_space<hbm>>
      %dma_start3A_49 = tpu.memref_squeeze %dma_start3A_48 : memref<1x40x128xi32, #tpu.memory_space<hbm>> -> memref<40x128xi32, #tpu.memory_space<hbm>>
      %dma_start3A_50 = arith.constant 0 : i32
      %dma_start3A_51 = arith.constant 0 : i32
      %dma_start3A_52 = tpu.memref_slice %arg3[%add3A, %dma_start3A_50, %dma_start3A_51] : memref<32x40x128xi32, #tpu.memory_space<hbm>> -> memref<1x40x128xi32, #tpu.memory_space<hbm>>
      %dma_start3A_53 = tpu.memref_squeeze %dma_start3A_52 : memref<1x40x128xi32, #tpu.memory_space<hbm>> -> memref<40x128xi32, #tpu.memory_space<hbm>>
      tpu.enqueue_dma source(%dma_start3A_53 : memref<40x128xi32, #tpu.memory_space<hbm>>) target(%arg8 : memref<40x128xi32, #tpu.memory_space<vmem>>) target_semaphore(%run_scoped3A_46 : memref<!tpu.dma_semaphore, #tpu.memory_space<semaphore_mem>>)
      %dma_wait3A = arith.constant 0 : i32
      %dma_wait3A_54 = arith.constant 0 : i32
      %dma_wait3A_55 = tpu.memref_slice %arg3[%add3A, %dma_wait3A, %dma_wait3A_54] : memref<32x40x128xi32, #tpu.memory_space<hbm>> -> memref<1x40x128xi32, #tpu.memory_space<hbm>>
      %dma_wait3A_56 = tpu.memref_squeeze %dma_wait3A_55 : memref<1x40x128xi32, #tpu.memory_space<hbm>> -> memref<40x128xi32, #tpu.memory_space<hbm>>
      %dma_wait3A_57 = arith.constant 0 : i32
      %dma_wait3A_58 = arith.constant 0 : i32
      %dma_wait3A_59 = tpu.memref_slice %arg3[%add3A, %dma_wait3A_57, %dma_wait3A_58] : memref<32x40x128xi32, #tpu.memory_space<hbm>> -> memref<1x40x128xi32, #tpu.memory_space<hbm>>
      %dma_wait3A_60 = tpu.memref_squeeze %dma_wait3A_59 : memref<1x40x128xi32, #tpu.memory_space<hbm>> -> memref<40x128xi32, #tpu.memory_space<hbm>>
      tpu.wait_dma2 semaphore(%run_scoped3A_46 : memref<!tpu.dma_semaphore, #tpu.memory_space<semaphore_mem>>) src(%dma_wait3A_60 : memref<40x128xi32, #tpu.memory_space<hbm>>) dst(%arg8 : memref<40x128xi32, #tpu.memory_space<vmem>>)
      tpu.yield
    }) : () -> ()
    %scan3A = arith.constant 0 : i32
    %scan3A_26 = arith.constant 0 : i32
    %scan3A_27 = arith.constant 1 : i32
    %scan3A_28 = arith.constant 0 : i32
    %scan3A_29 = arith.constant 20 : i32
    %scan3A_30 = arith.addi %scan3A_28, %scan3A_29 : i32
    %scan3A_31 = arith.constant 1 : i32
    scf.for %scan3A_46 = %scan3A_28 to %scan3A_30 step %scan3A_31  : i32 {
      %mul3A_47 = arith.constant 2 : i32
      %mul3A_48 = arith.muli %mul3A_47, %scan3A_46 : i32
      %mul3A_49 = arith.constant 2 : i32
      %mul3A_50 = arith.muli %mul3A_49, %scan3A_46 : i32
      %add3A_51 = arith.constant 0 : i32
      %add3A_52 = arith.addi %add3A_51, %mul3A_50 : i32
      %dma_start3A = arith.constant 0 : i32
      %dma_start3A_53 = arith.constant 0 : i32
      %dma_start3A_54 = tpu.memref_slice %arg10[%scan3A_26, %dma_start3A, %dma_start3A_53] : memref<2x128x128xf32, #tpu.memory_space<vmem>> -> memref<1x128x128xf32, #tpu.memory_space<vmem>>
      %dma_start3A_55 = tpu.memref_squeeze %dma_start3A_54 : memref<1x128x128xf32, #tpu.memory_space<vmem>> -> memref<128x128xf32, #tpu.memory_space<vmem>>
      %dma_start3A_56 = arith.constant 0 : i32
      %dma_start3A_57 = tpu.memref_slice %arg8[%mul3A_48, %dma_start3A_56] : memref<40x128xi32, #tpu.memory_space<vmem>> -> memref<1x128xi32, #tpu.memory_space<vmem>>
      %dma_start3A_58 = tpu.memref_squeeze %dma_start3A_57 : memref<1x128xi32, #tpu.memory_space<vmem>> -> memref<128xi32, #tpu.memory_space<vmem>>
      %dma_start3A_59 = arith.constant 0 : i32
      %dma_start3A_60 = arith.constant 0 : i32
      %dma_start3A_61 = tpu.memref_slice %arg2[%dma_start3A_59, %dma_start3A_60] : memref<10000x128xf32, #tpu.memory_space<hbm>> -> memref<10000x128xf32, #tpu.memory_space<hbm>>
      tpu.enqueue_indirect_dma source(%dma_start3A_61 : memref<10000x128xf32, #tpu.memory_space<hbm>>) target(%dma_start3A_55 : memref<128x128xf32, #tpu.memory_space<vmem>>) offsets(%dma_start3A_58 : memref<128xi32, #tpu.memory_space<vmem>>) semaphore(%arg12 : memref<!tpu.dma_semaphore, #tpu.memory_space<semaphore_mem>>)
      %dma_wait3A = arith.constant 0 : i32
      %dma_wait3A_62 = arith.constant 0 : i32
      %dma_wait3A_63 = tpu.memref_slice %arg10[%scan3A_26, %dma_wait3A, %dma_wait3A_62] : memref<2x128x128xf32, #tpu.memory_space<vmem>> -> memref<1x128x128xf32, #tpu.memory_space<vmem>>
      %dma_wait3A_64 = tpu.memref_squeeze %dma_wait3A_63 : memref<1x128x128xf32, #tpu.memory_space<vmem>> -> memref<128x128xf32, #tpu.memory_space<vmem>>
      %dma_wait3A_65 = arith.constant 0 : i32
      %dma_wait3A_66 = tpu.memref_slice %arg8[%mul3A_48, %dma_wait3A_65] : memref<40x128xi32, #tpu.memory_space<vmem>> -> memref<1x128xi32, #tpu.memory_space<vmem>>
      %dma_wait3A_67 = tpu.memref_squeeze %dma_wait3A_66 : memref<1x128xi32, #tpu.memory_space<vmem>> -> memref<128xi32, #tpu.memory_space<vmem>>
      %dma_wait3A_68 = arith.constant 0 : i32
      %dma_wait3A_69 = arith.constant 0 : i32
      %dma_wait3A_70 = tpu.memref_slice %arg2[%dma_wait3A_68, %dma_wait3A_69] : memref<10000x128xf32, #tpu.memory_space<hbm>> -> memref<10000x128xf32, #tpu.memory_space<hbm>>
      tpu.wait_indirect_dma semaphore(%arg12 : memref<!tpu.dma_semaphore, #tpu.memory_space<semaphore_mem>>) src(%dma_wait3A_70 : memref<10000x128xf32, #tpu.memory_space<hbm>>) dst(%dma_wait3A_64 : memref<128x128xf32, #tpu.memory_space<vmem>>)
      "tpu.region"() ({
        %run_scoped3A_101 = tpu.sem_alloc : memref<!tpu.dma_semaphore, #tpu.memory_space<semaphore_mem>>
        %dma_start3A_102 = arith.constant 0 : i32
        %dma_start3A_103 = arith.constant 0 : i32
        %dma_start3A_104 = tpu.memref_slice %arg10[%scan3A_26, %dma_start3A_102, %dma_start3A_103] : memref<2x128x128xf32, #tpu.memory_space<vmem>> -> memref<1x128x128xf32, #tpu.memory_space<vmem>>
        %dma_start3A_105 = tpu.memref_squeeze %dma_start3A_104 : memref<1x128x128xf32, #tpu.memory_space<vmem>> -> memref<128x128xf32, #tpu.memory_space<vmem>>
        %dma_start3A_106 = arith.constant 0 : i32
        %dma_start3A_107 = tpu.memref_slice %arg9[%add3A_52, %dma_start3A_106] : memref<80x128xi32, #tpu.memory_space<vmem>> -> memref<1x128xi32, #tpu.memory_space<vmem>>
        %dma_start3A_108 = tpu.memref_squeeze %dma_start3A_107 : memref<1x128xi32, #tpu.memory_space<vmem>> -> memref<128xi32, #tpu.memory_space<vmem>>
        %dma_start3A_109 = arith.constant 0 : i32
        %dma_start3A_110 = arith.constant 0 : i32
        %dma_start3A_111 = tpu.memref_slice %arg11[%dma_start3A_109, %dma_start3A_110] : memref<10112x128xf32, #tpu.memory_space<vmem_shared>> -> memref<10112x128xf32, #tpu.memory_space<vmem_shared>>
        tpu.enqueue_indirect_dma source(%dma_start3A_105 : memref<128x128xf32, #tpu.memory_space<vmem>>) target(%dma_start3A_111 : memref<10112x128xf32, #tpu.memory_space<vmem_shared>>) offsets(%dma_start3A_108 : memref<128xi32, #tpu.memory_space<vmem>>) semaphore(%run_scoped3A_101 : memref<!tpu.dma_semaphore, #tpu.memory_space<semaphore_mem>>) {add = true}
        %dma_wait3A_112 = arith.constant 0 : i32
        %dma_wait3A_113 = arith.constant 0 : i32
        %dma_wait3A_114 = tpu.memref_slice %arg10[%scan3A_26, %dma_wait3A_112, %dma_wait3A_113] : memref<2x128x128xf32, #tpu.memory_space<vmem>> -> memref<1x128x128xf32, #tpu.memory_space<vmem>>
        %dma_wait3A_115 = tpu.memref_squeeze %dma_wait3A_114 : memref<1x128x128xf32, #tpu.memory_space<vmem>> -> memref<128x128xf32, #tpu.memory_space<vmem>>
        %dma_wait3A_116 = arith.constant 0 : i32
        %dma_wait3A_117 = tpu.memref_slice %arg9[%add3A_52, %dma_wait3A_116] : memref<80x128xi32, #tpu.memory_space<vmem>> -> memref<1x128xi32, #tpu.memory_space<vmem>>
        %dma_wait3A_118 = tpu.memref_squeeze %dma_wait3A_117 : memref<1x128xi32, #tpu.memory_space<vmem>> -> memref<128xi32, #tpu.memory_space<vmem>>
        %dma_wait3A_119 = arith.constant 0 : i32
        %dma_wait3A_120 = arith.constant 0 : i32
        %dma_wait3A_121 = tpu.memref_slice %arg11[%dma_wait3A_119, %dma_wait3A_120] : memref<10112x128xf32, #tpu.memory_space<vmem_shared>> -> memref<10112x128xf32, #tpu.memory_space<vmem_shared>>
        tpu.wait_indirect_dma semaphore(%run_scoped3A_101 : memref<!tpu.dma_semaphore, #tpu.memory_space<semaphore_mem>>) src(%dma_wait3A_115 : memref<128x128xf32, #tpu.memory_space<vmem>>) dst(%dma_wait3A_121 : memref<10112x128xf32, #tpu.memory_space<vmem_shared>>)
        tpu.yield
      }) : () -> ()
      %mul3A_71 = arith.constant 2 : i32
      %mul3A_72 = arith.muli %mul3A_71, %scan3A_46 : i32
      %add3A_73 = arith.constant 1 : i32
      %add3A_74 = arith.addi %mul3A_72, %add3A_73 : i32
      %mul3A_75 = arith.constant 2 : i32
      %mul3A_76 = arith.muli %mul3A_75, %scan3A_46 : i32
      %add3A_77 = arith.constant 0 : i32
      %add3A_78 = arith.addi %add3A_77, %mul3A_76 : i32
      %add3A_79 = arith.constant 1 : i32
      %add3A_80 = arith.addi %add3A_78, %add3A_79 : i32
      %dma_start3A_81 = arith.constant 0 : i32
      %dma_start3A_82 = arith.constant 0 : i32
      %dma_start3A_83 = tpu.memref_slice %arg10[%scan3A_27, %dma_start3A_81, %dma_start3A_82] : memref<2x128x128xf32, #tpu.memory_space<vmem>> -> memref<1x128x128xf32, #tpu.memory_space<vmem>>
      %dma_start3A_84 = tpu.memref_squeeze %dma_start3A_83 : memref<1x128x128xf32, #tpu.memory_space<vmem>> -> memref<128x128xf32, #tpu.memory_space<vmem>>
      %dma_start3A_85 = arith.constant 0 : i32
      %dma_start3A_86 = tpu.memref_slice %arg8[%add3A_74, %dma_start3A_85] : memref<40x128xi32, #tpu.memory_space<vmem>> -> memref<1x128xi32, #tpu.memory_space<vmem>>
      %dma_start3A_87 = tpu.memref_squeeze %dma_start3A_86 : memref<1x128xi32, #tpu.memory_space<vmem>> -> memref<128xi32, #tpu.memory_space<vmem>>
      %dma_start3A_88 = arith.constant 0 : i32
      %dma_start3A_89 = arith.constant 0 : i32
      %dma_start3A_90 = tpu.memref_slice %arg2[%dma_start3A_88, %dma_start3A_89] : memref<10000x128xf32, #tpu.memory_space<hbm>> -> memref<10000x128xf32, #tpu.memory_space<hbm>>
      tpu.enqueue_indirect_dma source(%dma_start3A_90 : memref<10000x128xf32, #tpu.memory_space<hbm>>) target(%dma_start3A_84 : memref<128x128xf32, #tpu.memory_space<vmem>>) offsets(%dma_start3A_87 : memref<128xi32, #tpu.memory_space<vmem>>) semaphore(%arg12 : memref<!tpu.dma_semaphore, #tpu.memory_space<semaphore_mem>>)
      %dma_wait3A_91 = arith.constant 0 : i32
      %dma_wait3A_92 = arith.constant 0 : i32
      %dma_wait3A_93 = tpu.memref_slice %arg10[%scan3A_27, %dma_wait3A_91, %dma_wait3A_92] : memref<2x128x128xf32, #tpu.memory_space<vmem>> -> memref<1x128x128xf32, #tpu.memory_space<vmem>>
      %dma_wait3A_94 = tpu.memref_squeeze %dma_wait3A_93 : memref<1x128x128xf32, #tpu.memory_space<vmem>> -> memref<128x128xf32, #tpu.memory_space<vmem>>
      %dma_wait3A_95 = arith.constant 0 : i32
      %dma_wait3A_96 = tpu.memref_slice %arg8[%add3A_74, %dma_wait3A_95] : memref<40x128xi32, #tpu.memory_space<vmem>> -> memref<1x128xi32, #tpu.memory_space<vmem>>
      %dma_wait3A_97 = tpu.memref_squeeze %dma_wait3A_96 : memref<1x128xi32, #tpu.memory_space<vmem>> -> memref<128xi32, #tpu.memory_space<vmem>>
      %dma_wait3A_98 = arith.constant 0 : i32
      %dma_wait3A_99 = arith.constant 0 : i32
      %dma_wait3A_100 = tpu.memref_slice %arg2[%dma_wait3A_98, %dma_wait3A_99] : memref<10000x128xf32, #tpu.memory_space<hbm>> -> memref<10000x128xf32, #tpu.memory_space<hbm>>
      tpu.wait_indirect_dma semaphore(%arg12 : memref<!tpu.dma_semaphore, #tpu.memory_space<semaphore_mem>>) src(%dma_wait3A_100 : memref<10000x128xf32, #tpu.memory_space<hbm>>) dst(%dma_wait3A_94 : memref<128x128xf32, #tpu.memory_space<vmem>>)
      "tpu.region"() ({
        %run_scoped3A_101 = tpu.sem_alloc : memref<!tpu.dma_semaphore, #tpu.memory_space<semaphore_mem>>
        %dma_start3A_102 = arith.constant 0 : i32
        %dma_start3A_103 = arith.constant 0 : i32
        %dma_start3A_104 = tpu.memref_slice %arg10[%scan3A_27, %dma_start3A_102, %dma_start3A_103] : memref<2x128x128xf32, #tpu.memory_space<vmem>> -> memref<1x128x128xf32, #tpu.memory_space<vmem>>
        %dma_start3A_105 = tpu.memref_squeeze %dma_start3A_104 : memref<1x128x128xf32, #tpu.memory_space<vmem>> -> memref<128x128xf32, #tpu.memory_space<vmem>>
        %dma_start3A_106 = arith.constant 0 : i32
        %dma_start3A_107 = tpu.memref_slice %arg9[%add3A_80, %dma_start3A_106] : memref<80x128xi32, #tpu.memory_space<vmem>> -> memref<1x128xi32, #tpu.memory_space<vmem>>
        %dma_start3A_108 = tpu.memref_squeeze %dma_start3A_107 : memref<1x128xi32, #tpu.memory_space<vmem>> -> memref<128xi32, #tpu.memory_space<vmem>>
        %dma_start3A_109 = arith.constant 0 : i32
        %dma_start3A_110 = arith.constant 0 : i32
        %dma_start3A_111 = tpu.memref_slice %arg11[%dma_start3A_109, %dma_start3A_110] : memref<10112x128xf32, #tpu.memory_space<vmem_shared>> -> memref<10112x128xf32, #tpu.memory_space<vmem_shared>>
        tpu.enqueue_indirect_dma source(%dma_start3A_105 : memref<128x128xf32, #tpu.memory_space<vmem>>) target(%dma_start3A_111 : memref<10112x128xf32, #tpu.memory_space<vmem_shared>>) offsets(%dma_start3A_108 : memref<128xi32, #tpu.memory_space<vmem>>) semaphore(%run_scoped3A_101 : memref<!tpu.dma_semaphore, #tpu.memory_space<semaphore_mem>>) {add = true}
        %dma_wait3A_112 = arith.constant 0 : i32
        %dma_wait3A_113 = arith.constant 0 : i32
        %dma_wait3A_114 = tpu.memref_slice %arg10[%scan3A_27, %dma_wait3A_112, %dma_wait3A_113] : memref<2x128x128xf32, #tpu.memory_space<vmem>> -> memref<1x128x128xf32, #tpu.memory_space<vmem>>
        %dma_wait3A_115 = tpu.memref_squeeze %dma_wait3A_114 : memref<1x128x128xf32, #tpu.memory_space<vmem>> -> memref<128x128xf32, #tpu.memory_space<vmem>>
        %dma_wait3A_116 = arith.constant 0 : i32
        %dma_wait3A_117 = tpu.memref_slice %arg9[%add3A_80, %dma_wait3A_116] : memref<80x128xi32, #tpu.memory_space<vmem>> -> memref<1x128xi32, #tpu.memory_space<vmem>>
        %dma_wait3A_118 = tpu.memref_squeeze %dma_wait3A_117 : memref<1x128xi32, #tpu.memory_space<vmem>> -> memref<128xi32, #tpu.memory_space<vmem>>
        %dma_wait3A_119 = arith.constant 0 : i32
        %dma_wait3A_120 = arith.constant 0 : i32
        %dma_wait3A_121 = tpu.memref_slice %arg11[%dma_wait3A_119, %dma_wait3A_120] : memref<10112x128xf32, #tpu.memory_space<vmem_shared>> -> memref<10112x128xf32, #tpu.memory_space<vmem_shared>>
        tpu.wait_indirect_dma semaphore(%run_scoped3A_101 : memref<!tpu.dma_semaphore, #tpu.memory_space<semaphore_mem>>) src(%dma_wait3A_115 : memref<128x128xf32, #tpu.memory_space<vmem>>) dst(%dma_wait3A_121 : memref<10112x128xf32, #tpu.memory_space<vmem_shared>>)
        tpu.yield
      }) : () -> ()
    }
    %scan3A_32 = arith.constant 20 : i32
    "tpu.region"() ({
      %run_scoped3A_46 = tpu.sem_alloc : memref<!tpu.dma_semaphore, #tpu.memory_space<semaphore_mem>>
      %dma_start3A = arith.constant 0 : i32
      %dma_start3A_47 = arith.constant 0 : i32
      %dma_start3A_48 = tpu.memref_slice %arg4[%add3A, %dma_start3A, %dma_start3A_47] : memref<32x40x128xi32, #tpu.memory_space<hbm>> -> memref<1x40x128xi32, #tpu.memory_space<hbm>>
      %dma_start3A_49 = tpu.memref_squeeze %dma_start3A_48 : memref<1x40x128xi32, #tpu.memory_space<hbm>> -> memref<40x128xi32, #tpu.memory_space<hbm>>
      %dma_start3A_50 = arith.constant 0 : i32
      %dma_start3A_51 = arith.constant 0 : i32
      %dma_start3A_52 = tpu.memref_slice %arg4[%add3A, %dma_start3A_50, %dma_start3A_51] : memref<32x40x128xi32, #tpu.memory_space<hbm>> -> memref<1x40x128xi32, #tpu.memory_space<hbm>>
      %dma_start3A_53 = tpu.memref_squeeze %dma_start3A_52 : memref<1x40x128xi32, #tpu.memory_space<hbm>> -> memref<40x128xi32, #tpu.memory_space<hbm>>
      tpu.enqueue_dma source(%dma_start3A_53 : memref<40x128xi32, #tpu.memory_space<hbm>>) target(%arg8 : memref<40x128xi32, #tpu.memory_space<vmem>>) target_semaphore(%run_scoped3A_46 : memref<!tpu.dma_semaphore, #tpu.memory_space<semaphore_mem>>)
      %dma_wait3A = arith.constant 0 : i32
      %dma_wait3A_54 = arith.constant 0 : i32
      %dma_wait3A_55 = tpu.memref_slice %arg4[%add3A, %dma_wait3A, %dma_wait3A_54] : memref<32x40x128xi32, #tpu.memory_space<hbm>> -> memref<1x40x128xi32, #tpu.memory_space<hbm>>
      %dma_wait3A_56 = tpu.memref_squeeze %dma_wait3A_55 : memref<1x40x128xi32, #tpu.memory_space<hbm>> -> memref<40x128xi32, #tpu.memory_space<hbm>>
      %dma_wait3A_57 = arith.constant 0 : i32
      %dma_wait3A_58 = arith.constant 0 : i32
      %dma_wait3A_59 = tpu.memref_slice %arg4[%add3A, %dma_wait3A_57, %dma_wait3A_58] : memref<32x40x128xi32, #tpu.memory_space<hbm>> -> memref<1x40x128xi32, #tpu.memory_space<hbm>>
      %dma_wait3A_60 = tpu.memref_squeeze %dma_wait3A_59 : memref<1x40x128xi32, #tpu.memory_space<hbm>> -> memref<40x128xi32, #tpu.memory_space<hbm>>
      tpu.wait_dma2 semaphore(%run_scoped3A_46 : memref<!tpu.dma_semaphore, #tpu.memory_space<semaphore_mem>>) src(%dma_wait3A_60 : memref<40x128xi32, #tpu.memory_space<hbm>>) dst(%arg8 : memref<40x128xi32, #tpu.memory_space<vmem>>)
      tpu.yield
    }) : () -> ()
    %scan3A_33 = arith.constant 0 : i32
    %scan3A_34 = arith.constant 0 : i32
    %scan3A_35 = arith.constant 1 : i32
    %scan3A_36 = arith.constant 0 : i32
    %scan3A_37 = arith.constant 20 : i32
    %scan3A_38 = arith.addi %scan3A_36, %scan3A_37 : i32
    %scan3A_39 = arith.constant 1 : i32
    scf.for %scan3A_46 = %scan3A_36 to %scan3A_38 step %scan3A_39  : i32 {
      %mul3A_47 = arith.constant 2 : i32
      %mul3A_48 = arith.muli %mul3A_47, %scan3A_46 : i32
      %mul3A_49 = arith.constant 2 : i32
      %mul3A_50 = arith.muli %mul3A_49, %scan3A_46 : i32
      %add3A_51 = arith.constant 40 : i32
      %add3A_52 = arith.addi %add3A_51, %mul3A_50 : i32
      %dma_start3A = arith.constant 0 : i32
      %dma_start3A_53 = arith.constant 0 : i32
      %dma_start3A_54 = tpu.memref_slice %arg10[%scan3A_34, %dma_start3A, %dma_start3A_53] : memref<2x128x128xf32, #tpu.memory_space<vmem>> -> memref<1x128x128xf32, #tpu.memory_space<vmem>>
      %dma_start3A_55 = tpu.memref_squeeze %dma_start3A_54 : memref<1x128x128xf32, #tpu.memory_space<vmem>> -> memref<128x128xf32, #tpu.memory_space<vmem>>
      %dma_start3A_56 = arith.constant 0 : i32
      %dma_start3A_57 = tpu.memref_slice %arg8[%mul3A_48, %dma_start3A_56] : memref<40x128xi32, #tpu.memory_space<vmem>> -> memref<1x128xi32, #tpu.memory_space<vmem>>
      %dma_start3A_58 = tpu.memref_squeeze %dma_start3A_57 : memref<1x128xi32, #tpu.memory_space<vmem>> -> memref<128xi32, #tpu.memory_space<vmem>>
      %dma_start3A_59 = arith.constant 0 : i32
      %dma_start3A_60 = arith.constant 0 : i32
      %dma_start3A_61 = tpu.memref_slice %arg2[%dma_start3A_59, %dma_start3A_60] : memref<10000x128xf32, #tpu.memory_space<hbm>> -> memref<10000x128xf32, #tpu.memory_space<hbm>>
      tpu.enqueue_indirect_dma source(%dma_start3A_61 : memref<10000x128xf32, #tpu.memory_space<hbm>>) target(%dma_start3A_55 : memref<128x128xf32, #tpu.memory_space<vmem>>) offsets(%dma_start3A_58 : memref<128xi32, #tpu.memory_space<vmem>>) semaphore(%arg12 : memref<!tpu.dma_semaphore, #tpu.memory_space<semaphore_mem>>)
      %dma_wait3A = arith.constant 0 : i32
      %dma_wait3A_62 = arith.constant 0 : i32
      %dma_wait3A_63 = tpu.memref_slice %arg10[%scan3A_34, %dma_wait3A, %dma_wait3A_62] : memref<2x128x128xf32, #tpu.memory_space<vmem>> -> memref<1x128x128xf32, #tpu.memory_space<vmem>>
      %dma_wait3A_64 = tpu.memref_squeeze %dma_wait3A_63 : memref<1x128x128xf32, #tpu.memory_space<vmem>> -> memref<128x128xf32, #tpu.memory_space<vmem>>
      %dma_wait3A_65 = arith.constant 0 : i32
      %dma_wait3A_66 = tpu.memref_slice %arg8[%mul3A_48, %dma_wait3A_65] : memref<40x128xi32, #tpu.memory_space<vmem>> -> memref<1x128xi32, #tpu.memory_space<vmem>>
      %dma_wait3A_67 = tpu.memref_squeeze %dma_wait3A_66 : memref<1x128xi32, #tpu.memory_space<vmem>> -> memref<128xi32, #tpu.memory_space<vmem>>
      %dma_wait3A_68 = arith.constant 0 : i32
      %dma_wait3A_69 = arith.constant 0 : i32
      %dma_wait3A_70 = tpu.memref_slice %arg2[%dma_wait3A_68, %dma_wait3A_69] : memref<10000x128xf32, #tpu.memory_space<hbm>> -> memref<10000x128xf32, #tpu.memory_space<hbm>>
      tpu.wait_indirect_dma semaphore(%arg12 : memref<!tpu.dma_semaphore, #tpu.memory_space<semaphore_mem>>) src(%dma_wait3A_70 : memref<10000x128xf32, #tpu.memory_space<hbm>>) dst(%dma_wait3A_64 : memref<128x128xf32, #tpu.memory_space<vmem>>)
      "tpu.region"() ({
        %run_scoped3A_101 = tpu.sem_alloc : memref<!tpu.dma_semaphore, #tpu.memory_space<semaphore_mem>>
        %dma_start3A_102 = arith.constant 0 : i32
        %dma_start3A_103 = arith.constant 0 : i32
        %dma_start3A_104 = tpu.memref_slice %arg10[%scan3A_34, %dma_start3A_102, %dma_start3A_103] : memref<2x128x128xf32, #tpu.memory_space<vmem>> -> memref<1x128x128xf32, #tpu.memory_space<vmem>>
        %dma_start3A_105 = tpu.memref_squeeze %dma_start3A_104 : memref<1x128x128xf32, #tpu.memory_space<vmem>> -> memref<128x128xf32, #tpu.memory_space<vmem>>
        %dma_start3A_106 = arith.constant 0 : i32
        %dma_start3A_107 = tpu.memref_slice %arg9[%add3A_52, %dma_start3A_106] : memref<80x128xi32, #tpu.memory_space<vmem>> -> memref<1x128xi32, #tpu.memory_space<vmem>>
        %dma_start3A_108 = tpu.memref_squeeze %dma_start3A_107 : memref<1x128xi32, #tpu.memory_space<vmem>> -> memref<128xi32, #tpu.memory_space<vmem>>
        %dma_start3A_109 = arith.constant 0 : i32
        %dma_start3A_110 = arith.constant 0 : i32
        %dma_start3A_111 = tpu.memref_slice %arg11[%dma_start3A_109, %dma_start3A_110] : memref<10112x128xf32, #tpu.memory_space<vmem_shared>> -> memref<10112x128xf32, #tpu.memory_space<vmem_shared>>
        tpu.enqueue_indirect_dma source(%dma_start3A_105 : memref<128x128xf32, #tpu.memory_space<vmem>>) target(%dma_start3A_111 : memref<10112x128xf32, #tpu.memory_space<vmem_shared>>) offsets(%dma_start3A_108 : memref<128xi32, #tpu.memory_space<vmem>>) semaphore(%run_scoped3A_101 : memref<!tpu.dma_semaphore, #tpu.memory_space<semaphore_mem>>) {add = true}
        %dma_wait3A_112 = arith.constant 0 : i32
        %dma_wait3A_113 = arith.constant 0 : i32
        %dma_wait3A_114 = tpu.memref_slice %arg10[%scan3A_34, %dma_wait3A_112, %dma_wait3A_113] : memref<2x128x128xf32, #tpu.memory_space<vmem>> -> memref<1x128x128xf32, #tpu.memory_space<vmem>>
        %dma_wait3A_115 = tpu.memref_squeeze %dma_wait3A_114 : memref<1x128x128xf32, #tpu.memory_space<vmem>> -> memref<128x128xf32, #tpu.memory_space<vmem>>
        %dma_wait3A_116 = arith.constant 0 : i32
        %dma_wait3A_117 = tpu.memref_slice %arg9[%add3A_52, %dma_wait3A_116] : memref<80x128xi32, #tpu.memory_space<vmem>> -> memref<1x128xi32, #tpu.memory_space<vmem>>
        %dma_wait3A_118 = tpu.memref_squeeze %dma_wait3A_117 : memref<1x128xi32, #tpu.memory_space<vmem>> -> memref<128xi32, #tpu.memory_space<vmem>>
        %dma_wait3A_119 = arith.constant 0 : i32
        %dma_wait3A_120 = arith.constant 0 : i32
        %dma_wait3A_121 = tpu.memref_slice %arg11[%dma_wait3A_119, %dma_wait3A_120] : memref<10112x128xf32, #tpu.memory_space<vmem_shared>> -> memref<10112x128xf32, #tpu.memory_space<vmem_shared>>
        tpu.wait_indirect_dma semaphore(%run_scoped3A_101 : memref<!tpu.dma_semaphore, #tpu.memory_space<semaphore_mem>>) src(%dma_wait3A_115 : memref<128x128xf32, #tpu.memory_space<vmem>>) dst(%dma_wait3A_121 : memref<10112x128xf32, #tpu.memory_space<vmem_shared>>)
        tpu.yield
      }) : () -> ()
      %mul3A_71 = arith.constant 2 : i32
      %mul3A_72 = arith.muli %mul3A_71, %scan3A_46 : i32
      %add3A_73 = arith.constant 1 : i32
      %add3A_74 = arith.addi %mul3A_72, %add3A_73 : i32
      %mul3A_75 = arith.constant 2 : i32
      %mul3A_76 = arith.muli %mul3A_75, %scan3A_46 : i32
      %add3A_77 = arith.constant 40 : i32
      %add3A_78 = arith.addi %add3A_77, %mul3A_76 : i32
      %add3A_79 = arith.constant 1 : i32
      %add3A_80 = arith.addi %add3A_78, %add3A_79 : i32
      %dma_start3A_81 = arith.constant 0 : i32
      %dma_start3A_82 = arith.constant 0 : i32
      %dma_start3A_83 = tpu.memref_slice %arg10[%scan3A_35, %dma_start3A_81, %dma_start3A_82] : memref<2x128x128xf32, #tpu.memory_space<vmem>> -> memref<1x128x128xf32, #tpu.memory_space<vmem>>
      %dma_start3A_84 = tpu.memref_squeeze %dma_start3A_83 : memref<1x128x128xf32, #tpu.memory_space<vmem>> -> memref<128x128xf32, #tpu.memory_space<vmem>>
      %dma_start3A_85 = arith.constant 0 : i32
      %dma_start3A_86 = tpu.memref_slice %arg8[%add3A_74, %dma_start3A_85] : memref<40x128xi32, #tpu.memory_space<vmem>> -> memref<1x128xi32, #tpu.memory_space<vmem>>
      %dma_start3A_87 = tpu.memref_squeeze %dma_start3A_86 : memref<1x128xi32, #tpu.memory_space<vmem>> -> memref<128xi32, #tpu.memory_space<vmem>>
      %dma_start3A_88 = arith.constant 0 : i32
      %dma_start3A_89 = arith.constant 0 : i32
      %dma_start3A_90 = tpu.memref_slice %arg2[%dma_start3A_88, %dma_start3A_89] : memref<10000x128xf32, #tpu.memory_space<hbm>> -> memref<10000x128xf32, #tpu.memory_space<hbm>>
      tpu.enqueue_indirect_dma source(%dma_start3A_90 : memref<10000x128xf32, #tpu.memory_space<hbm>>) target(%dma_start3A_84 : memref<128x128xf32, #tpu.memory_space<vmem>>) offsets(%dma_start3A_87 : memref<128xi32, #tpu.memory_space<vmem>>) semaphore(%arg12 : memref<!tpu.dma_semaphore, #tpu.memory_space<semaphore_mem>>)
      %dma_wait3A_91 = arith.constant 0 : i32
      %dma_wait3A_92 = arith.constant 0 : i32
      %dma_wait3A_93 = tpu.memref_slice %arg10[%scan3A_35, %dma_wait3A_91, %dma_wait3A_92] : memref<2x128x128xf32, #tpu.memory_space<vmem>> -> memref<1x128x128xf32, #tpu.memory_space<vmem>>
      %dma_wait3A_94 = tpu.memref_squeeze %dma_wait3A_93 : memref<1x128x128xf32, #tpu.memory_space<vmem>> -> memref<128x128xf32, #tpu.memory_space<vmem>>
      %dma_wait3A_95 = arith.constant 0 : i32
      %dma_wait3A_96 = tpu.memref_slice %arg8[%add3A_74, %dma_wait3A_95] : memref<40x128xi32, #tpu.memory_space<vmem>> -> memref<1x128xi32, #tpu.memory_space<vmem>>
      %dma_wait3A_97 = tpu.memref_squeeze %dma_wait3A_96 : memref<1x128xi32, #tpu.memory_space<vmem>> -> memref<128xi32, #tpu.memory_space<vmem>>
      %dma_wait3A_98 = arith.constant 0 : i32
      %dma_wait3A_99 = arith.constant 0 : i32
      %dma_wait3A_100 = tpu.memref_slice %arg2[%dma_wait3A_98, %dma_wait3A_99] : memref<10000x128xf32, #tpu.memory_space<hbm>> -> memref<10000x128xf32, #tpu.memory_space<hbm>>
      tpu.wait_indirect_dma semaphore(%arg12 : memref<!tpu.dma_semaphore, #tpu.memory_space<semaphore_mem>>) src(%dma_wait3A_100 : memref<10000x128xf32, #tpu.memory_space<hbm>>) dst(%dma_wait3A_94 : memref<128x128xf32, #tpu.memory_space<vmem>>)
      "tpu.region"() ({
        %run_scoped3A_101 = tpu.sem_alloc : memref<!tpu.dma_semaphore, #tpu.memory_space<semaphore_mem>>
        %dma_start3A_102 = arith.constant 0 : i32
        %dma_start3A_103 = arith.constant 0 : i32
        %dma_start3A_104 = tpu.memref_slice %arg10[%scan3A_35, %dma_start3A_102, %dma_start3A_103] : memref<2x128x128xf32, #tpu.memory_space<vmem>> -> memref<1x128x128xf32, #tpu.memory_space<vmem>>
        %dma_start3A_105 = tpu.memref_squeeze %dma_start3A_104 : memref<1x128x128xf32, #tpu.memory_space<vmem>> -> memref<128x128xf32, #tpu.memory_space<vmem>>
        %dma_start3A_106 = arith.constant 0 : i32
        %dma_start3A_107 = tpu.memref_slice %arg9[%add3A_80, %dma_start3A_106] : memref<80x128xi32, #tpu.memory_space<vmem>> -> memref<1x128xi32, #tpu.memory_space<vmem>>
        %dma_start3A_108 = tpu.memref_squeeze %dma_start3A_107 : memref<1x128xi32, #tpu.memory_space<vmem>> -> memref<128xi32, #tpu.memory_space<vmem>>
        %dma_start3A_109 = arith.constant 0 : i32
        %dma_start3A_110 = arith.constant 0 : i32
        %dma_start3A_111 = tpu.memref_slice %arg11[%dma_start3A_109, %dma_start3A_110] : memref<10112x128xf32, #tpu.memory_space<vmem_shared>> -> memref<10112x128xf32, #tpu.memory_space<vmem_shared>>
        tpu.enqueue_indirect_dma source(%dma_start3A_105 : memref<128x128xf32, #tpu.memory_space<vmem>>) target(%dma_start3A_111 : memref<10112x128xf32, #tpu.memory_space<vmem_shared>>) offsets(%dma_start3A_108 : memref<128xi32, #tpu.memory_space<vmem>>) semaphore(%run_scoped3A_101 : memref<!tpu.dma_semaphore, #tpu.memory_space<semaphore_mem>>) {add = true}
        %dma_wait3A_112 = arith.constant 0 : i32
        %dma_wait3A_113 = arith.constant 0 : i32
        %dma_wait3A_114 = tpu.memref_slice %arg10[%scan3A_35, %dma_wait3A_112, %dma_wait3A_113] : memref<2x128x128xf32, #tpu.memory_space<vmem>> -> memref<1x128x128xf32, #tpu.memory_space<vmem>>
        %dma_wait3A_115 = tpu.memref_squeeze %dma_wait3A_114 : memref<1x128x128xf32, #tpu.memory_space<vmem>> -> memref<128x128xf32, #tpu.memory_space<vmem>>
        %dma_wait3A_116 = arith.constant 0 : i32
        %dma_wait3A_117 = tpu.memref_slice %arg9[%add3A_80, %dma_wait3A_116] : memref<80x128xi32, #tpu.memory_space<vmem>> -> memref<1x128xi32, #tpu.memory_space<vmem>>
        %dma_wait3A_118 = tpu.memref_squeeze %dma_wait3A_117 : memref<1x128xi32, #tpu.memory_space<vmem>> -> memref<128xi32, #tpu.memory_space<vmem>>
        %dma_wait3A_119 = arith.constant 0 : i32
        %dma_wait3A_120 = arith.constant 0 : i32
        %dma_wait3A_121 = tpu.memref_slice %arg11[%dma_wait3A_119, %dma_wait3A_120] : memref<10112x128xf32, #tpu.memory_space<vmem_shared>> -> memref<10112x128xf32, #tpu.memory_space<vmem_shared>>
        tpu.wait_indirect_dma semaphore(%run_scoped3A_101 : memref<!tpu.dma_semaphore, #tpu.memory_space<semaphore_mem>>) src(%dma_wait3A_115 : memref<128x128xf32, #tpu.memory_space<vmem>>) dst(%dma_wait3A_121 : memref<10112x128xf32, #tpu.memory_space<vmem_shared>>)
        tpu.yield
      }) : () -> ()
    }
    %scan3A_40 = arith.constant 20 : i32
    %barrier3A_41 = arith.constant 0 : index
    tpu.barrier barrier_id(%barrier3A_41)
    %mul3A_42 = arith.constant 632 : i32
    %mul3A_43 = arith.muli %arg1, %mul3A_42 : i32
    %mul3A_44 = arith.constant 632 : i32
    %mul3A_45 = arith.muli %arg1, %mul3A_44 : i32
    "tpu.region"() ({
      %run_scoped3A_46 = tpu.sem_alloc : memref<!tpu.dma_semaphore, #tpu.memory_space<semaphore_mem>>
      %dma_start3A = arith.constant 0 : i32
      %dma_start3A_47 = arith.constant 0 : i32
      %dma_start3A_48 = tpu.memref_slice %arg7[%arg0, %dma_start3A, %dma_start3A_47] : memref<2x10112x128xf32, #tpu.memory_space<hbm>> -> memref<1x10112x128xf32, #tpu.memory_space<hbm>>
      %dma_start3A_49 = tpu.memref_squeeze %dma_start3A_48 : memref<1x10112x128xf32, #tpu.memory_space<hbm>> -> memref<10112x128xf32, #tpu.memory_space<hbm>>
      %dma_start3A_50 = arith.constant 0 : i32
      %dma_start3A_51 = tpu.memref_slice %dma_start3A_49[%mul3A_45, %dma_start3A_50] : memref<10112x128xf32, #tpu.memory_space<hbm>> -> memref<632x128xf32, #tpu.memory_space<hbm>>
      %dma_start3A_52 = arith.constant 0 : i32
      %dma_start3A_53 = tpu.memref_slice %arg11[%mul3A_43, %dma_start3A_52] : memref<10112x128xf32, #tpu.memory_space<vmem_shared>> -> memref<632x128xf32, #tpu.memory_space<vmem_shared>>
      tpu.enqueue_dma source(%dma_start3A_53 : memref<632x128xf32, #tpu.memory_space<vmem_shared>>) target(%dma_start3A_51 : memref<632x128xf32, #tpu.memory_space<hbm>>) target_semaphore(%run_scoped3A_46 : memref<!tpu.dma_semaphore, #tpu.memory_space<semaphore_mem>>)
      %dma_wait3A = arith.constant 0 : i32
      %dma_wait3A_54 = arith.constant 0 : i32
      %dma_wait3A_55 = tpu.memref_slice %arg7[%arg0, %dma_wait3A, %dma_wait3A_54] : memref<2x10112x128xf32, #tpu.memory_space<hbm>> -> memref<1x10112x128xf32, #tpu.memory_space<hbm>>
      %dma_wait3A_56 = tpu.memref_squeeze %dma_wait3A_55 : memref<1x10112x128xf32, #tpu.memory_space<hbm>> -> memref<10112x128xf32, #tpu.memory_space<hbm>>
      %dma_wait3A_57 = arith.constant 0 : i32
      %dma_wait3A_58 = tpu.memref_slice %dma_wait3A_56[%mul3A_45, %dma_wait3A_57] : memref<10112x128xf32, #tpu.memory_space<hbm>> -> memref<632x128xf32, #tpu.memory_space<hbm>>
      %dma_wait3A_59 = arith.constant 0 : i32
      %dma_wait3A_60 = tpu.memref_slice %arg11[%mul3A_43, %dma_wait3A_59] : memref<10112x128xf32, #tpu.memory_space<vmem_shared>> -> memref<632x128xf32, #tpu.memory_space<vmem_shared>>
      tpu.wait_dma2 semaphore(%run_scoped3A_46 : memref<!tpu.dma_semaphore, #tpu.memory_space<semaphore_mem>>) src(%dma_wait3A_60 : memref<632x128xf32, #tpu.memory_space<vmem_shared>>) dst(%dma_wait3A_58 : memref<632x128xf32, #tpu.memory_space<hbm>>)
      tpu.yield
    }) : () -> ()
    return
  }
}

module attributes {stable_mosaic.version = 14 : i64} {
  func.func @_tc_first_body(%arg0: i32, %arg1: memref<1000x128xf32, #tpu.memory_space<vmem>>, %arg2: memref<128x128xf32, #tpu.memory_space<vmem>>, %arg3: memref<1x128xf32, #tpu.memory_space<vmem>>, %arg4: memref<128x128xf32, #tpu.memory_space<vmem>>, %arg5: memref<1x128xf32, #tpu.memory_space<vmem>>, %arg6: memref<1000x128xf32, #tpu.memory_space<vmem>>, %arg7: memref<1000x128xf32, #tpu.memory_space<vmem>>) attributes {dimension_semantics = [#tpu.dimension_semantics<arbitrary>], iteration_bounds = array<i64: 10>, scalar_prefetch = 0 : i64, scratch_operands = 0 : i64, tpu.core_type = #tpu.core_type<tc>, window_params = [{transform_indices = @transform_0, window_bounds = array<i64: 1000, 128>}, {pipeline_mode = #tpu.pipeline_mode<synchronous>, transform_indices = @transform_1, window_bounds = array<i64: 128, 128>}, {pipeline_mode = #tpu.pipeline_mode<synchronous>, transform_indices = @transform_2, window_bounds = array<i64: 1, 128>}, {pipeline_mode = #tpu.pipeline_mode<synchronous>, transform_indices = @transform_3, window_bounds = array<i64: 128, 128>}, {pipeline_mode = #tpu.pipeline_mode<synchronous>, transform_indices = @transform_4, window_bounds = array<i64: 1, 128>}, {transform_indices = @transform_5, window_bounds = array<i64: 1000, 128>}, {transform_indices = @transform_6, window_bounds = array<i64: 1000, 128>}]} {
    %get3A = arith.constant 0 : index
    %get3A_0 = arith.constant 0 : index
    %get3A_1 = vector.load %arg1[%get3A, %get3A_0] : memref<1000x128xf32, #tpu.memory_space<vmem>>, vector<1000x128xf32>
    %get3A_2 = arith.constant 0 : index
    %get3A_3 = arith.constant 0 : index
    %get3A_4 = vector.load %arg2[%get3A_2, %get3A_3] : memref<128x128xf32, #tpu.memory_space<vmem>>, vector<128x128xf32>
    %dot_general3A = arith.constant dense<0.000000e+00> : vector<1000x128xf32>
    %dot_general3A_5 = tpu.matmul %get3A_1, %get3A_4, %dot_general3A {dimension_numbers = #tpu.dot_dimension_numbers<[1], [0], [0], [1], [0, 0, 1, 1], [], []>, transpose_lhs_hint = false} : vector<1000x128xf32>, vector<128x128xf32>, vector<1000x128xf32> -> vector<1000x128xf32>
    %get3A_6 = arith.constant 0 : index
    %get3A_7 = arith.constant 0 : index
    %get3A_8 = vector.load %arg3[%get3A_6, %get3A_7] : memref<1x128xf32, #tpu.memory_space<vmem>>, vector<1x128xf32>
    %add3A = vector.broadcast %get3A_8 : vector<1x128xf32> to vector<1000x128xf32>
    %add3A_9 = arith.addf %dot_general3A_5, %add3A : vector<1000x128xf32>
    %swap3A = arith.constant 0 : index
    %swap3A_10 = arith.constant 0 : index
    %swap3A_11 = vector.load %arg6[%swap3A, %swap3A_10] : memref<1000x128xf32, #tpu.memory_space<vmem>>, vector<1000x128xf32>
    tpu.vector_store %arg6[%swap3A, %swap3A_10], %add3A_9 {strides = array<i32>} : memref<1000x128xf32, #tpu.memory_space<vmem>>, vector<1000x128xf32>,
    %get3A_12 = arith.constant 0 : index
    %get3A_13 = arith.constant 0 : index
    %get3A_14 = vector.load %arg4[%get3A_12, %get3A_13] : memref<128x128xf32, #tpu.memory_space<vmem>>, vector<128x128xf32>
    %dot_general3A_15 = arith.constant dense<0.000000e+00> : vector<1000x128xf32>
    %dot_general3A_16 = tpu.matmul %add3A_9, %get3A_14, %dot_general3A_15 {dimension_numbers = #tpu.dot_dimension_numbers<[1], [0], [0], [1], [0, 0, 1, 1], [], []>, transpose_lhs_hint = false} : vector<1000x128xf32>, vector<128x128xf32>, vector<1000x128xf32> -> vector<1000x128xf32>
    %get3A_17 = arith.constant 0 : index
    %get3A_18 = arith.constant 0 : index
    %get3A_19 = vector.load %arg5[%get3A_17, %get3A_18] : memref<1x128xf32, #tpu.memory_space<vmem>>, vector<1x128xf32>
    %add3A_20 = vector.broadcast %get3A_19 : vector<1x128xf32> to vector<1000x128xf32>
    %add3A_21 = arith.addf %dot_general3A_16, %add3A_20 : vector<1000x128xf32>
    %max3A = arith.constant 0.000000e+00 : f32
    %max3A_22 = vector.broadcast %max3A : f32 to vector<1000x128xf32>
    %max3A_23 = arith.maximumf %add3A_21, %max3A_22 : vector<1000x128xf32>
    %abs3A = math.absf %add3A_21 : vector<1000x128xf32>
    %neg3A = arith.constant 0.000000e+00 : f32
    %neg3A_24 = vector.broadcast %neg3A : f32 to vector<1000x128xf32>
    %neg3A_25 = arith.subf %neg3A_24, %abs3A : vector<1000x128xf32>
    %exp3A = math.exp %neg3A_25 : vector<1000x128xf32>
    %log1p3A = math.log1p %exp3A : vector<1000x128xf32>
    %add3A_26 = arith.addf %max3A_23, %log1p3A : vector<1000x128xf32>
    %sub3A = arith.constant 0.693147182 : f32
    %sub3A_27 = vector.broadcast %sub3A : f32 to vector<1000x128xf32>
    %sub3A_28 = arith.subf %add3A_26, %sub3A_27 : vector<1000x128xf32>
    %swap3A_29 = arith.constant 0 : index
    %swap3A_30 = arith.constant 0 : index
    %swap3A_31 = vector.load %arg7[%swap3A_29, %swap3A_30] : memref<1000x128xf32, #tpu.memory_space<vmem>>, vector<1000x128xf32>
    tpu.vector_store %arg7[%swap3A_29, %swap3A_30], %sub3A_28 {strides = array<i32>} : memref<1000x128xf32, #tpu.memory_space<vmem>>, vector<1000x128xf32>,
    return
  }
  func.func @transform_0(%arg0: i32) -> (i32, i32) {
    %c0_i32 = arith.constant 0 : i32
    %c0_i32_0 = arith.constant 0 : i32
    return %arg0, %c0_i32 : i32, i32
  }
  func.func @transform_1(%arg0: i32) -> (i32, i32) {
    %c0_i32 = arith.constant 0 : i32
    %c0_i32_0 = arith.constant 0 : i32
    %c0_i32_1 = arith.constant 0 : i32
    return %c0_i32, %c0_i32_0 : i32, i32
  }
  func.func @transform_2(%arg0: i32) -> (i32, i32) {
    %c0_i32 = arith.constant 0 : i32
    %c0_i32_0 = arith.constant 0 : i32
    %c0_i32_1 = arith.constant 0 : i32
    return %c0_i32, %c0_i32_0 : i32, i32
  }
  func.func @transform_3(%arg0: i32) -> (i32, i32) {
    %c0_i32 = arith.constant 0 : i32
    %c0_i32_0 = arith.constant 0 : i32
    %c0_i32_1 = arith.constant 0 : i32
    return %c0_i32, %c0_i32_0 : i32, i32
  }
  func.func @transform_4(%arg0: i32) -> (i32, i32) {
    %c0_i32 = arith.constant 0 : i32
    %c0_i32_0 = arith.constant 0 : i32
    %c0_i32_1 = arith.constant 0 : i32
    return %c0_i32, %c0_i32_0 : i32, i32
  }
  func.func @transform_5(%arg0: i32) -> (i32, i32) {
    %c0_i32 = arith.constant 0 : i32
    %c0_i32_0 = arith.constant 0 : i32
    return %arg0, %c0_i32 : i32, i32
  }
  func.func @transform_6(%arg0: i32) -> (i32, i32) {
    %c0_i32 = arith.constant 0 : i32
    %c0_i32_0 = arith.constant 0 : i32
    return %arg0, %c0_i32 : i32, i32
  }
}

module attributes {stable_mosaic.version = 14 : i64} {
  func.func @_tc_mid_body(%arg0: i32, %arg1: memref<1000x128xf32, #tpu.memory_space<vmem>>, %arg2: memref<2x1000x128xf32, #tpu.memory_space<vmem>>, %arg3: memref<128x128xf32, #tpu.memory_space<vmem>>, %arg4: memref<1x128xf32, #tpu.memory_space<vmem>>, %arg5: memref<128x128xf32, #tpu.memory_space<vmem>>, %arg6: memref<1x128xf32, #tpu.memory_space<vmem>>, %arg7: memref<1000x128xf32, #tpu.memory_space<vmem>>, %arg8: memref<1000x128xf32, #tpu.memory_space<vmem>>) attributes {dimension_semantics = [#tpu.dimension_semantics<arbitrary>], iteration_bounds = array<i64: 10>, scalar_prefetch = 0 : i64, scratch_operands = 0 : i64, tpu.core_type = #tpu.core_type<tc>, window_params = [{transform_indices = @transform_0, window_bounds = array<i64: 1000, 128>}, {transform_indices = @transform_1, window_bounds = array<i64: 2, 1000, 128>}, {pipeline_mode = #tpu.pipeline_mode<synchronous>, transform_indices = @transform_2, window_bounds = array<i64: 128, 128>}, {pipeline_mode = #tpu.pipeline_mode<synchronous>, transform_indices = @transform_3, window_bounds = array<i64: 1, 128>}, {pipeline_mode = #tpu.pipeline_mode<synchronous>, transform_indices = @transform_4, window_bounds = array<i64: 128, 128>}, {pipeline_mode = #tpu.pipeline_mode<synchronous>, transform_indices = @transform_5, window_bounds = array<i64: 1, 128>}, {transform_indices = @transform_6, window_bounds = array<i64: 1000, 128>}, {transform_indices = @transform_7, window_bounds = array<i64: 1000, 128>}]} {
    %get3A = arith.constant 0 : index
    %get3A_0 = arith.constant 0 : index
    %get3A_1 = arith.constant 0 : index
    %get3A_2 = vector.load %arg2[%get3A, %get3A_0, %get3A_1] : memref<2x1000x128xf32, #tpu.memory_space<vmem>>, vector<1x1000x128xf32>
    %get3A_3 = vector.shape_cast %get3A_2 : vector<1x1000x128xf32> to vector<1000x128xf32>
    %get3A_4 = arith.constant 1 : index
    %get3A_5 = arith.constant 0 : index
    %get3A_6 = arith.constant 0 : index
    %get3A_7 = vector.load %arg2[%get3A_4, %get3A_5, %get3A_6] : memref<2x1000x128xf32, #tpu.memory_space<vmem>>, vector<1x1000x128xf32>
    %get3A_8 = vector.shape_cast %get3A_7 : vector<1x1000x128xf32> to vector<1000x128xf32>
    %add3A = arith.addf %get3A_3, %get3A_8 : vector<1000x128xf32>
    %get3A_9 = arith.constant 0 : index
    %get3A_10 = arith.constant 0 : index
    %get3A_11 = vector.load %arg1[%get3A_9, %get3A_10] : memref<1000x128xf32, #tpu.memory_space<vmem>>, vector<1000x128xf32>
    %get3A_12 = arith.constant 0 : index
    %get3A_13 = arith.constant 0 : index
    %get3A_14 = vector.load %arg3[%get3A_12, %get3A_13] : memref<128x128xf32, #tpu.memory_space<vmem>>, vector<128x128xf32>
    %dot_general3A = arith.constant dense<0.000000e+00> : vector<1000x128xf32>
    %dot_general3A_15 = tpu.matmul %add3A, %get3A_14, %dot_general3A {dimension_numbers = #tpu.dot_dimension_numbers<[1], [0], [0], [1], [0, 0, 1, 1], [], []>, transpose_lhs_hint = false} : vector<1000x128xf32>, vector<128x128xf32>, vector<1000x128xf32> -> vector<1000x128xf32>
    %add3A_16 = arith.addf %get3A_11, %dot_general3A_15 : vector<1000x128xf32>
    %get3A_17 = arith.constant 0 : index
    %get3A_18 = arith.constant 0 : index
    %get3A_19 = vector.load %arg4[%get3A_17, %get3A_18] : memref<1x128xf32, #tpu.memory_space<vmem>>, vector<1x128xf32>
    %add3A_20 = vector.broadcast %get3A_19 : vector<1x128xf32> to vector<1000x128xf32>
    %add3A_21 = arith.addf %add3A_16, %add3A_20 : vector<1000x128xf32>
    %swap3A = arith.constant 0 : index
    %swap3A_22 = arith.constant 0 : index
    %swap3A_23 = vector.load %arg7[%swap3A, %swap3A_22] : memref<1000x128xf32, #tpu.memory_space<vmem>>, vector<1000x128xf32>
    tpu.vector_store %arg7[%swap3A, %swap3A_22], %add3A_21 {strides = array<i32>} : memref<1000x128xf32, #tpu.memory_space<vmem>>, vector<1000x128xf32>,
    %get3A_24 = arith.constant 0 : index
    %get3A_25 = arith.constant 0 : index
    %get3A_26 = vector.load %arg5[%get3A_24, %get3A_25] : memref<128x128xf32, #tpu.memory_space<vmem>>, vector<128x128xf32>
    %dot_general3A_27 = arith.constant dense<0.000000e+00> : vector<1000x128xf32>
    %dot_general3A_28 = tpu.matmul %add3A_21, %get3A_26, %dot_general3A_27 {dimension_numbers = #tpu.dot_dimension_numbers<[1], [0], [0], [1], [0, 0, 1, 1], [], []>, transpose_lhs_hint = false} : vector<1000x128xf32>, vector<128x128xf32>, vector<1000x128xf32> -> vector<1000x128xf32>
    %get3A_29 = arith.constant 0 : index
    %get3A_30 = arith.constant 0 : index
    %get3A_31 = vector.load %arg6[%get3A_29, %get3A_30] : memref<1x128xf32, #tpu.memory_space<vmem>>, vector<1x128xf32>
    %add3A_32 = vector.broadcast %get3A_31 : vector<1x128xf32> to vector<1000x128xf32>
    %add3A_33 = arith.addf %dot_general3A_28, %add3A_32 : vector<1000x128xf32>
    %max3A = arith.constant 0.000000e+00 : f32
    %max3A_34 = vector.broadcast %max3A : f32 to vector<1000x128xf32>
    %max3A_35 = arith.maximumf %add3A_33, %max3A_34 : vector<1000x128xf32>
    %abs3A = math.absf %add3A_33 : vector<1000x128xf32>
    %neg3A = arith.constant 0.000000e+00 : f32
    %neg3A_36 = vector.broadcast %neg3A : f32 to vector<1000x128xf32>
    %neg3A_37 = arith.subf %neg3A_36, %abs3A : vector<1000x128xf32>
    %exp3A = math.exp %neg3A_37 : vector<1000x128xf32>
    %log1p3A = math.log1p %exp3A : vector<1000x128xf32>
    %add3A_38 = arith.addf %max3A_35, %log1p3A : vector<1000x128xf32>
    %sub3A = arith.constant 0.693147182 : f32
    %sub3A_39 = vector.broadcast %sub3A : f32 to vector<1000x128xf32>
    %sub3A_40 = arith.subf %add3A_38, %sub3A_39 : vector<1000x128xf32>
    %swap3A_41 = arith.constant 0 : index
    %swap3A_42 = arith.constant 0 : index
    %swap3A_43 = vector.load %arg8[%swap3A_41, %swap3A_42] : memref<1000x128xf32, #tpu.memory_space<vmem>>, vector<1000x128xf32>
    tpu.vector_store %arg8[%swap3A_41, %swap3A_42], %sub3A_40 {strides = array<i32>} : memref<1000x128xf32, #tpu.memory_space<vmem>>, vector<1000x128xf32>,
    return
  }
  func.func @transform_0(%arg0: i32) -> (i32, i32) {
    %c0_i32 = arith.constant 0 : i32
    %c0_i32_0 = arith.constant 0 : i32
    return %arg0, %c0_i32 : i32, i32
  }
  func.func @transform_1(%arg0: i32) -> (i32, i32, i32) {
    %c0_i32 = arith.constant 0 : i32
    %c0_i32_0 = arith.constant 0 : i32
    %c0_i32_1 = arith.constant 0 : i32
    return %c0_i32, %arg0, %c0_i32_0 : i32, i32, i32
  }
  func.func @transform_2(%arg0: i32) -> (i32, i32) {
    %c0_i32 = arith.constant 0 : i32
    %c0_i32_0 = arith.constant 0 : i32
    %c0_i32_1 = arith.constant 0 : i32
    return %c0_i32, %c0_i32_0 : i32, i32
  }
  func.func @transform_3(%arg0: i32) -> (i32, i32) {
    %c0_i32 = arith.constant 0 : i32
    %c0_i32_0 = arith.constant 0 : i32
    %c0_i32_1 = arith.constant 0 : i32
    return %c0_i32, %c0_i32_0 : i32, i32
  }
  func.func @transform_4(%arg0: i32) -> (i32, i32) {
    %c0_i32 = arith.constant 0 : i32
    %c0_i32_0 = arith.constant 0 : i32
    %c0_i32_1 = arith.constant 0 : i32
    return %c0_i32, %c0_i32_0 : i32, i32
  }
  func.func @transform_5(%arg0: i32) -> (i32, i32) {
    %c0_i32 = arith.constant 0 : i32
    %c0_i32_0 = arith.constant 0 : i32
    %c0_i32_1 = arith.constant 0 : i32
    return %c0_i32, %c0_i32_0 : i32, i32
  }
  func.func @transform_6(%arg0: i32) -> (i32, i32) {
    %c0_i32 = arith.constant 0 : i32
    %c0_i32_0 = arith.constant 0 : i32
    return %arg0, %c0_i32 : i32, i32
  }
  func.func @transform_7(%arg0: i32) -> (i32, i32) {
    %c0_i32 = arith.constant 0 : i32
    %c0_i32_0 = arith.constant 0 : i32
    return %arg0, %c0_i32 : i32, i32
  }
}

module attributes {stable_mosaic.version = 14 : i64} {
  func.func @_tc_last_body(%arg0: i32, %arg1: memref<1000x128xf32, #tpu.memory_space<vmem>>, %arg2: memref<2x1000x128xf32, #tpu.memory_space<vmem>>, %arg3: memref<128x128xf32, #tpu.memory_space<vmem>>, %arg4: memref<1x128xf32, #tpu.memory_space<vmem>>, %arg5: memref<1000x1xi32, #tpu.memory_space<vmem>>, %arg6: memref<128x64xf32, #tpu.memory_space<vmem>>, %arg7: memref<1x64xf32, #tpu.memory_space<vmem>>, %arg8: memref<64x10xf32, #tpu.memory_space<vmem>>, %arg9: memref<1x10xf32, #tpu.memory_space<vmem>>, %arg10: memref<64x10xf32, #tpu.memory_space<vmem>>, %arg11: memref<64x128xf32, #tpu.memory_space<vmem>>) attributes {dimension_semantics = [#tpu.dimension_semantics<arbitrary>], iteration_bounds = array<i64: 10>, scalar_prefetch = 0 : i64, scratch_operands = 1 : i64, tpu.core_type = #tpu.core_type<tc>, window_params = [{transform_indices = @transform_0, window_bounds = array<i64: 1000, 128>}, {transform_indices = @transform_1, window_bounds = array<i64: 2, 1000, 128>}, {pipeline_mode = #tpu.pipeline_mode<synchronous>, transform_indices = @transform_2, window_bounds = array<i64: 128, 128>}, {pipeline_mode = #tpu.pipeline_mode<synchronous>, transform_indices = @transform_3, window_bounds = array<i64: 1, 128>}, {transform_indices = @transform_4, window_bounds = array<i64: 1000, 1>}, {pipeline_mode = #tpu.pipeline_mode<synchronous>, transform_indices = @transform_5, window_bounds = array<i64: 128, 64>}, {pipeline_mode = #tpu.pipeline_mode<synchronous>, transform_indices = @transform_6, window_bounds = array<i64: 1, 64>}, {pipeline_mode = #tpu.pipeline_mode<synchronous>, transform_indices = @transform_7, window_bounds = array<i64: 64, 10>}, {pipeline_mode = #tpu.pipeline_mode<synchronous>, transform_indices = @transform_8, window_bounds = array<i64: 1, 10>}, {pipeline_mode = #tpu.pipeline_mode<synchronous>, transform_indices = @transform_9, window_bounds = array<i64: 64, 10>}]} {
    %get3A = arith.constant 0 : index
    %get3A_0 = arith.constant 0 : index
    %get3A_1 = arith.constant 0 : index
    %get3A_2 = vector.load %arg2[%get3A, %get3A_0, %get3A_1] : memref<2x1000x128xf32, #tpu.memory_space<vmem>>, vector<1x1000x128xf32>
    %get3A_3 = vector.shape_cast %get3A_2 : vector<1x1000x128xf32> to vector<1000x128xf32>
    %get3A_4 = arith.constant 1 : index
    %get3A_5 = arith.constant 0 : index
    %get3A_6 = arith.constant 0 : index
    %get3A_7 = vector.load %arg2[%get3A_4, %get3A_5, %get3A_6] : memref<2x1000x128xf32, #tpu.memory_space<vmem>>, vector<1x1000x128xf32>
    %get3A_8 = vector.shape_cast %get3A_7 : vector<1x1000x128xf32> to vector<1000x128xf32>
    %add3A = arith.addf %get3A_3, %get3A_8 : vector<1000x128xf32>
    %get3A_9 = arith.constant 0 : index
    %get3A_10 = arith.constant 0 : index
    %get3A_11 = vector.load %arg1[%get3A_9, %get3A_10] : memref<1000x128xf32, #tpu.memory_space<vmem>>, vector<1000x128xf32>
    %get3A_12 = arith.constant 0 : index
    %get3A_13 = arith.constant 0 : index
    %get3A_14 = vector.load %arg3[%get3A_12, %get3A_13] : memref<128x128xf32, #tpu.memory_space<vmem>>, vector<128x128xf32>
    %dot_general3A = arith.constant dense<0.000000e+00> : vector<1000x128xf32>
    %dot_general3A_15 = tpu.matmul %add3A, %get3A_14, %dot_general3A {dimension_numbers = #tpu.dot_dimension_numbers<[1], [0], [0], [1], [0, 0, 1, 1], [], []>, transpose_lhs_hint = false} : vector<1000x128xf32>, vector<128x128xf32>, vector<1000x128xf32> -> vector<1000x128xf32>
    %add3A_16 = arith.addf %get3A_11, %dot_general3A_15 : vector<1000x128xf32>
    %get3A_17 = arith.constant 0 : index
    %get3A_18 = arith.constant 0 : index
    %get3A_19 = vector.load %arg4[%get3A_17, %get3A_18] : memref<1x128xf32, #tpu.memory_space<vmem>>, vector<1x128xf32>
    %add3A_20 = vector.broadcast %get3A_19 : vector<1x128xf32> to vector<1000x128xf32>
    %add3A_21 = arith.addf %add3A_16, %add3A_20 : vector<1000x128xf32>
    %get3A_22 = arith.constant 0 : index
    %get3A_23 = arith.constant 0 : index
    %get3A_24 = vector.load %arg5[%get3A_22, %get3A_23] : memref<1000x1xi32, #tpu.memory_space<vmem>>, vector<1000x1xi32>
    %iota3A = tpu.iota {dimensions = array<i32: 1>} : vector<1000x64xi32>
    %eq3A = vector.broadcast %get3A_24 : vector<1000x1xi32> to vector<1000x64xi32>
    %eq3A_25 = arith.cmpi eq, %eq3A, %iota3A : vector<1000x64xi32>
    %convert_element_type3A = arith.extui %eq3A_25 : vector<1000x64xi1> to vector<1000x64xi32>
    %convert_element_type3A_26 = arith.sitofp %convert_element_type3A : vector<1000x64xi32> to vector<1000x64xf32>
    %dot_general3A_27 = arith.constant dense<0.000000e+00> : vector<64x128xf32>
    %dot_general3A_28 = tpu.matmul %convert_element_type3A_26, %add3A_21, %dot_general3A_27 {dimension_numbers = #tpu.dot_dimension_numbers<[0], [0], [1], [1], [0, 1, 1, 1], [], []>, transpose_lhs_hint = false} : vector<1000x64xf32>, vector<1000x128xf32>, vector<64x128xf32> -> vector<64x128xf32>
    %eq3A_29 = arith.constant 0 : i32
    %eq3A_30 = arith.cmpi eq, %arg0, %eq3A_29 : i32
    %convert_element_type3A_31 = arith.extui %eq3A_30 : i1 to i32
    %cond3A = arith.constant 0 : i32
    %cond3A_32 = arith.cmpi ne, %convert_element_type3A_31, %cond3A : i32
    scf.if %cond3A_32 {
      %swap3A = arith.constant 0 : index
      %swap3A_42 = arith.constant 0 : index
      %swap3A_43 = vector.load %arg11[%swap3A, %swap3A_42] : memref<64x128xf32, #tpu.memory_space<vmem>>, vector<64x128xf32>
      tpu.vector_store %arg11[%swap3A, %swap3A_42], %dot_general3A_28 {strides = array<i32>} : memref<64x128xf32, #tpu.memory_space<vmem>>, vector<64x128xf32>,
    } else {
    }
    %gt3A = arith.constant 0 : i32
    %gt3A_33 = arith.cmpi sgt, %arg0, %gt3A : i32
    %convert_element_type3A_34 = arith.extui %gt3A_33 : i1 to i32
    %cond3A_35 = arith.constant 0 : i32
    %cond3A_36 = arith.cmpi ne, %convert_element_type3A_34, %cond3A_35 : i32
    scf.if %cond3A_36 {
      %get3A_42 = arith.constant 0 : index
      %get3A_43 = arith.constant 0 : index
      %get3A_44 = vector.load %arg11[%get3A_42, %get3A_43] : memref<64x128xf32, #tpu.memory_space<vmem>>, vector<64x128xf32>
      %add3A_45 = arith.addf %get3A_44, %dot_general3A_28 : vector<64x128xf32>
      %swap3A = arith.constant 0 : index
      %swap3A_46 = arith.constant 0 : index
      %swap3A_47 = vector.load %arg11[%swap3A, %swap3A_46] : memref<64x128xf32, #tpu.memory_space<vmem>>, vector<64x128xf32>
      tpu.vector_store %arg11[%swap3A, %swap3A_46], %add3A_45 {strides = array<i32>} : memref<64x128xf32, #tpu.memory_space<vmem>>, vector<64x128xf32>,
    } else {
    }
    %eq3A_37 = arith.constant 9 : i32
    %eq3A_38 = arith.cmpi eq, %arg0, %eq3A_37 : i32
    %convert_element_type3A_39 = arith.extui %eq3A_38 : i1 to i32
    %cond3A_40 = arith.constant 0 : i32
    %cond3A_41 = arith.cmpi ne, %convert_element_type3A_39, %cond3A_40 : i32
    scf.if %cond3A_41 {
      %get3A_42 = arith.constant 0 : index
      %get3A_43 = arith.constant 0 : index
      %get3A_44 = vector.load %arg11[%get3A_42, %get3A_43] : memref<64x128xf32, #tpu.memory_space<vmem>>, vector<64x128xf32>
      %get3A_45 = arith.constant 0 : index
      %get3A_46 = arith.constant 0 : index
      %get3A_47 = vector.load %arg6[%get3A_45, %get3A_46] : memref<128x64xf32, #tpu.memory_space<vmem>>, vector<128x64xf32>
      %dot_general3A_48 = arith.constant dense<0.000000e+00> : vector<64x64xf32>
      %dot_general3A_49 = tpu.matmul %get3A_44, %get3A_47, %dot_general3A_48 {dimension_numbers = #tpu.dot_dimension_numbers<[1], [0], [0], [1], [0, 0, 1, 1], [], []>, transpose_lhs_hint = false} : vector<64x128xf32>, vector<128x64xf32>, vector<64x64xf32> -> vector<64x64xf32>
      %get3A_50 = arith.constant 0 : index
      %get3A_51 = arith.constant 0 : index
      %get3A_52 = vector.load %arg7[%get3A_50, %get3A_51] : memref<1x64xf32, #tpu.memory_space<vmem>>, vector<1x64xf32>
      %add3A_53 = vector.broadcast %get3A_52 : vector<1x64xf32> to vector<64x64xf32>
      %add3A_54 = arith.addf %dot_general3A_49, %add3A_53 : vector<64x64xf32>
      %max3A = arith.constant 0.000000e+00 : f32
      %max3A_55 = vector.broadcast %max3A : f32 to vector<64x64xf32>
      %max3A_56 = arith.maximumf %add3A_54, %max3A_55 : vector<64x64xf32>
      %abs3A = math.absf %add3A_54 : vector<64x64xf32>
      %neg3A = arith.constant 0.000000e+00 : f32
      %neg3A_57 = vector.broadcast %neg3A : f32 to vector<64x64xf32>
      %neg3A_58 = arith.subf %neg3A_57, %abs3A : vector<64x64xf32>
      %exp3A = math.exp %neg3A_58 : vector<64x64xf32>
      %log1p3A = math.log1p %exp3A : vector<64x64xf32>
      %add3A_59 = arith.addf %max3A_56, %log1p3A : vector<64x64xf32>
      %sub3A = arith.constant 0.693147182 : f32
      %sub3A_60 = vector.broadcast %sub3A : f32 to vector<64x64xf32>
      %sub3A_61 = arith.subf %add3A_59, %sub3A_60 : vector<64x64xf32>
      %get3A_62 = arith.constant 0 : index
      %get3A_63 = arith.constant 0 : index
      %get3A_64 = vector.load %arg8[%get3A_62, %get3A_63] : memref<64x10xf32, #tpu.memory_space<vmem>>, vector<64x10xf32>
      %dot_general3A_65 = arith.constant dense<0.000000e+00> : vector<64x10xf32>
      %dot_general3A_66 = tpu.matmul %sub3A_61, %get3A_64, %dot_general3A_65 {dimension_numbers = #tpu.dot_dimension_numbers<[1], [0], [0], [1], [0, 0, 1, 1], [], []>, transpose_lhs_hint = false} : vector<64x64xf32>, vector<64x10xf32>, vector<64x10xf32> -> vector<64x10xf32>
      %get3A_67 = arith.constant 0 : index
      %get3A_68 = arith.constant 0 : index
      %get3A_69 = vector.load %arg9[%get3A_67, %get3A_68] : memref<1x10xf32, #tpu.memory_space<vmem>>, vector<1x10xf32>
      %add3A_70 = vector.broadcast %get3A_69 : vector<1x10xf32> to vector<64x10xf32>
      %add3A_71 = arith.addf %dot_general3A_66, %add3A_70 : vector<64x10xf32>
      %swap3A = arith.constant 0 : index
      %swap3A_72 = arith.constant 0 : index
      %swap3A_73 = vector.load %arg10[%swap3A, %swap3A_72] : memref<64x10xf32, #tpu.memory_space<vmem>>, vector<64x10xf32>
      tpu.vector_store %arg10[%swap3A, %swap3A_72], %add3A_71 {strides = array<i32>} : memref<64x10xf32, #tpu.memory_space<vmem>>, vector<64x10xf32>,
    } else {
    }
    return
  }
  func.func @transform_0(%arg0: i32) -> (i32, i32) {
    %c0_i32 = arith.constant 0 : i32
    %c0_i32_0 = arith.constant 0 : i32
    return %arg0, %c0_i32 : i32, i32
  }
  func.func @transform_1(%arg0: i32) -> (i32, i32, i32) {
    %c0_i32 = arith.constant 0 : i32
    %c0_i32_0 = arith.constant 0 : i32
    %c0_i32_1 = arith.constant 0 : i32
    return %c0_i32, %arg0, %c0_i32_0 : i32, i32, i32
  }
  func.func @transform_2(%arg0: i32) -> (i32, i32) {
    %c0_i32 = arith.constant 0 : i32
    %c0_i32_0 = arith.constant 0 : i32
    %c0_i32_1 = arith.constant 0 : i32
    return %c0_i32, %c0_i32_0 : i32, i32
  }
  func.func @transform_3(%arg0: i32) -> (i32, i32) {
    %c0_i32 = arith.constant 0 : i32
    %c0_i32_0 = arith.constant 0 : i32
    %c0_i32_1 = arith.constant 0 : i32
    return %c0_i32, %c0_i32_0 : i32, i32
  }
  func.func @transform_4(%arg0: i32) -> (i32, i32) {
    %c0_i32 = arith.constant 0 : i32
    %c0_i32_0 = arith.constant 0 : i32
    return %arg0, %c0_i32 : i32, i32
  }
  func.func @transform_5(%arg0: i32) -> (i32, i32) {
    %c0_i32 = arith.constant 0 : i32
    %c0_i32_0 = arith.constant 0 : i32
    %c0_i32_1 = arith.constant 0 : i32
    return %c0_i32, %c0_i32_0 : i32, i32
  }
  func.func @transform_6(%arg0: i32) -> (i32, i32) {
    %c0_i32 = arith.constant 0 : i32
    %c0_i32_0 = arith.constant 0 : i32
    %c0_i32_1 = arith.constant 0 : i32
    return %c0_i32, %c0_i32_0 : i32, i32
  }
  func.func @transform_7(%arg0: i32) -> (i32, i32) {
    %c0_i32 = arith.constant 0 : i32
    %c0_i32_0 = arith.constant 0 : i32
    %c0_i32_1 = arith.constant 0 : i32
    return %c0_i32, %c0_i32_0 : i32, i32
  }
  func.func @transform_8(%arg0: i32) -> (i32, i32) {
    %c0_i32 = arith.constant 0 : i32
    %c0_i32_0 = arith.constant 0 : i32
    %c0_i32_1 = arith.constant 0 : i32
    return %c0_i32, %c0_i32_0 : i32, i32
  }
  func.func @transform_9(%arg0: i32) -> (i32, i32) {
    %c0_i32 = arith.constant 0 : i32
    %c0_i32_0 = arith.constant 0 : i32
    %c0_i32_1 = arith.constant 0 : i32
    return %c0_i32, %c0_i32_0 : i32, i32
  }
}

</mosaic_0001>

<sc_bundles>
// kernel: kernel.12.cloned.1.call-start
scs
__scs_entry_jumppad:
0x0: {  	(pc) =	sbr.rel $0x88, $3  }
0x1: {  	(tag) =	ssettag $0x0;
	lr =	simm.s32 $0x1  }
0x2: {  	[smem:$0x3F94] =	sst lr;
	_ =	strace $0xD0000000  }
0x3: {  	_ = 	snop  }
0x4: {  	_ = 	snop  }
0x5: {  	_ = 	snop  }
0x6: {  	_ = 	snop  }
0x7: {  	_ = 	snop  }
__scs_overlays_trampoline_lowered:
0x8: {  	[smem:$0x3FA3] =	sst s0  }
0x9: {  	[smem:$0x3FA4] =	sst s1  }
0xa: {  	[smem:$0x3FA5] =	sst s2  }
0xb: {  	[smem:$0x3FA6] =	sst s3  }
0xc: {  	[smem:$0x3FA7] =	sst s4  }
0xd: {  	[smem:$0x3FA8] =	sst s5  }
0xe: {  	[smem:$0x3FA9] =	sst s6  }
0xf: {  	[smem:$0x3FAA] =	sst s7  }
0x10: {  	[smem:$0x3FAB] =	sst s8  }
0x11: {  	[smem:$0x3FAC] =	sst s9;
	s0 =	simm.s32 @!p0 $0x0  }
0x12: {  	s1 =	sld [smem:$0x3F92];
	s0 =	simm.s32 @p0 $0x1  }
0x13: {  	[smem:$0x3FAD] =	sst s0;
	s0 =	simm.s32 @!p1 $0x0  }
0x14: {  	s2 =	sld [smem:$0x3F91];
	s0 =	simm.s32 @p1 $0x1  }
0x15: {  	[smem:$0x3FAE] =	sst s0;
	s0 =	simm.s32 @!p2 $0x0  }
0x16: {  	s3 =	sld [smem:$0x3FDB];
	s0 =	simm.s32 @p2 $0x1  }
0x17: {  	s4 =	simm.s32 $0x1BF5;
	[smem:$0x3FB0] =	sst s0  }
0x18: {  	s0 =	sld [smem:$0x3F93];
	_ =	swait.ge [sflag:s4], $0x0  }
0x19: {  	s7 =	sld [smem:$0x3F94]  }
0x1a: {  	s8 =	sadd.s32 $0xFFFFE003, lr  }
0x1b: {  	s9 =	sadd.s32 $0xFFFFFEF7, lr;
	s5 =	simm.s32 $0xFFFFFFFF;
	p2 =	slt.u32 s8, $0xFFFFF086  }
0x1c: {  	p1 =	slt.u32 s9, $0xF7A;
	s5 =	simm.s32 @!p2 $0x0  }
0x1d: {  	s5 =	simm.s32 @p1 $0x1;
	p0 =	seq.s32 s7, s2  }
0x1e: {  	s7 =	smul.u32 @!p0 $0xF7A, s2;
	p2 =	seq.s32 @!p0 s5, $0x0  }
0x1f: {  	s9 =	smul.u32 $0xF7A, s1;
	s8 =	simm.s32 @!p0 $0x1BF5;
	p2 =	por !p2, p0  }
0x20: {  	[sflag:s8] =	ssyncset.s32 @!p0 $0xFFFFF086;
	s6 =	sadd.s32 @!p0 s3, s7;
	s7 =	simm.s32 @!p0 $0x108  }
0x21: {  	s3 =	sadd.s32 s3, s9;
	s6 =	sadd.s32 @!p0 $0x88, s6;
	s7 =	simm.s32 @p2 $0x1082  }
0x22: {  	[simem:s7], [sflag:s8] =	dma.local @!p0 [hbm:s6], $0xF7A  }
0x23: {  	s9 =	sor.u32 $0xD0000000, s2;
	s6 =	simm.s32 $0x108;
	_ =	swait.ge @!p0 [sflag:s8], $0x0  }
0x24: {  	s3 =	sadd.s32 $0x88, s3;
	s6 =	simm.s32 @!p1 $0x1082;
	[sflag:s4] =	ssyncset.s32 $0xFFFFF086  }
0x25: {  	[simem:s6], [sflag:s4] =	dma.local [hbm:s3], $0xF7A  }
0x26: {  	[smem:$0x3F94] =	sst s1;
	(tag) =	ssettag s2;
	_ =	strace s9  }
0x27: {  	s1 =	sld [smem:$0x3FA4]  }
0x28: {  	s2 =	sld [smem:$0x3FA5]  }
0x29: {  	s4 =	sld [smem:$0x3FA7]  }
0x2a: {  	p0 =	seq.s32 s5, $0x0;
	s5 =	sld [smem:$0x3FA8]  }
0x2b: {  	s6 =	sld [smem:$0x3FA9]  }
0x2c: {  	s7 =	sld [smem:$0x3FAA]  }
0x2d: {  	s3 =	simm.s32 $0x108;
	s8 =	sld [smem:$0x3FAB]  }
0x2e: {  	s3 =	simm.s32 @!p0 $0x1082;
	s9 =	sld [smem:$0x3FAC]  }
0x2f: {  	lr =	sadd.s32 s0, s3;
	s0 =	sld [smem:$0x3FA3]  }
0x30: {  	s3 =	sld [smem:$0x3FA6]  }
0x31: {  	[smem:$0x3FAF] =	sst s10  }
0x32: {  	s10 =	sld [smem:$0x3FAD];
	_ =	sdelay $0x3  }
0x33: {  	p0 =	seq.s32 s10, $0x1;
	s10 =	sld [smem:$0x3FAF];
	_ =	sdelay $0x3  }
0x34: {  	[smem:$0x3FAF] =	sst s10  }
0x35: {  	s10 =	sld [smem:$0x3FAE];
	_ =	sdelay $0x3  }
0x36: {  	p1 =	seq.s32 s10, $0x1;
	s10 =	sld [smem:$0x3FAF];
	_ =	sdelay $0x3  }
0x37: {  	[smem:$0x3FAF] =	sst s10  }
0x38: {  	s10 =	sld [smem:$0x3FB0]  }
0x39: {  	_ = 	snop;
	(pc) =	sbr.ind lr, $3  }
0x3a: {  	_ = 	snop  }
0x3b: {  	_ = 	snop  }
0x3c: {  	p2 =	seq.s32 s10, $0x1;
	s10 =	sld [smem:$0x3FAF]  }
0x3d: {  	_ =	shalt  }
0x3e: {  	_ =	shalt  }
0x3f: {  	_ =	shalt  }
0x40: {  	_ =	shalt  }
0x41: {  	_ =	shalt  }
0x42: {  	_ =	shalt  }
0x43: {  	_ =	shalt  }
0x44: {  	_ =	shalt  }
0x45: {  	_ =	shalt  }
0x46: {  	_ =	shalt  }
0x47: {  	_ =	shalt  }
0x48: {  	_ =	shalt  }
0x49: {  	_ =	shalt  }
0x4a: {  	_ =	shalt  }
0x4b: {  	_ =	shalt  }
0x4c: {  	_ =	shalt  }
0x4d: {  	_ =	shalt  }
0x4e: {  	_ =	shalt  }
0x4f: {  	_ =	shalt  }
0x50: {  	_ =	shalt  }
0x51: {  	_ =	shalt  }
0x52: {  	_ =	shalt  }
0x53: {  	_ =	shalt  }
0x54: {  	_ =	shalt  }
0x55: {  	_ =	shalt  }
0x56: {  	_ =	shalt  }
0x57: {  	_ =	shalt  }
0x58: {  	_ =	shalt  }
0x59: {  	_ =	shalt  }
0x5a: {  	_ =	shalt  }
0x5b: {  	_ =	shalt  }
0x5c: {  	_ =	shalt  }
0x5d: {  	_ =	shalt  }
0x5e: {  	_ =	shalt  }
0x5f: {  	_ =	shalt  }
0x60: {  	_ =	shalt  }
0x61: {  	_ =	shalt  }
0x62: {  	_ =	shalt  }
0x63: {  	_ =	shalt  }
0x64: {  	_ =	shalt  }
0x65: {  	_ =	shalt  }
0x66: {  	_ =	shalt  }
0x67: {  	_ =	shalt  }
0x68: {  	_ =	shalt  }
0x69: {  	_ =	shalt  }
0x6a: {  	_ =	shalt  }
0x6b: {  	_ =	shalt  }
0x6c: {  	_ =	shalt  }
0x6d: {  	_ =	shalt  }
0x6e: {  	_ =	shalt  }
0x6f: {  	_ =	shalt  }
0x70: {  	_ =	shalt  }
0x71: {  	_ =	shalt  }
0x72: {  	_ =	shalt  }
0x73: {  	_ =	shalt  }
0x74: {  	_ =	shalt  }
0x75: {  	_ =	shalt  }
0x76: {  	_ =	shalt  }
0x77: {  	_ =	shalt  }
0x78: {  	_ =	shalt  }
0x79: {  	_ =	shalt  }
0x7a: {  	_ =	shalt  }
0x7b: {  	_ =	shalt  }
0x7c: {  	_ =	shalt  }
0x7d: {  	_ =	shalt  }
0x7e: {  	_ =	shalt  }
0x7f: {  	_ =	shalt  }
0x80: {  	_ =	shalt  }
0x81: {  	_ =	shalt  }
0x82: {  	_ =	shalt  }
0x83: {  	_ =	shalt  }
0x84: {  	_ =	shalt  }
0x85: {  	_ =	shalt  }
0x86: {  	_ =	shalt  }
0x87: {  	_ =	shalt  }
.Lfunc_end0:
.L_simem_size_0:
called_computation.1_lowered:
.L_overlay_start_0:
0x88: {  	s2 =	sld [smem:$0x3FD9]  }
0x89: {  	s3 =	sld [smem:$0x3FFE];
	_ =	sdelay $0x1  }
0x8a: {  	s1 =	srdreg.scid  }
0x8b: {  	s0 =	sand.u32 $0x1, s1  }
0x8c: {  	s16 =	sshll.u32 s0, $0xA;
	s2 =	sadd.s32 s3, s2  }
0x8d: {  	s2 =	sadd.s32 s2, s16  }
0x8e: {  	[smem:$0x3FBB] =	sst s2  }
0x8f: {  	_ = 	snop  }
0x90: {  	(tm) =	ssettm $0x1  }
0x91: {  	s17 =	sld [smem:$0x3FFB];
	_ =	sdelay $0x3  }
0x92: {  	_ =	strace s17  }
0x93: {  	s2 =	sld [smem:$0x3FFC];
	_ =	sdelay $0x3  }
0x94: {  	_ =	strace s2  }
0x95: {  	s2 =	sld [smem:$0x3FFD];
	_ =	sdelay $0x3  }
0x96: {  	_ =	strace s2  }
0x97: {  	_ =	strace $0x8FFFFFFF  }
0x98: {  	s18 =	sld [smem:$0x3FDB];
	_ =	sdelay $0x1  }
0x99: {  	s19 =	simm.s32 $_scs_section_size  }
0x9a: {  	s4 =	simm.s32 $_size__tile_overlayer_lowered;
	s5 =	simm.s32 $_tile_overlayer_lowered  }
0x9b: {  	s22 =	simm.s32 $0x1BFF;
	s21 =	sshll.u32 s5, $0x1;
	s2 =	sadd.s32 s19, s18  }
0x9c: {  	s6 =	simm.s32 $0x0;
	s20 =	sshll.u32 s4, $0x1;
	s4 =	sadd.s32 s21, s2  }
0x9d: {  	[timem:s6], [sflag:s22] =	dma.local [hbm:s4], s20  }
0x9e: {  	_ =	swait.ge [sflag:s22], s20  }
0x9f: {  	s3 =	ssub.s32 $0x0, s20;
	[sflag:s22] =	ssyncset.done $0x0  }
0xa0: {  	[sflag:s22] =	ssyncadd.s32 s3;
	_ =	sdelay $0x1  }
0xa1: {  	s23 =	simm.s32 $0x1B8B  }
0xa2: {  	_ =	swait.ge [sflag:s23], $0x1  }
0xa3: {  	[sflag:s23] =	ssyncset.done $0x0  }
0xa4: {  	s25 =	simm.s32 $0x1B8E;
	s24 =	sld [smem:$0x3FFE];
	[sflag:s23] =	ssyncadd.s32 $0xFFFFFFFF  }
0xa5: {  	s26 =	simm.s32 $execute0_lowered;
	[smem:$0x3FD2] =	sst s25  }
0xa6: {  	s4 =	sshll.u32 s26, $0x1;
	_ =	strace $0x80000049;
	[dreg:$0x1] =	wrdreg $0xFFFFFFFF  }
0xa7: {  	s28 =	simm.s32 $_size_execute0_lowered;
	s2 =	sadd.s32 s2, s4;
	[dreg:$0x0] =	wrdreg $0x0  }
0xa8: {  	s4 =	sshll.u32 s28, $0x1;
	[dreg:$0x2] =	wrdreg s2  }
0xa9: {  	[dreg:$0x3] =	wrdreg s4  }
0xaa: {  	[dreg:$0x4] =	wrdreg $0xC0  }
0xab: {  	_ =	task [dreg:s6], $0x5FFFF  }
0xac: {  	[dreg:$0x1] =	wrdreg $0xFFFFFFFF  }
0xad: {  	[dreg:$0x0] =	wrdreg $0x60  }
0xae: {  	[dreg:$0x2] =	wrdreg s24  }
0xaf: {  	[dreg:$0x3] =	wrdreg $0xBC000  }
0xb0: {  	[dreg:$0x4] =	wrdreg $0x9  }
0xb1: {  	_ =	task.clear_ibuf [dreg:s6], $0x5FFFF;
	_ =	strace $0x90000049  }
0xb2: {  	s29 =	simm.s32 $0x9;
	_ =	strace $0x8000004B  }
0xb3: {  	_ =	swait.ge [sflag:s29], $0x1  }
0xb4: {  	[sflag:s29] =	ssyncadd.s32 $0xFFFFFFFF  }
0xb5: {  	_ =	strace $0x9000004B  }
0xb6: {  	_ =	sfence  }
0xb7: {  	s30 =	sld [smem:$0x0];
	_ =	sdelay $0x2  }
0xb8: {  	s31 =	sshll.u32 s1, $0xD;
	s1 =	sshrl.u32 s1, $0x2  }
0xb9: {  	s3 =	sand.u32 $0x4000, s31;
	s1 =	sadd.s32 s1, s30  }
0xba: {  	s0 =	sor.u32 s3, s0;
	s1 =	sshll.u32 s1, $0x11  }
0xbb: {  	s0 =	sor.u32 s1, s0  }
0xbc: {  	s0 =	sadd.s32 $0x8F2B, s0  }
0xbd: {  	[sflag:s0] =	ssyncadd.remote.s32 $0x1  }
0xbe: {  	_ =	sfence.sel $0xFFFF  }
0xbf: {  	[dreg:$0x0] =	wrdreg $0xFFFFFFFF;
	(pc) =	sbr.abs _section_cstart, $3  }
0xc0: {  	[dreg:$0x1] =	wrdreg $0xFFFFFFFF  }
0xc1: {  	_ =	task.clear_ibuf [dreg:s6], $0x2FFFF;
	_ =	strace $0x9FFFFFFF  }
0xc2: {  	(tm) =	ssettm $0x7FFFFFFF  }
0xc3: {  	_ =	shalt  }
tec
execute0_lowered:
.L_overlay_start_1:
0x0: {  	(tag) =	ssettag $0x1  }
0x1: {  	s0 =	srdreg.scid;
	s6 =	rddreg [dreg:$0x0]  }
0x2: {  	s2 =	rddreg [dreg:$0x1];
	s1 =	stileid.u32  }
0x3: {  	s3 =	simm.s32 $0x0;
	s16 =	simm.s32 $0x2;
	s17 =	simm.s32 $0x3C00  }
0x4: {  	s18 =	simm.s32 $0x80;
	s19 =	simm.s32 $0x1;
	s20 =	simm.s32 $0x7C00  }
0x5: {  	s5 =	sand.u32 $0x1, s0;
	s0 =	rddreg [dreg:$0x2];
	s30 =	smul.u32 $0x4F000, s1  }
0x6: {  	s24 =	simm.s32 $0x0;
	[smem:$0x7FF] =	sst s3;
	s22 =	smul.u32 $0x2780, s1  }
0x7: {  	s31 =	sshll.u32 s1, $0x6;
	s4 =	sshll.u32 s5, $0x4;
	_ =	strace $0x8000004A  }
0x8: {  	s9 =	smul.u32 $0x27800, s5;
	s10 =	ssub.s32 $0x2, s5;
	s4 =	sor.u32 s1, s4  }
0x9: {  	s5 =	sadd.s32 $0x3E800, s6;
	s11 =	sshrl.u32 s10, $0x1;
	s7 =	smul.u32 $0x280, s4  }
0xa: {  	s8 =	smul.u32 $0x500, s4;
	s14 =	sadd.s32 s9, s6;
	s15 =	ssub.s32 s10, s11  }
0xb: {  	s4 =	sadd.s32 $0x17600, s6;
	s21 =	sadd.s32 $0x3F000, s14;
	s14 =	smax.u32 s15, $0x1  }
0xc: {  	s15 =	simm.s32 $0x1400;
	s13 =	sadd.s32 s7, s6;
	s8 =	sadd.s32 s8, s6  }
0xd: {  	s7 =	sshrl.u32 s30, $0x2;
	s21 =	sadd.s32 s22, s21;
	s22 =	sor.u32 $0x1C02, s31  }
0xe: {  	s6 =	sadd.s32 s7, s2;
	s7 =	sadd.s32 $0xD600, s8;
	s12 =	sadd.s32 $0x8600, s13  }
0xf: {  	s13 =	sadd.s32 $0x3600, s13;
	s8 =	sadd.s32 $0x4000, s6;
	s9 =	sadd.s32 $0x8000, s6  }
0x10: {  	s10 =	sadd.s32 $0xC000, s6;
	s11 =	sadd.s32 $0x10000, s6;
	s23 =	sshrl.u32 s6, $0x3  }
.LBB2_1:
0x11: {  	[tilespmem:s15], [sflag:$0x2] =	stream.linear.gather [hbm4b:s7+s3], $0x2800, $0x38;
	[tilespmem:$0x1F800] =	vst v63  }
0x12: {  	_ =	swait.ge [sflag:s16], $0x2800  }
0x13: {  	[sflag:s16] =	ssyncset.done $0x0  }
0x14: {  	[sflag:s16] =	ssyncadd.s32 $0xFFFFD800  }
0x15: {  	[tilespmem:s17], [sflag:$0x2] =	stream.linear.gather [hbm4b:s5+s3], $0x4000, $0x38;
	[tilespmem:$0x1F800] =	vst v63  }
0x16: {  	_ =	swait.ge [sflag:s16], $0x4000  }
0x17: {  	[sflag:s16] =	ssyncset.done $0x0  }
0x18: {  	[sflag:s16] =	ssyncadd.s32 $0xFFFFC000  }
0x19: {  	[spmem:s6] =	stream.linear.scatter [tilespmem:s17], [sflag:$0x2], $0x4000, $0x38;
	[tilespmem:$0x1F800] =	vst v63  }
0x1a: {  	_ =	swait.ge [sflag:s16], $0x4000  }
0x1b: {  	[sflag:s16] =	ssyncset.done $0x0  }
0x1c: {  	[sflag:s16] =	ssyncadd.s32 $0xFFFFC000  }
0x1d: {  	[spmem:s8] =	stream.linear.scatter [tilespmem:s17], [sflag:$0x2], $0x4000, $0x38;
	[tilespmem:$0x1F800] =	vst v63  }
0x1e: {  	_ =	swait.ge [sflag:s16], $0x4000  }
0x1f: {  	[sflag:s16] =	ssyncset.done $0x0  }
0x20: {  	[sflag:s16] =	ssyncadd.s32 $0xFFFFC000  }
0x21: {  	[spmem:s9] =	stream.linear.scatter [tilespmem:s17], [sflag:$0x2], $0x4000, $0x38;
	[tilespmem:$0x1F800] =	vst v63  }
0x22: {  	_ =	swait.ge [sflag:s16], $0x4000  }
0x23: {  	[sflag:s16] =	ssyncset.done $0x0  }
0x24: {  	[sflag:s16] =	ssyncadd.s32 $0xFFFFC000  }
0x25: {  	[spmem:s10] =	stream.linear.scatter [tilespmem:s17], [sflag:$0x2], $0x4000, $0x38;
	[tilespmem:$0x1F800] =	vst v63  }
0x26: {  	_ =	swait.ge [sflag:s16], $0x4000  }
0x27: {  	[sflag:s16] =	ssyncset.done $0x0  }
0x28: {  	[sflag:s16] =	ssyncadd.s32 $0xFFFFC000  }
0x29: {  	[spmem:s11] =	stream.linear.scatter [tilespmem:s17], [sflag:$0x2], $0x3C00, $0x38;
	[tilespmem:$0x1F800] =	vst v63  }
0x2a: {  	_ =	swait.ge [sflag:s16], $0x3C00  }
0x2b: {  	[sflag:s16] =	ssyncset.done $0x0  }
0x2c: {  	[sflag:s16] =	ssyncadd.s32 $0xFFFFC400  }
0x2d: {  	[bflag:$0x0] =	sbarrier.arrive $0xFFFF  }
0x2e: {  	[tilespmem:s3], [sflag:$0x2] =	stream.linear.gather [hbm4b:s12+s3], $0x1400, $0x38;
	[tilespmem:$0x1F800] =	vst v63  }
0x2f: {  	_ =	swait.ge [sflag:s16], $0x1400  }
0x30: {  	[sflag:s16] =	ssyncset.done $0x0  }
0x31: {  	s25 =	simm.s32 $0x0;
	[sflag:s16] =	ssyncadd.s32 $0xFFFFEC00  }
0x32: {  	[tilespmem:s17], [sflag:$0x1] =	stream.indirect.gather [hbm4b:s4+s18], $0x80, s25, s18, $0xb8;
	[tilespmem:$0x1F800] =	vst v63  }
0x33: {  	_ =	swait.ge [sflag:s19], $0x4000  }
0x34: {  	[sflag:s19] =	ssyncset.done $0x0  }
0x35: {  	s29 =	simm.s32 $0x1400;
	[sflag:s19] =	ssyncadd.s32 $0xFFFFC000  }
0x36: {  	[spmem:s2] =	stream.indirect.scatter.add.f32 [tilespmem:s17], [sflag:$0x2], $0x80, s29, s18, $0xb8;
	[tilespmem:$0x1F800] =	vst v63  }
0x37: {  	_ =	swait.ge [sflag:s16], $0x4000  }
0x38: {  	[sflag:s16] =	ssyncset.done $0x0  }
0x39: {  	s30 =	simm.s32 $0x80;
	[sflag:s16] =	ssyncadd.s32 $0xFFFFC000  }
0x3a: {  	[tilespmem:s20], [sflag:$0x1] =	stream.indirect.gather [hbm4b:s4+s18], $0x80, s30, s18, $0xb8;
	[tilespmem:$0x1F800] =	vst v63  }
0x3b: {  	_ =	swait.ge [sflag:s19], $0x4000  }
0x3c: {  	[sflag:s19] =	ssyncset.done $0x0  }
0x3d: {  	s31 =	simm.s32 $0x1480;
	[sflag:s19] =	ssyncadd.s32 $0xFFFFC000  }
0x3e: {  	[spmem:s2] =	stream.indirect.scatter.add.f32 [tilespmem:s20], [sflag:$0x2], $0x80, s31, s18, $0xb8;
	[tilespmem:$0x1F800] =	vst v63  }
0x3f: {  	_ =	swait.ge [sflag:s16], $0x4000  }
0x40: {  	s26 =	simm.s32 $0x800;
	s25 =	simm.s32 $0x400;
	[sflag:s16] =	ssyncset.done $0x0  }
.LBB2_2:
0x41: {  	s28 =	sshra.s32 s25, $0x2  }
0x42: {  	[sflag:s16] =	ssyncadd.s32 $0xFFFFC000;
	s25 =	smov.u32 s26;
	s29 =	sadd.s32 $0x400, s26  }
0x43: {  	[tilespmem:s17], [sflag:$0x1] =	stream.indirect.gather [hbm4b:s4+s18], $0x80, s28, s18, $0xb8;
	[tilespmem:$0x1F800] =	vst v63  }
0x44: {  	p0 =	sne.s32 s26, $0x4C00;
	_ =	swait.ge [sflag:s19], $0x4000  }
0x45: {  	[sflag:s19] =	ssyncset.done $0x0  }
0x46: {  	s26 =	sadd.s32 $0x1400, s28;
	[sflag:s19] =	ssyncadd.s32 $0xFFFFC000  }
0x47: {  	[spmem:s2] =	stream.indirect.scatter.add.f32 [tilespmem:s17], [sflag:$0x2], $0x80, s26, s18, $0xb8;
	[tilespmem:$0x1F800] =	vst v63  }
0x48: {  	_ =	swait.ge [sflag:s16], $0x4000  }
0x49: {  	[sflag:s16] =	ssyncset.done $0x0  }
0x4a: {  	s26 =	sadd.s32 $0x80, s28;
	[sflag:s16] =	ssyncadd.s32 $0xFFFFC000  }
0x4b: {  	[tilespmem:s20], [sflag:$0x1] =	stream.indirect.gather [hbm4b:s4+s18], $0x80, s26, s18, $0xb8;
	[tilespmem:$0x1F800] =	vst v63  }
0x4c: {  	_ =	swait.ge [sflag:s19], $0x4000  }
.Ltmp0:
0x4d: {  	[sflag:s19] =	ssyncset.done $0x0;
	(pc) =	sbr.rel @p0 .LBB2_2-.Ltmp0, $4  }
0x4e: {  	s26 =	sadd.s32 $0x1480, s28;
	[sflag:s19] =	ssyncadd.s32 $0xFFFFC000  }
0x4f: {  	[spmem:s2] =	stream.indirect.scatter.add.f32 [tilespmem:s20], [sflag:$0x2], $0x80, s26, s18, $0xb8;
	[tilespmem:$0x1F800] =	vst v63  }
0x50: {  	_ =	swait.ge [sflag:s16], $0x4000  }
0x51: {  	s26 =	smov.u32 s29;
	[sflag:s16] =	ssyncset.done $0x0  }
0x52: {  	s25 =	sshra.s32 s25, $0x2;
	[sflag:s16] =	ssyncadd.s32 $0xFFFFC000  }
0x53: {  	[tilespmem:s17], [sflag:$0x1] =	stream.indirect.gather [hbm4b:s4+s18], $0x80, s25, s18, $0xb8;
	[tilespmem:$0x1F800] =	vst v63  }
0x54: {  	_ =	swait.ge [sflag:s19], $0x4000  }
0x55: {  	[sflag:s19] =	ssyncset.done $0x0  }
0x56: {  	s26 =	sadd.s32 $0x1400, s25;
	[sflag:s19] =	ssyncadd.s32 $0xFFFFC000  }
0x57: {  	[spmem:s2] =	stream.indirect.scatter.add.f32 [tilespmem:s17], [sflag:$0x2], $0x80, s26, s18, $0xb8;
	[tilespmem:$0x1F800] =	vst v63  }
0x58: {  	_ =	swait.ge [sflag:s16], $0x4000  }
0x59: {  	[sflag:s16] =	ssyncset.done $0x0  }
0x5a: {  	s31 =	sadd.s32 $0x80, s25;
	[sflag:s16] =	ssyncadd.s32 $0xFFFFC000  }
0x5b: {  	[tilespmem:s20], [sflag:$0x1] =	stream.indirect.gather [hbm4b:s4+s18], $0x80, s31, s18, $0xb8;
	[tilespmem:$0x1F800] =	vst v63  }
0x5c: {  	_ =	swait.ge [sflag:s19], $0x4000  }
0x5d: {  	[sflag:s19] =	ssyncset.done $0x0  }
0x5e: {  	s25 =	sadd.s32 $0x1480, s25;
	[sflag:s19] =	ssyncadd.s32 $0xFFFFC000  }
0x5f: {  	[spmem:s2] =	stream.indirect.scatter.add.f32 [tilespmem:s20], [sflag:$0x2], $0x80, s25, s18, $0xb8;
	[tilespmem:$0x1F800] =	vst v63  }
0x60: {  	_ =	swait.ge [sflag:s16], $0x4000  }
0x61: {  	[sflag:s16] =	ssyncset.done $0x0  }
0x62: {  	s26 =	simm.s32 $0x0;
	[sflag:s16] =	ssyncadd.s32 $0xFFFFC000  }
0x63: {  	[tilespmem:s26], [sflag:$0x2] =	stream.linear.gather [hbm4b:s13+s26], $0x1400, $0x38;
	[tilespmem:$0x1F800] =	vst v63  }
0x64: {  	_ =	swait.ge [sflag:s16], $0x1400  }
0x65: {  	[sflag:s16] =	ssyncset.done $0x0  }
0x66: {  	s28 =	simm.s32 $0x0;
	[sflag:s16] =	ssyncadd.s32 $0xFFFFEC00  }
0x67: {  	[tilespmem:s17], [sflag:$0x1] =	stream.indirect.gather [hbm4b:s4+s18], $0x80, s28, s18, $0xb8;
	[tilespmem:$0x1F800] =	vst v63  }
0x68: {  	_ =	swait.ge [sflag:s19], $0x4000  }
0x69: {  	[sflag:s19] =	ssyncset.done $0x0  }
0x6a: {  	s29 =	simm.s32 $0x2800;
	[sflag:s19] =	ssyncadd.s32 $0xFFFFC000  }
0x6b: {  	[spmem:s2] =	stream.indirect.scatter.add.f32 [tilespmem:s17], [sflag:$0x2], $0x80, s29, s18, $0xb8;
	[tilespmem:$0x1F800] =	vst v63  }
0x6c: {  	_ =	swait.ge [sflag:s16], $0x4000  }
0x6d: {  	[sflag:s16] =	ssyncset.done $0x0  }
0x6e: {  	s30 =	simm.s32 $0x80;
	[sflag:s16] =	ssyncadd.s32 $0xFFFFC000  }
0x6f: {  	[tilespmem:s20], [sflag:$0x1] =	stream.indirect.gather [hbm4b:s4+s18], $0x80, s30, s18, $0xb8;
	[tilespmem:$0x1F800] =	vst v63  }
0x70: {  	_ =	swait.ge [sflag:s19], $0x4000  }
0x71: {  	[sflag:s19] =	ssyncset.done $0x0  }
0x72: {  	s31 =	simm.s32 $0x2880;
	[sflag:s19] =	ssyncadd.s32 $0xFFFFC000  }
0x73: {  	[spmem:s2] =	stream.indirect.scatter.add.f32 [tilespmem:s20], [sflag:$0x2], $0x80, s31, s18, $0xb8;
	[tilespmem:$0x1F800] =	vst v63  }
0x74: {  	_ =	swait.ge [sflag:s16], $0x4000  }
0x75: {  	s25 =	simm.s32 $0x400;
	s26 =	simm.s32 $0x800;
	[sflag:s16] =	ssyncset.done $0x0  }
.LBB2_4:
0x76: {  	s28 =	sshra.s32 s25, $0x2  }
0x77: {  	[sflag:s16] =	ssyncadd.s32 $0xFFFFC000;
	s25 =	smov.u32 s26;
	s29 =	sadd.s32 $0x400, s26  }
0x78: {  	[tilespmem:s17], [sflag:$0x1] =	stream.indirect.gather [hbm4b:s4+s18], $0x80, s28, s18, $0xb8;
	[tilespmem:$0x1F800] =	vst v63  }
0x79: {  	p0 =	sne.s32 s26, $0x4C00;
	_ =	swait.ge [sflag:s19], $0x4000  }
0x7a: {  	[sflag:s19] =	ssyncset.done $0x0  }
0x7b: {  	s26 =	sadd.s32 $0x2800, s28;
	[sflag:s19] =	ssyncadd.s32 $0xFFFFC000  }
0x7c: {  	[spmem:s2] =	stream.indirect.scatter.add.f32 [tilespmem:s17], [sflag:$0x2], $0x80, s26, s18, $0xb8;
	[tilespmem:$0x1F800] =	vst v63  }
0x7d: {  	_ =	swait.ge [sflag:s16], $0x4000  }
0x7e: {  	[sflag:s16] =	ssyncset.done $0x0  }
0x7f: {  	s26 =	sadd.s32 $0x80, s28;
	[sflag:s16] =	ssyncadd.s32 $0xFFFFC000  }
0x80: {  	[tilespmem:s20], [sflag:$0x1] =	stream.indirect.gather [hbm4b:s4+s18], $0x80, s26, s18, $0xb8;
	[tilespmem:$0x1F800] =	vst v63  }
0x81: {  	_ =	swait.ge [sflag:s19], $0x4000  }
.Ltmp1:
0x82: {  	[sflag:s19] =	ssyncset.done $0x0;
	(pc) =	sbr.rel @p0 .LBB2_4-.Ltmp1, $4  }
0x83: {  	s26 =	sadd.s32 $0x2880, s28;
	[sflag:s19] =	ssyncadd.s32 $0xFFFFC000  }
0x84: {  	[spmem:s2] =	stream.indirect.scatter.add.f32 [tilespmem:s20], [sflag:$0x2], $0x80, s26, s18, $0xb8;
	[tilespmem:$0x1F800] =	vst v63  }
0x85: {  	_ =	swait.ge [sflag:s16], $0x4000  }
0x86: {  	s26 =	smov.u32 s29;
	[sflag:s16] =	ssyncset.done $0x0  }
0x87: {  	s25 =	sshra.s32 s25, $0x2;
	[sflag:s16] =	ssyncadd.s32 $0xFFFFC000  }
0x88: {  	[tilespmem:s17], [sflag:$0x1] =	stream.indirect.gather [hbm4b:s4+s18], $0x80, s25, s18, $0xb8;
	[tilespmem:$0x1F800] =	vst v63  }
0x89: {  	_ =	swait.ge [sflag:s19], $0x4000  }
0x8a: {  	[sflag:s19] =	ssyncset.done $0x0  }
0x8b: {  	s26 =	sadd.s32 $0x2800, s25;
	[sflag:s19] =	ssyncadd.s32 $0xFFFFC000  }
0x8c: {  	[spmem:s2] =	stream.indirect.scatter.add.f32 [tilespmem:s17], [sflag:$0x2], $0x80, s26, s18, $0xb8;
	[tilespmem:$0x1F800] =	vst v63  }
0x8d: {  	_ =	swait.ge [sflag:s16], $0x4000  }
0x8e: {  	[sflag:s16] =	ssyncset.done $0x0  }
0x8f: {  	s31 =	sadd.s32 $0x80, s25;
	[sflag:s16] =	ssyncadd.s32 $0xFFFFC000  }
0x90: {  	[tilespmem:s20], [sflag:$0x1] =	stream.indirect.gather [hbm4b:s4+s18], $0x80, s31, s18, $0xb8;
	[tilespmem:$0x1F800] =	vst v63  }
0x91: {  	_ =	swait.ge [sflag:s19], $0x4000  }
0x92: {  	[sflag:s19] =	ssyncset.done $0x0  }
0x93: {  	s25 =	sadd.s32 $0x2880, s25;
	[sflag:s19] =	ssyncadd.s32 $0xFFFFC000  }
0x94: {  	[spmem:s2] =	stream.indirect.scatter.add.f32 [tilespmem:s20], [sflag:$0x2], $0x80, s25, s18, $0xb8;
	[tilespmem:$0x1F800] =	vst v63  }
0x95: {  	_ =	swait.ge [sflag:s16], $0x4000  }
0x96: {  	s24 =	sadd.s32 $0x1, s24;
	[sflag:s16] =	ssyncset.done $0x0  }
0x97: {  	p0 =	sne.s32 s24, s14;
	[sflag:s16] =	ssyncadd.s32 $0xFFFFC000  }
.Ltmp2:
0x98: {  	[bflag:$0x0] =	sbarrier.arrive $0xFFFF;
	(pc) =	sbr.rel @p0 .LBB2_1-.Ltmp2, $4  }
0x99: {  	[hbm:s21], [sflag:s22] =	dma.local [spmem:s23], $0x2780  }
0x9a: {  	_ =	swait.ge [sflag:s16], $0x2780  }
0x9b: {  	[sflag:s16] =	ssyncset.done $0x0  }
0x9c: {  	[sflag:s16] =	ssyncadd.s32 $0xFFFFD880  }
0x9d: {  	_ =	sfence.sel $0x180000  }
0x9e: {  	[bflag:$0x0] =	sbarrier.arrive $0xFFFF  }
0x9f: {  	p0 =	sne.s32 s1, $0x0;
	_ =	strace $0x9000004A  }
0xa0: {  	s0 =	sadd.s32 @!p0 $0x100000, s0;
	[bflag:$0x2] =	sbarrier.arrive $0xFFFF  }
0xa1: {  	[sflag:s0] =	ssyncadd.tile.s32 @!p0 $0x1;
	_ =	shalt  }
.Lfunc_end2:
_tile_overlayer_lowered:
.L_overlay_start_2:
0xa2: {  	(tag) =	ssettag $0x2  }
0xa3: {  	s0 =	rddreg [dreg:$0x0];
	s2 =	stileid.u32  }
0xa4: {  	s1 =	rddreg [dreg:$0x1];
	p0 =	sne.s32 s2, $0x0  }
0xa5: {  	s3 =	rddreg [dreg:$0x2];
	[bflag:$0x3] =	sbarrier.arrive $0xFFFF;
	s2 =	simm.s32 @!p0 $0x1C02  }
0xa6: {  	[timem:s3], [sflag:s2] =	dma.local @!p0 [hbm:s0], s1  }
0xa7: {  	s0 =	simm.s32 @!p0 $0x2  }
0xa8: {  	_ =	swait.ge @!p0 [sflag:s0], s1  }
0xa9: {  	s1 =	ssub.s32 @!p0 $0x0, s1;
	[sflag:s0] =	ssyncset.done @!p0 $0x0  }
0xaa: {  	[sflag:s0] =	ssyncadd.s32 @!p0 s1  }
0xab: {  	[bflag:$0x3] =	sbarrier.arrive $0xFFFF  }
0xac: {  	_ =	shalt  }

// kernel: kernel.15.cloned.1.call-start
scs
__scs_entry_jumppad:
0x0: {  	(pc) =	sbr.rel $0x88, $3  }
0x1: {  	(tag) =	ssettag $0x0;
	lr =	simm.s32 $0x1  }
0x2: {  	[smem:$0x3F94] =	sst lr;
	_ =	strace $0xD0000000  }
0x3: {  	_ = 	snop  }
0x4: {  	_ = 	snop  }
0x5: {  	_ = 	snop  }
0x6: {  	_ = 	snop  }
0x7: {  	_ = 	snop  }
__scs_overlays_trampoline_lowered:
0x8: {  	[smem:$0x3FA3] =	sst s0  }
0x9: {  	[smem:$0x3FA4] =	sst s1  }
0xa: {  	[smem:$0x3FA5] =	sst s2  }
0xb: {  	[smem:$0x3FA6] =	sst s3  }
0xc: {  	[smem:$0x3FA7] =	sst s4  }
0xd: {  	[smem:$0x3FA8] =	sst s5  }
0xe: {  	[smem:$0x3FA9] =	sst s6  }
0xf: {  	[smem:$0x3FAA] =	sst s7  }
0x10: {  	[smem:$0x3FAB] =	sst s8  }
0x11: {  	[smem:$0x3FAC] =	sst s9;
	s0 =	simm.s32 @!p0 $0x0  }
0x12: {  	s1 =	sld [smem:$0x3F92];
	s0 =	simm.s32 @p0 $0x1  }
0x13: {  	[smem:$0x3FAD] =	sst s0;
	s0 =	simm.s32 @!p1 $0x0  }
0x14: {  	s2 =	sld [smem:$0x3F91];
	s0 =	simm.s32 @p1 $0x1  }
0x15: {  	[smem:$0x3FAE] =	sst s0;
	s0 =	simm.s32 @!p2 $0x0  }
0x16: {  	s3 =	sld [smem:$0x3FDB];
	s0 =	simm.s32 @p2 $0x1  }
0x17: {  	s4 =	simm.s32 $0x1BF5;
	[smem:$0x3FB0] =	sst s0  }
0x18: {  	s0 =	sld [smem:$0x3F93];
	_ =	swait.ge [sflag:s4], $0x0  }
0x19: {  	s7 =	sld [smem:$0x3F94]  }
0x1a: {  	s8 =	sadd.s32 $0xFFFFE003, lr  }
0x1b: {  	s9 =	sadd.s32 $0xFFFFFEF7, lr;
	s5 =	simm.s32 $0xFFFFFFFF;
	p2 =	slt.u32 s8, $0xFFFFF086  }
0x1c: {  	p1 =	slt.u32 s9, $0xF7A;
	s5 =	simm.s32 @!p2 $0x0  }
0x1d: {  	s5 =	simm.s32 @p1 $0x1;
	p0 =	seq.s32 s7, s2  }
0x1e: {  	s7 =	smul.u32 @!p0 $0xF7A, s2;
	p2 =	seq.s32 @!p0 s5, $0x0  }
0x1f: {  	s9 =	smul.u32 $0xF7A, s1;
	s8 =	simm.s32 @!p0 $0x1BF5;
	p2 =	por !p2, p0  }
0x20: {  	[sflag:s8] =	ssyncset.s32 @!p0 $0xFFFFF086;
	s6 =	sadd.s32 @!p0 s3, s7;
	s7 =	simm.s32 @!p0 $0x108  }
0x21: {  	s3 =	sadd.s32 s3, s9;
	s6 =	sadd.s32 @!p0 $0x88, s6;
	s7 =	simm.s32 @p2 $0x1082  }
0x22: {  	[simem:s7], [sflag:s8] =	dma.local @!p0 [hbm:s6], $0xF7A  }
0x23: {  	s9 =	sor.u32 $0xD0000000, s2;
	s6 =	simm.s32 $0x108;
	_ =	swait.ge @!p0 [sflag:s8], $0x0  }
0x24: {  	s3 =	sadd.s32 $0x88, s3;
	s6 =	simm.s32 @!p1 $0x1082;
	[sflag:s4] =	ssyncset.s32 $0xFFFFF086  }
0x25: {  	[simem:s6], [sflag:s4] =	dma.local [hbm:s3], $0xF7A  }
0x26: {  	[smem:$0x3F94] =	sst s1;
	(tag) =	ssettag s2;
	_ =	strace s9  }
0x27: {  	s1 =	sld [smem:$0x3FA4]  }
0x28: {  	s2 =	sld [smem:$0x3FA5]  }
0x29: {  	s4 =	sld [smem:$0x3FA7]  }
0x2a: {  	p0 =	seq.s32 s5, $0x0;
	s5 =	sld [smem:$0x3FA8]  }
0x2b: {  	s6 =	sld [smem:$0x3FA9]  }
0x2c: {  	s7 =	sld [smem:$0x3FAA]  }
0x2d: {  	s3 =	simm.s32 $0x108;
	s8 =	sld [smem:$0x3FAB]  }
0x2e: {  	s3 =	simm.s32 @!p0 $0x1082;
	s9 =	sld [smem:$0x3FAC]  }
0x2f: {  	lr =	sadd.s32 s0, s3;
	s0 =	sld [smem:$0x3FA3]  }
0x30: {  	s3 =	sld [smem:$0x3FA6]  }
0x31: {  	[smem:$0x3FAF] =	sst s10  }
0x32: {  	s10 =	sld [smem:$0x3FAD];
	_ =	sdelay $0x3  }
0x33: {  	p0 =	seq.s32 s10, $0x1;
	s10 =	sld [smem:$0x3FAF];
	_ =	sdelay $0x3  }
0x34: {  	[smem:$0x3FAF] =	sst s10  }
0x35: {  	s10 =	sld [smem:$0x3FAE];
	_ =	sdelay $0x3  }
0x36: {  	p1 =	seq.s32 s10, $0x1;
	s10 =	sld [smem:$0x3FAF];
	_ =	sdelay $0x3  }
0x37: {  	[smem:$0x3FAF] =	sst s10  }
0x38: {  	s10 =	sld [smem:$0x3FB0]  }
0x39: {  	_ = 	snop;
	(pc) =	sbr.ind lr, $3  }
0x3a: {  	_ = 	snop  }
0x3b: {  	_ = 	snop  }
0x3c: {  	p2 =	seq.s32 s10, $0x1;
	s10 =	sld [smem:$0x3FAF]  }
0x3d: {  	_ =	shalt  }
0x3e: {  	_ =	shalt  }
0x3f: {  	_ =	shalt  }
0x40: {  	_ =	shalt  }
0x41: {  	_ =	shalt  }
0x42: {  	_ =	shalt  }
0x43: {  	_ =	shalt  }
0x44: {  	_ =	shalt  }
0x45: {  	_ =	shalt  }
0x46: {  	_ =	shalt  }
0x47: {  	_ =	shalt  }
0x48: {  	_ =	shalt  }
0x49: {  	_ =	shalt  }
0x4a: {  	_ =	shalt  }
0x4b: {  	_ =	shalt  }
0x4c: {  	_ =	shalt  }
0x4d: {  	_ =	shalt  }
0x4e: {  	_ =	shalt  }
0x4f: {  	_ =	shalt  }
0x50: {  	_ =	shalt  }
0x51: {  	_ =	shalt  }
0x52: {  	_ =	shalt  }
0x53: {  	_ =	shalt  }
0x54: {  	_ =	shalt  }
0x55: {  	_ =	shalt  }
0x56: {  	_ =	shalt  }
0x57: {  	_ =	shalt  }
0x58: {  	_ =	shalt  }
0x59: {  	_ =	shalt  }
0x5a: {  	_ =	shalt  }
0x5b: {  	_ =	shalt  }
0x5c: {  	_ =	shalt  }
0x5d: {  	_ =	shalt  }
0x5e: {  	_ =	shalt  }
0x5f: {  	_ =	shalt  }
0x60: {  	_ =	shalt  }
0x61: {  	_ =	shalt  }
0x62: {  	_ =	shalt  }
0x63: {  	_ =	shalt  }
0x64: {  	_ =	shalt  }
0x65: {  	_ =	shalt  }
0x66: {  	_ =	shalt  }
0x67: {  	_ =	shalt  }
0x68: {  	_ =	shalt  }
0x69: {  	_ =	shalt  }
0x6a: {  	_ =	shalt  }
0x6b: {  	_ =	shalt  }
0x6c: {  	_ =	shalt  }
0x6d: {  	_ =	shalt  }
0x6e: {  	_ =	shalt  }
0x6f: {  	_ =	shalt  }
0x70: {  	_ =	shalt  }
0x71: {  	_ =	shalt  }
0x72: {  	_ =	shalt  }
0x73: {  	_ =	shalt  }
0x74: {  	_ =	shalt  }
0x75: {  	_ =	shalt  }
0x76: {  	_ =	shalt  }
0x77: {  	_ =	shalt  }
0x78: {  	_ =	shalt  }
0x79: {  	_ =	shalt  }
0x7a: {  	_ =	shalt  }
0x7b: {  	_ =	shalt  }
0x7c: {  	_ =	shalt  }
0x7d: {  	_ =	shalt  }
0x7e: {  	_ =	shalt  }
0x7f: {  	_ =	shalt  }
0x80: {  	_ =	shalt  }
0x81: {  	_ =	shalt  }
0x82: {  	_ =	shalt  }
0x83: {  	_ =	shalt  }
0x84: {  	_ =	shalt  }
0x85: {  	_ =	shalt  }
0x86: {  	_ =	shalt  }
0x87: {  	_ =	shalt  }
.Lfunc_end0:
.L_simem_size_0:
called_computation.2_lowered:
.L_overlay_start_0:
0x88: {  	s2 =	sld [smem:$0x3FD9]  }
0x89: {  	s3 =	sld [smem:$0x3FFE];
	_ =	sdelay $0x1  }
0x8a: {  	s1 =	srdreg.scid  }
0x8b: {  	s0 =	sand.u32 $0x1, s1  }
0x8c: {  	s16 =	sshll.u32 s0, $0xA;
	s2 =	sadd.s32 s3, s2  }
0x8d: {  	s2 =	sadd.s32 s2, s16  }
0x8e: {  	[smem:$0x3FBB] =	sst s2  }
0x8f: {  	_ = 	snop  }
0x90: {  	(tm) =	ssettm $0x1  }
0x91: {  	s17 =	sld [smem:$0x3FFB];
	_ =	sdelay $0x3  }
0x92: {  	_ =	strace s17  }
0x93: {  	s2 =	sld [smem:$0x3FFC];
	_ =	sdelay $0x3  }
0x94: {  	_ =	strace s2  }
0x95: {  	s2 =	sld [smem:$0x3FFD];
	_ =	sdelay $0x3  }
0x96: {  	_ =	strace s2  }
0x97: {  	_ =	strace $0x8FFFFFFF  }
0x98: {  	s18 =	sld [smem:$0x3FDB];
	_ =	sdelay $0x1  }
0x99: {  	s19 =	simm.s32 $_scs_section_size  }
0x9a: {  	s4 =	simm.s32 $_size__tile_overlayer_lowered;
	s5 =	simm.s32 $_tile_overlayer_lowered  }
0x9b: {  	s22 =	simm.s32 $0x1BFF;
	s21 =	sshll.u32 s5, $0x1;
	s2 =	sadd.s32 s19, s18  }
0x9c: {  	s6 =	simm.s32 $0x0;
	s20 =	sshll.u32 s4, $0x1;
	s4 =	sadd.s32 s21, s2  }
0x9d: {  	[timem:s6], [sflag:s22] =	dma.local [hbm:s4], s20  }
0x9e: {  	_ =	swait.ge [sflag:s22], s20  }
0x9f: {  	s3 =	ssub.s32 $0x0, s20;
	[sflag:s22] =	ssyncset.done $0x0  }
0xa0: {  	[sflag:s22] =	ssyncadd.s32 s3;
	_ =	sdelay $0x1  }
0xa1: {  	s23 =	simm.s32 $0x1B8B  }
0xa2: {  	_ =	swait.ge [sflag:s23], $0x1  }
0xa3: {  	[sflag:s23] =	ssyncset.done $0x0  }
0xa4: {  	s25 =	simm.s32 $0x1B8E;
	s24 =	sld [smem:$0x3FFE];
	[sflag:s23] =	ssyncadd.s32 $0xFFFFFFFF  }
0xa5: {  	s26 =	simm.s32 $execute0_lowered;
	[smem:$0x3FD2] =	sst s25  }
0xa6: {  	s4 =	sshll.u32 s26, $0x1;
	_ =	strace $0x8000004C;
	[dreg:$0x1] =	wrdreg $0xFFFFFFFF  }
0xa7: {  	s28 =	simm.s32 $_size_execute0_lowered;
	s2 =	sadd.s32 s2, s4;
	[dreg:$0x0] =	wrdreg $0x0  }
0xa8: {  	s4 =	sshll.u32 s28, $0x1;
	[dreg:$0x2] =	wrdreg s2  }
0xa9: {  	[dreg:$0x3] =	wrdreg s4  }
0xaa: {  	[dreg:$0x4] =	wrdreg $0xC0  }
0xab: {  	_ =	task [dreg:s6], $0x5FFFF  }
0xac: {  	[dreg:$0x1] =	wrdreg $0xFFFFFFFF  }
0xad: {  	[dreg:$0x0] =	wrdreg $0x60  }
0xae: {  	[dreg:$0x2] =	wrdreg s24  }
0xaf: {  	[dreg:$0x3] =	wrdreg $0xBC000  }
0xb0: {  	[dreg:$0x4] =	wrdreg $0x9  }
0xb1: {  	_ =	task.clear_ibuf [dreg:s6], $0x5FFFF;
	_ =	strace $0x9000004C  }
0xb2: {  	s29 =	simm.s32 $0x9;
	_ =	strace $0x8000004E  }
0xb3: {  	_ =	swait.ge [sflag:s29], $0x1  }
0xb4: {  	[sflag:s29] =	ssyncadd.s32 $0xFFFFFFFF  }
0xb5: {  	_ =	strace $0x9000004E  }
0xb6: {  	_ =	sfence  }
0xb7: {  	s30 =	sld [smem:$0x0];
	_ =	sdelay $0x2  }
0xb8: {  	s31 =	sshll.u32 s1, $0xD;
	s1 =	sshrl.u32 s1, $0x2  }
0xb9: {  	s3 =	sand.u32 $0x4000, s31;
	s1 =	sadd.s32 s1, s30  }
0xba: {  	s0 =	sor.u32 s3, s0;
	s1 =	sshll.u32 s1, $0x11  }
0xbb: {  	s0 =	sor.u32 s1, s0  }
0xbc: {  	s0 =	sadd.s32 $0x8F2B, s0  }
0xbd: {  	[sflag:s0] =	ssyncadd.remote.s32 $0x1  }
0xbe: {  	_ =	sfence.sel $0xFFFF  }
0xbf: {  	[dreg:$0x0] =	wrdreg $0xFFFFFFFF;
	(pc) =	sbr.abs _section_cstart, $3  }
0xc0: {  	[dreg:$0x1] =	wrdreg $0xFFFFFFFF  }
0xc1: {  	_ =	task.clear_ibuf [dreg:s6], $0x2FFFF;
	_ =	strace $0x9FFFFFFF  }
0xc2: {  	(tm) =	ssettm $0x7FFFFFFF  }
0xc3: {  	_ =	shalt  }
tec
execute0_lowered:
.L_overlay_start_1:
0x0: {  	(tag) =	ssettag $0x1  }
0x1: {  	s0 =	srdreg.scid;
	s6 =	rddreg [dreg:$0x0]  }
0x2: {  	s2 =	rddreg [dreg:$0x1];
	s1 =	stileid.u32  }
0x3: {  	s3 =	simm.s32 $0x0;
	s16 =	simm.s32 $0x2;
	s17 =	simm.s32 $0x3C00  }
0x4: {  	s18 =	simm.s32 $0x80;
	s19 =	simm.s32 $0x1;
	s20 =	simm.s32 $0x7C00  }
0x5: {  	s5 =	sand.u32 $0x1, s0;
	s0 =	rddreg [dreg:$0x2];
	s30 =	smul.u32 $0x4F000, s1  }
0x6: {  	s24 =	simm.s32 $0x0;
	[smem:$0x7FF] =	sst s3;
	s22 =	smul.u32 $0x2780, s1  }
0x7: {  	s31 =	sshll.u32 s1, $0x6;
	s4 =	sshll.u32 s5, $0x4;
	_ =	strace $0x8000004D  }
0x8: {  	s9 =	smul.u32 $0x27800, s5;
	s10 =	ssub.s32 $0x2, s5;
	s4 =	sor.u32 s1, s4  }
0x9: {  	s5 =	sadd.s32 $0x3E800, s6;
	s11 =	sshrl.u32 s10, $0x1;
	s7 =	smul.u32 $0x280, s4  }
0xa: {  	s8 =	smul.u32 $0x500, s4;
	s14 =	sadd.s32 s9, s6;
	s15 =	ssub.s32 s10, s11  }
0xb: {  	s4 =	sadd.s32 $0x17600, s6;
	s21 =	sadd.s32 $0x3F000, s14;
	s14 =	smax.u32 s15, $0x1  }
0xc: {  	s15 =	simm.s32 $0x1400;
	s13 =	sadd.s32 s7, s6;
	s8 =	sadd.s32 s8, s6  }
0xd: {  	s7 =	sshrl.u32 s30, $0x2;
	s21 =	sadd.s32 s22, s21;
	s22 =	sor.u32 $0x1C02, s31  }
0xe: {  	s6 =	sadd.s32 s7, s2;
	s7 =	sadd.s32 $0xD600, s8;
	s12 =	sadd.s32 $0x8600, s13  }
0xf: {  	s13 =	sadd.s32 $0x3600, s13;
	s8 =	sadd.s32 $0x4000, s6;
	s9 =	sadd.s32 $0x8000, s6  }
0x10: {  	s10 =	sadd.s32 $0xC000, s6;
	s11 =	sadd.s32 $0x10000, s6;
	s23 =	sshrl.u32 s6, $0x3  }
.LBB2_1:
0x11: {  	[tilespmem:s15], [sflag:$0x2] =	stream.linear.gather [hbm4b:s7+s3], $0x2800, $0x38;
	[tilespmem:$0x1F800] =	vst v63  }
0x12: {  	_ =	swait.ge [sflag:s16], $0x2800  }
0x13: {  	[sflag:s16] =	ssyncset.done $0x0  }
0x14: {  	[sflag:s16] =	ssyncadd.s32 $0xFFFFD800  }
0x15: {  	[tilespmem:s17], [sflag:$0x2] =	stream.linear.gather [hbm4b:s5+s3], $0x4000, $0x38;
	[tilespmem:$0x1F800] =	vst v63  }
0x16: {  	_ =	swait.ge [sflag:s16], $0x4000  }
0x17: {  	[sflag:s16] =	ssyncset.done $0x0  }
0x18: {  	[sflag:s16] =	ssyncadd.s32 $0xFFFFC000  }
0x19: {  	[spmem:s6] =	stream.linear.scatter [tilespmem:s17], [sflag:$0x2], $0x4000, $0x38;
	[tilespmem:$0x1F800] =	vst v63  }
0x1a: {  	_ =	swait.ge [sflag:s16], $0x4000  }
0x1b: {  	[sflag:s16] =	ssyncset.done $0x0  }
0x1c: {  	[sflag:s16] =	ssyncadd.s32 $0xFFFFC000  }
0x1d: {  	[spmem:s8] =	stream.linear.scatter [tilespmem:s17], [sflag:$0x2], $0x4000, $0x38;
	[tilespmem:$0x1F800] =	vst v63  }
0x1e: {  	_ =	swait.ge [sflag:s16], $0x4000  }
0x1f: {  	[sflag:s16] =	ssyncset.done $0x0  }
0x20: {  	[sflag:s16] =	ssyncadd.s32 $0xFFFFC000  }
0x21: {  	[spmem:s9] =	stream.linear.scatter [tilespmem:s17], [sflag:$0x2], $0x4000, $0x38;
	[tilespmem:$0x1F800] =	vst v63  }
0x22: {  	_ =	swait.ge [sflag:s16], $0x4000  }
0x23: {  	[sflag:s16] =	ssyncset.done $0x0  }
0x24: {  	[sflag:s16] =	ssyncadd.s32 $0xFFFFC000  }
0x25: {  	[spmem:s10] =	stream.linear.scatter [tilespmem:s17], [sflag:$0x2], $0x4000, $0x38;
	[tilespmem:$0x1F800] =	vst v63  }
0x26: {  	_ =	swait.ge [sflag:s16], $0x4000  }
0x27: {  	[sflag:s16] =	ssyncset.done $0x0  }
0x28: {  	[sflag:s16] =	ssyncadd.s32 $0xFFFFC000  }
0x29: {  	[spmem:s11] =	stream.linear.scatter [tilespmem:s17], [sflag:$0x2], $0x3C00, $0x38;
	[tilespmem:$0x1F800] =	vst v63  }
0x2a: {  	_ =	swait.ge [sflag:s16], $0x3C00  }
0x2b: {  	[sflag:s16] =	ssyncset.done $0x0  }
0x2c: {  	[sflag:s16] =	ssyncadd.s32 $0xFFFFC400  }
0x2d: {  	[bflag:$0x0] =	sbarrier.arrive $0xFFFF  }
0x2e: {  	[tilespmem:s3], [sflag:$0x2] =	stream.linear.gather [hbm4b:s12+s3], $0x1400, $0x38;
	[tilespmem:$0x1F800] =	vst v63  }
0x2f: {  	_ =	swait.ge [sflag:s16], $0x1400  }
0x30: {  	[sflag:s16] =	ssyncset.done $0x0  }
0x31: {  	s25 =	simm.s32 $0x0;
	[sflag:s16] =	ssyncadd.s32 $0xFFFFEC00  }
0x32: {  	[tilespmem:s17], [sflag:$0x1] =	stream.indirect.gather [hbm4b:s4+s18], $0x80, s25, s18, $0xb8;
	[tilespmem:$0x1F800] =	vst v63  }
0x33: {  	_ =	swait.ge [sflag:s19], $0x4000  }
0x34: {  	[sflag:s19] =	ssyncset.done $0x0  }
0x35: {  	s29 =	simm.s32 $0x1400;
	[sflag:s19] =	ssyncadd.s32 $0xFFFFC000  }
0x36: {  	[spmem:s2] =	stream.indirect.scatter.add.f32 [tilespmem:s17], [sflag:$0x2], $0x80, s29, s18, $0xb8;
	[tilespmem:$0x1F800] =	vst v63  }
0x37: {  	_ =	swait.ge [sflag:s16], $0x4000  }
0x38: {  	[sflag:s16] =	ssyncset.done $0x0  }
0x39: {  	s30 =	simm.s32 $0x80;
	[sflag:s16] =	ssyncadd.s32 $0xFFFFC000  }
0x3a: {  	[tilespmem:s20], [sflag:$0x1] =	stream.indirect.gather [hbm4b:s4+s18], $0x80, s30, s18, $0xb8;
	[tilespmem:$0x1F800] =	vst v63  }
0x3b: {  	_ =	swait.ge [sflag:s19], $0x4000  }
0x3c: {  	[sflag:s19] =	ssyncset.done $0x0  }
0x3d: {  	s31 =	simm.s32 $0x1480;
	[sflag:s19] =	ssyncadd.s32 $0xFFFFC000  }
0x3e: {  	[spmem:s2] =	stream.indirect.scatter.add.f32 [tilespmem:s20], [sflag:$0x2], $0x80, s31, s18, $0xb8;
	[tilespmem:$0x1F800] =	vst v63  }
0x3f: {  	_ =	swait.ge [sflag:s16], $0x4000  }
0x40: {  	s26 =	simm.s32 $0x800;
	s25 =	simm.s32 $0x400;
	[sflag:s16] =	ssyncset.done $0x0  }
.LBB2_2:
0x41: {  	s28 =	sshra.s32 s25, $0x2  }
0x42: {  	[sflag:s16] =	ssyncadd.s32 $0xFFFFC000;
	s25 =	smov.u32 s26;
	s29 =	sadd.s32 $0x400, s26  }
0x43: {  	[tilespmem:s17], [sflag:$0x1] =	stream.indirect.gather [hbm4b:s4+s18], $0x80, s28, s18, $0xb8;
	[tilespmem:$0x1F800] =	vst v63  }
0x44: {  	p0 =	sne.s32 s26, $0x4C00;
	_ =	swait.ge [sflag:s19], $0x4000  }
0x45: {  	[sflag:s19] =	ssyncset.done $0x0  }
0x46: {  	s26 =	sadd.s32 $0x1400, s28;
	[sflag:s19] =	ssyncadd.s32 $0xFFFFC000  }
0x47: {  	[spmem:s2] =	stream.indirect.scatter.add.f32 [tilespmem:s17], [sflag:$0x2], $0x80, s26, s18, $0xb8;
	[tilespmem:$0x1F800] =	vst v63  }
0x48: {  	_ =	swait.ge [sflag:s16], $0x4000  }
0x49: {  	[sflag:s16] =	ssyncset.done $0x0  }
0x4a: {  	s26 =	sadd.s32 $0x80, s28;
	[sflag:s16] =	ssyncadd.s32 $0xFFFFC000  }
0x4b: {  	[tilespmem:s20], [sflag:$0x1] =	stream.indirect.gather [hbm4b:s4+s18], $0x80, s26, s18, $0xb8;
	[tilespmem:$0x1F800] =	vst v63  }
0x4c: {  	_ =	swait.ge [sflag:s19], $0x4000  }
.Ltmp0:
0x4d: {  	[sflag:s19] =	ssyncset.done $0x0;
	(pc) =	sbr.rel @p0 .LBB2_2-.Ltmp0, $4  }
0x4e: {  	s26 =	sadd.s32 $0x1480, s28;
	[sflag:s19] =	ssyncadd.s32 $0xFFFFC000  }
0x4f: {  	[spmem:s2] =	stream.indirect.scatter.add.f32 [tilespmem:s20], [sflag:$0x2], $0x80, s26, s18, $0xb8;
	[tilespmem:$0x1F800] =	vst v63  }
0x50: {  	_ =	swait.ge [sflag:s16], $0x4000  }
0x51: {  	s26 =	smov.u32 s29;
	[sflag:s16] =	ssyncset.done $0x0  }
0x52: {  	s25 =	sshra.s32 s25, $0x2;
	[sflag:s16] =	ssyncadd.s32 $0xFFFFC000  }
0x53: {  	[tilespmem:s17], [sflag:$0x1] =	stream.indirect.gather [hbm4b:s4+s18], $0x80, s25, s18, $0xb8;
	[tilespmem:$0x1F800] =	vst v63  }
0x54: {  	_ =	swait.ge [sflag:s19], $0x4000  }
0x55: {  	[sflag:s19] =	ssyncset.done $0x0  }
0x56: {  	s26 =	sadd.s32 $0x1400, s25;
	[sflag:s19] =	ssyncadd.s32 $0xFFFFC000  }
0x57: {  	[spmem:s2] =	stream.indirect.scatter.add.f32 [tilespmem:s17], [sflag:$0x2], $0x80, s26, s18, $0xb8;
	[tilespmem:$0x1F800] =	vst v63  }
0x58: {  	_ =	swait.ge [sflag:s16], $0x4000  }
0x59: {  	[sflag:s16] =	ssyncset.done $0x0  }
0x5a: {  	s31 =	sadd.s32 $0x80, s25;
	[sflag:s16] =	ssyncadd.s32 $0xFFFFC000  }
0x5b: {  	[tilespmem:s20], [sflag:$0x1] =	stream.indirect.gather [hbm4b:s4+s18], $0x80, s31, s18, $0xb8;
	[tilespmem:$0x1F800] =	vst v63  }
0x5c: {  	_ =	swait.ge [sflag:s19], $0x4000  }
0x5d: {  	[sflag:s19] =	ssyncset.done $0x0  }
0x5e: {  	s25 =	sadd.s32 $0x1480, s25;
	[sflag:s19] =	ssyncadd.s32 $0xFFFFC000  }
0x5f: {  	[spmem:s2] =	stream.indirect.scatter.add.f32 [tilespmem:s20], [sflag:$0x2], $0x80, s25, s18, $0xb8;
	[tilespmem:$0x1F800] =	vst v63  }
0x60: {  	_ =	swait.ge [sflag:s16], $0x4000  }
0x61: {  	[sflag:s16] =	ssyncset.done $0x0  }
0x62: {  	s26 =	simm.s32 $0x0;
	[sflag:s16] =	ssyncadd.s32 $0xFFFFC000  }
0x63: {  	[tilespmem:s26], [sflag:$0x2] =	stream.linear.gather [hbm4b:s13+s26], $0x1400, $0x38;
	[tilespmem:$0x1F800] =	vst v63  }
0x64: {  	_ =	swait.ge [sflag:s16], $0x1400  }
0x65: {  	[sflag:s16] =	ssyncset.done $0x0  }
0x66: {  	s28 =	simm.s32 $0x0;
	[sflag:s16] =	ssyncadd.s32 $0xFFFFEC00  }
0x67: {  	[tilespmem:s17], [sflag:$0x1] =	stream.indirect.gather [hbm4b:s4+s18], $0x80, s28, s18, $0xb8;
	[tilespmem:$0x1F800] =	vst v63  }
0x68: {  	_ =	swait.ge [sflag:s19], $0x4000  }
0x69: {  	[sflag:s19] =	ssyncset.done $0x0  }
0x6a: {  	s29 =	simm.s32 $0x2800;
	[sflag:s19] =	ssyncadd.s32 $0xFFFFC000  }
0x6b: {  	[spmem:s2] =	stream.indirect.scatter.add.f32 [tilespmem:s17], [sflag:$0x2], $0x80, s29, s18, $0xb8;
	[tilespmem:$0x1F800] =	vst v63  }
0x6c: {  	_ =	swait.ge [sflag:s16], $0x4000  }
0x6d: {  	[sflag:s16] =	ssyncset.done $0x0  }
0x6e: {  	s30 =	simm.s32 $0x80;
	[sflag:s16] =	ssyncadd.s32 $0xFFFFC000  }
0x6f: {  	[tilespmem:s20], [sflag:$0x1] =	stream.indirect.gather [hbm4b:s4+s18], $0x80, s30, s18, $0xb8;
	[tilespmem:$0x1F800] =	vst v63  }
0x70: {  	_ =	swait.ge [sflag:s19], $0x4000  }
0x71: {  	[sflag:s19] =	ssyncset.done $0x0  }
0x72: {  	s31 =	simm.s32 $0x2880;
	[sflag:s19] =	ssyncadd.s32 $0xFFFFC000  }
0x73: {  	[spmem:s2] =	stream.indirect.scatter.add.f32 [tilespmem:s20], [sflag:$0x2], $0x80, s31, s18, $0xb8;
	[tilespmem:$0x1F800] =	vst v63  }
0x74: {  	_ =	swait.ge [sflag:s16], $0x4000  }
0x75: {  	s25 =	simm.s32 $0x400;
	s26 =	simm.s32 $0x800;
	[sflag:s16] =	ssyncset.done $0x0  }
.LBB2_4:
0x76: {  	s28 =	sshra.s32 s25, $0x2  }
0x77: {  	[sflag:s16] =	ssyncadd.s32 $0xFFFFC000;
	s25 =	smov.u32 s26;
	s29 =	sadd.s32 $0x400, s26  }
0x78: {  	[tilespmem:s17], [sflag:$0x1] =	stream.indirect.gather [hbm4b:s4+s18], $0x80, s28, s18, $0xb8;
	[tilespmem:$0x1F800] =	vst v63  }
0x79: {  	p0 =	sne.s32 s26, $0x4C00;
	_ =	swait.ge [sflag:s19], $0x4000  }
0x7a: {  	[sflag:s19] =	ssyncset.done $0x0  }
0x7b: {  	s26 =	sadd.s32 $0x2800, s28;
	[sflag:s19] =	ssyncadd.s32 $0xFFFFC000  }
0x7c: {  	[spmem:s2] =	stream.indirect.scatter.add.f32 [tilespmem:s17], [sflag:$0x2], $0x80, s26, s18, $0xb8;
	[tilespmem:$0x1F800] =	vst v63  }
0x7d: {  	_ =	swait.ge [sflag:s16], $0x4000  }
0x7e: {  	[sflag:s16] =	ssyncset.done $0x0  }
0x7f: {  	s26 =	sadd.s32 $0x80, s28;
	[sflag:s16] =	ssyncadd.s32 $0xFFFFC000  }
0x80: {  	[tilespmem:s20], [sflag:$0x1] =	stream.indirect.gather [hbm4b:s4+s18], $0x80, s26, s18, $0xb8;
	[tilespmem:$0x1F800] =	vst v63  }
0x81: {  	_ =	swait.ge [sflag:s19], $0x4000  }
.Ltmp1:
0x82: {  	[sflag:s19] =	ssyncset.done $0x0;
	(pc) =	sbr.rel @p0 .LBB2_4-.Ltmp1, $4  }
0x83: {  	s26 =	sadd.s32 $0x2880, s28;
	[sflag:s19] =	ssyncadd.s32 $0xFFFFC000  }
0x84: {  	[spmem:s2] =	stream.indirect.scatter.add.f32 [tilespmem:s20], [sflag:$0x2], $0x80, s26, s18, $0xb8;
	[tilespmem:$0x1F800] =	vst v63  }
0x85: {  	_ =	swait.ge [sflag:s16], $0x4000  }
0x86: {  	s26 =	smov.u32 s29;
	[sflag:s16] =	ssyncset.done $0x0  }
0x87: {  	s25 =	sshra.s32 s25, $0x2;
	[sflag:s16] =	ssyncadd.s32 $0xFFFFC000  }
0x88: {  	[tilespmem:s17], [sflag:$0x1] =	stream.indirect.gather [hbm4b:s4+s18], $0x80, s25, s18, $0xb8;
	[tilespmem:$0x1F800] =	vst v63  }
0x89: {  	_ =	swait.ge [sflag:s19], $0x4000  }
0x8a: {  	[sflag:s19] =	ssyncset.done $0x0  }
0x8b: {  	s26 =	sadd.s32 $0x2800, s25;
	[sflag:s19] =	ssyncadd.s32 $0xFFFFC000  }
0x8c: {  	[spmem:s2] =	stream.indirect.scatter.add.f32 [tilespmem:s17], [sflag:$0x2], $0x80, s26, s18, $0xb8;
	[tilespmem:$0x1F800] =	vst v63  }
0x8d: {  	_ =	swait.ge [sflag:s16], $0x4000  }
0x8e: {  	[sflag:s16] =	ssyncset.done $0x0  }
0x8f: {  	s31 =	sadd.s32 $0x80, s25;
	[sflag:s16] =	ssyncadd.s32 $0xFFFFC000  }
0x90: {  	[tilespmem:s20], [sflag:$0x1] =	stream.indirect.gather [hbm4b:s4+s18], $0x80, s31, s18, $0xb8;
	[tilespmem:$0x1F800] =	vst v63  }
0x91: {  	_ =	swait.ge [sflag:s19], $0x4000  }
0x92: {  	[sflag:s19] =	ssyncset.done $0x0  }
0x93: {  	s25 =	sadd.s32 $0x2880, s25;
	[sflag:s19] =	ssyncadd.s32 $0xFFFFC000  }
0x94: {  	[spmem:s2] =	stream.indirect.scatter.add.f32 [tilespmem:s20], [sflag:$0x2], $0x80, s25, s18, $0xb8;
	[tilespmem:$0x1F800] =	vst v63  }
0x95: {  	_ =	swait.ge [sflag:s16], $0x4000  }
0x96: {  	s24 =	sadd.s32 $0x1, s24;
	[sflag:s16] =	ssyncset.done $0x0  }
0x97: {  	p0 =	sne.s32 s24, s14;
	[sflag:s16] =	ssyncadd.s32 $0xFFFFC000  }
.Ltmp2:
0x98: {  	[bflag:$0x0] =	sbarrier.arrive $0xFFFF;
	(pc) =	sbr.rel @p0 .LBB2_1-.Ltmp2, $4  }
0x99: {  	[hbm:s21], [sflag:s22] =	dma.local [spmem:s23], $0x2780  }
0x9a: {  	_ =	swait.ge [sflag:s16], $0x2780  }
0x9b: {  	[sflag:s16] =	ssyncset.done $0x0  }
0x9c: {  	[sflag:s16] =	ssyncadd.s32 $0xFFFFD880  }
0x9d: {  	_ =	sfence.sel $0x180000  }
0x9e: {  	[bflag:$0x0] =	sbarrier.arrive $0xFFFF  }
0x9f: {  	p0 =	sne.s32 s1, $0x0;
	_ =	strace $0x9000004D  }
0xa0: {  	s0 =	sadd.s32 @!p0 $0x100000, s0;
	[bflag:$0x2] =	sbarrier.arrive $0xFFFF  }
0xa1: {  	[sflag:s0] =	ssyncadd.tile.s32 @!p0 $0x1;
	_ =	shalt  }
.Lfunc_end2:
_tile_overlayer_lowered:
.L_overlay_start_2:
0xa2: {  	(tag) =	ssettag $0x2  }
0xa3: {  	s0 =	rddreg [dreg:$0x0];
	s2 =	stileid.u32  }
0xa4: {  	s1 =	rddreg [dreg:$0x1];
	p0 =	sne.s32 s2, $0x0  }
0xa5: {  	s3 =	rddreg [dreg:$0x2];
	[bflag:$0x3] =	sbarrier.arrive $0xFFFF;
	s2 =	simm.s32 @!p0 $0x1C02  }
0xa6: {  	[timem:s3], [sflag:s2] =	dma.local @!p0 [hbm:s0], s1  }
0xa7: {  	s0 =	simm.s32 @!p0 $0x2  }
0xa8: {  	_ =	swait.ge @!p0 [sflag:s0], s1  }
0xa9: {  	s1 =	ssub.s32 @!p0 $0x0, s1;
	[sflag:s0] =	ssyncset.done @!p0 $0x0  }
0xaa: {  	[sflag:s0] =	ssyncadd.s32 @!p0 s1  }
0xab: {  	[bflag:$0x3] =	sbarrier.arrive $0xFFFF  }
0xac: {  	_ =	shalt  }

// kernel: kernel.9.cloned.1.call-start
scs
__scs_entry_jumppad:
0x0: {  	(pc) =	sbr.rel $0x88, $3  }
0x1: {  	(tag) =	ssettag $0x0;
	lr =	simm.s32 $0x1  }
0x2: {  	[smem:$0x3F94] =	sst lr;
	_ =	strace $0xD0000000  }
0x3: {  	_ = 	snop  }
0x4: {  	_ = 	snop  }
0x5: {  	_ = 	snop  }
0x6: {  	_ = 	snop  }
0x7: {  	_ = 	snop  }
__scs_overlays_trampoline_lowered:
0x8: {  	[smem:$0x3FA3] =	sst s0  }
0x9: {  	[smem:$0x3FA4] =	sst s1  }
0xa: {  	[smem:$0x3FA5] =	sst s2  }
0xb: {  	[smem:$0x3FA6] =	sst s3  }
0xc: {  	[smem:$0x3FA7] =	sst s4  }
0xd: {  	[smem:$0x3FA8] =	sst s5  }
0xe: {  	[smem:$0x3FA9] =	sst s6  }
0xf: {  	[smem:$0x3FAA] =	sst s7  }
0x10: {  	[smem:$0x3FAB] =	sst s8  }
0x11: {  	[smem:$0x3FAC] =	sst s9;
	s0 =	simm.s32 @!p0 $0x0  }
0x12: {  	s1 =	sld [smem:$0x3F92];
	s0 =	simm.s32 @p0 $0x1  }
0x13: {  	[smem:$0x3FAD] =	sst s0;
	s0 =	simm.s32 @!p1 $0x0  }
0x14: {  	s2 =	sld [smem:$0x3F91];
	s0 =	simm.s32 @p1 $0x1  }
0x15: {  	[smem:$0x3FAE] =	sst s0;
	s0 =	simm.s32 @!p2 $0x0  }
0x16: {  	s3 =	sld [smem:$0x3FDB];
	s0 =	simm.s32 @p2 $0x1  }
0x17: {  	s4 =	simm.s32 $0x1BF5;
	[smem:$0x3FB0] =	sst s0  }
0x18: {  	s0 =	sld [smem:$0x3F93];
	_ =	swait.ge [sflag:s4], $0x0  }
0x19: {  	s7 =	sld [smem:$0x3F94]  }
0x1a: {  	s8 =	sadd.s32 $0xFFFFE003, lr  }
0x1b: {  	s9 =	sadd.s32 $0xFFFFFEF7, lr;
	s5 =	simm.s32 $0xFFFFFFFF;
	p2 =	slt.u32 s8, $0xFFFFF086  }
0x1c: {  	p1 =	slt.u32 s9, $0xF7A;
	s5 =	simm.s32 @!p2 $0x0  }
0x1d: {  	s5 =	simm.s32 @p1 $0x1;
	p0 =	seq.s32 s7, s2  }
0x1e: {  	s7 =	smul.u32 @!p0 $0xF7A, s2;
	p2 =	seq.s32 @!p0 s5, $0x0  }
0x1f: {  	s9 =	smul.u32 $0xF7A, s1;
	s8 =	simm.s32 @!p0 $0x1BF5;
	p2 =	por !p2, p0  }
0x20: {  	[sflag:s8] =	ssyncset.s32 @!p0 $0xFFFFF086;
	s6 =	sadd.s32 @!p0 s3, s7;
	s7 =	simm.s32 @!p0 $0x108  }
0x21: {  	s3 =	sadd.s32 s3, s9;
	s6 =	sadd.s32 @!p0 $0x88, s6;
	s7 =	simm.s32 @p2 $0x1082  }
0x22: {  	[simem:s7], [sflag:s8] =	dma.local @!p0 [hbm:s6], $0xF7A  }
0x23: {  	s9 =	sor.u32 $0xD0000000, s2;
	s6 =	simm.s32 $0x108;
	_ =	swait.ge @!p0 [sflag:s8], $0x0  }
0x24: {  	s3 =	sadd.s32 $0x88, s3;
	s6 =	simm.s32 @!p1 $0x1082;
	[sflag:s4] =	ssyncset.s32 $0xFFFFF086  }
0x25: {  	[simem:s6], [sflag:s4] =	dma.local [hbm:s3], $0xF7A  }
0x26: {  	[smem:$0x3F94] =	sst s1;
	(tag) =	ssettag s2;
	_ =	strace s9  }
0x27: {  	s1 =	sld [smem:$0x3FA4]  }
0x28: {  	s2 =	sld [smem:$0x3FA5]  }
0x29: {  	s4 =	sld [smem:$0x3FA7]  }
0x2a: {  	p0 =	seq.s32 s5, $0x0;
	s5 =	sld [smem:$0x3FA8]  }
0x2b: {  	s6 =	sld [smem:$0x3FA9]  }
0x2c: {  	s7 =	sld [smem:$0x3FAA]  }
0x2d: {  	s3 =	simm.s32 $0x108;
	s8 =	sld [smem:$0x3FAB]  }
0x2e: {  	s3 =	simm.s32 @!p0 $0x1082;
	s9 =	sld [smem:$0x3FAC]  }
0x2f: {  	lr =	sadd.s32 s0, s3;
	s0 =	sld [smem:$0x3FA3]  }
0x30: {  	s3 =	sld [smem:$0x3FA6]  }
0x31: {  	[smem:$0x3FAF] =	sst s10  }
0x32: {  	s10 =	sld [smem:$0x3FAD];
	_ =	sdelay $0x3  }
0x33: {  	p0 =	seq.s32 s10, $0x1;
	s10 =	sld [smem:$0x3FAF];
	_ =	sdelay $0x3  }
0x34: {  	[smem:$0x3FAF] =	sst s10  }
0x35: {  	s10 =	sld [smem:$0x3FAE];
	_ =	sdelay $0x3  }
0x36: {  	p1 =	seq.s32 s10, $0x1;
	s10 =	sld [smem:$0x3FAF];
	_ =	sdelay $0x3  }
0x37: {  	[smem:$0x3FAF] =	sst s10  }
0x38: {  	s10 =	sld [smem:$0x3FB0]  }
0x39: {  	_ = 	snop;
	(pc) =	sbr.ind lr, $3  }
0x3a: {  	_ = 	snop  }
0x3b: {  	_ = 	snop  }
0x3c: {  	p2 =	seq.s32 s10, $0x1;
	s10 =	sld [smem:$0x3FAF]  }
0x3d: {  	_ =	shalt  }
0x3e: {  	_ =	shalt  }
0x3f: {  	_ =	shalt  }
0x40: {  	_ =	shalt  }
0x41: {  	_ =	shalt  }
0x42: {  	_ =	shalt  }
0x43: {  	_ =	shalt  }
0x44: {  	_ =	shalt  }
0x45: {  	_ =	shalt  }
0x46: {  	_ =	shalt  }
0x47: {  	_ =	shalt  }
0x48: {  	_ =	shalt  }
0x49: {  	_ =	shalt  }
0x4a: {  	_ =	shalt  }
0x4b: {  	_ =	shalt  }
0x4c: {  	_ =	shalt  }
0x4d: {  	_ =	shalt  }
0x4e: {  	_ =	shalt  }
0x4f: {  	_ =	shalt  }
0x50: {  	_ =	shalt  }
0x51: {  	_ =	shalt  }
0x52: {  	_ =	shalt  }
0x53: {  	_ =	shalt  }
0x54: {  	_ =	shalt  }
0x55: {  	_ =	shalt  }
0x56: {  	_ =	shalt  }
0x57: {  	_ =	shalt  }
0x58: {  	_ =	shalt  }
0x59: {  	_ =	shalt  }
0x5a: {  	_ =	shalt  }
0x5b: {  	_ =	shalt  }
0x5c: {  	_ =	shalt  }
0x5d: {  	_ =	shalt  }
0x5e: {  	_ =	shalt  }
0x5f: {  	_ =	shalt  }
0x60: {  	_ =	shalt  }
0x61: {  	_ =	shalt  }
0x62: {  	_ =	shalt  }
0x63: {  	_ =	shalt  }
0x64: {  	_ =	shalt  }
0x65: {  	_ =	shalt  }
0x66: {  	_ =	shalt  }
0x67: {  	_ =	shalt  }
0x68: {  	_ =	shalt  }
0x69: {  	_ =	shalt  }
0x6a: {  	_ =	shalt  }
0x6b: {  	_ =	shalt  }
0x6c: {  	_ =	shalt  }
0x6d: {  	_ =	shalt  }
0x6e: {  	_ =	shalt  }
0x6f: {  	_ =	shalt  }
0x70: {  	_ =	shalt  }
0x71: {  	_ =	shalt  }
0x72: {  	_ =	shalt  }
0x73: {  	_ =	shalt  }
0x74: {  	_ =	shalt  }
0x75: {  	_ =	shalt  }
0x76: {  	_ =	shalt  }
0x77: {  	_ =	shalt  }
0x78: {  	_ =	shalt  }
0x79: {  	_ =	shalt  }
0x7a: {  	_ =	shalt  }
0x7b: {  	_ =	shalt  }
0x7c: {  	_ =	shalt  }
0x7d: {  	_ =	shalt  }
0x7e: {  	_ =	shalt  }
0x7f: {  	_ =	shalt  }
0x80: {  	_ =	shalt  }
0x81: {  	_ =	shalt  }
0x82: {  	_ =	shalt  }
0x83: {  	_ =	shalt  }
0x84: {  	_ =	shalt  }
0x85: {  	_ =	shalt  }
0x86: {  	_ =	shalt  }
0x87: {  	_ =	shalt  }
.Lfunc_end0:
.L_simem_size_0:
called_computation_lowered:
.L_overlay_start_0:
0x88: {  	s2 =	sld [smem:$0x3FD9]  }
0x89: {  	s3 =	sld [smem:$0x3FFE];
	_ =	sdelay $0x1  }
0x8a: {  	s1 =	srdreg.scid  }
0x8b: {  	s0 =	sand.u32 $0x1, s1  }
0x8c: {  	s16 =	sshll.u32 s0, $0xA;
	s2 =	sadd.s32 s3, s2  }
0x8d: {  	s2 =	sadd.s32 s2, s16  }
0x8e: {  	[smem:$0x3FBB] =	sst s2  }
0x8f: {  	_ = 	snop  }
0x90: {  	(tm) =	ssettm $0x1  }
0x91: {  	s17 =	sld [smem:$0x3FFB];
	_ =	sdelay $0x3  }
0x92: {  	_ =	strace s17  }
0x93: {  	s2 =	sld [smem:$0x3FFC];
	_ =	sdelay $0x3  }
0x94: {  	_ =	strace s2  }
0x95: {  	s2 =	sld [smem:$0x3FFD];
	_ =	sdelay $0x3  }
0x96: {  	_ =	strace s2  }
0x97: {  	_ =	strace $0x8FFFFFFF  }
0x98: {  	s18 =	sld [smem:$0x3FDB];
	_ =	sdelay $0x1  }
0x99: {  	s19 =	simm.s32 $_scs_section_size  }
0x9a: {  	s4 =	simm.s32 $_size__tile_overlayer_lowered;
	s5 =	simm.s32 $_tile_overlayer_lowered  }
0x9b: {  	s22 =	simm.s32 $0x1BFF;
	s21 =	sshll.u32 s5, $0x1;
	s2 =	sadd.s32 s19, s18  }
0x9c: {  	s6 =	simm.s32 $0x0;
	s20 =	sshll.u32 s4, $0x1;
	s4 =	sadd.s32 s21, s2  }
0x9d: {  	[timem:s6], [sflag:s22] =	dma.local [hbm:s4], s20  }
0x9e: {  	_ =	swait.ge [sflag:s22], s20  }
0x9f: {  	s3 =	ssub.s32 $0x0, s20;
	[sflag:s22] =	ssyncset.done $0x0  }
0xa0: {  	[sflag:s22] =	ssyncadd.s32 s3;
	_ =	sdelay $0x1  }
0xa1: {  	s23 =	simm.s32 $0x1B8B  }
0xa2: {  	_ =	swait.ge [sflag:s23], $0x1  }
0xa3: {  	[sflag:s23] =	ssyncset.done $0x0  }
0xa4: {  	s25 =	simm.s32 $0x1B8E;
	s24 =	sld [smem:$0x3FFE];
	[sflag:s23] =	ssyncadd.s32 $0xFFFFFFFF  }
0xa5: {  	s26 =	simm.s32 $execute0_lowered;
	[smem:$0x3FD2] =	sst s25  }
0xa6: {  	s4 =	sshll.u32 s26, $0x1;
	_ =	strace $0x80000046;
	[dreg:$0x1] =	wrdreg $0xFFFFFFFF  }
0xa7: {  	s28 =	simm.s32 $_size_execute0_lowered;
	s2 =	sadd.s32 s2, s4;
	[dreg:$0x0] =	wrdreg $0x0  }
0xa8: {  	s4 =	sshll.u32 s28, $0x1;
	[dreg:$0x2] =	wrdreg s2  }
0xa9: {  	[dreg:$0x3] =	wrdreg s4  }
0xaa: {  	[dreg:$0x4] =	wrdreg $0xC0  }
0xab: {  	_ =	task [dreg:s6], $0x5FFFF  }
0xac: {  	[dreg:$0x1] =	wrdreg $0xFFFFFFFF  }
0xad: {  	[dreg:$0x0] =	wrdreg $0x60  }
0xae: {  	[dreg:$0x2] =	wrdreg s24  }
0xaf: {  	[dreg:$0x3] =	wrdreg $0xBC000  }
0xb0: {  	[dreg:$0x4] =	wrdreg $0x9  }
0xb1: {  	_ =	task.clear_ibuf [dreg:s6], $0x5FFFF;
	_ =	strace $0x90000046  }
0xb2: {  	s29 =	simm.s32 $0x9;
	_ =	strace $0x80000048  }
0xb3: {  	_ =	swait.ge [sflag:s29], $0x1  }
0xb4: {  	[sflag:s29] =	ssyncadd.s32 $0xFFFFFFFF  }
0xb5: {  	_ =	strace $0x90000048  }
0xb6: {  	_ =	sfence  }
0xb7: {  	s30 =	sld [smem:$0x0];
	_ =	sdelay $0x2  }
0xb8: {  	s31 =	sshll.u32 s1, $0xD;
	s1 =	sshrl.u32 s1, $0x2  }
0xb9: {  	s3 =	sand.u32 $0x4000, s31;
	s1 =	sadd.s32 s1, s30  }
0xba: {  	s0 =	sor.u32 s3, s0;
	s1 =	sshll.u32 s1, $0x11  }
0xbb: {  	s0 =	sor.u32 s1, s0  }
0xbc: {  	s0 =	sadd.s32 $0x8F2B, s0  }
0xbd: {  	[sflag:s0] =	ssyncadd.remote.s32 $0x1  }
0xbe: {  	_ =	sfence.sel $0xFFFF  }
0xbf: {  	[dreg:$0x0] =	wrdreg $0xFFFFFFFF;
	(pc) =	sbr.abs _section_cstart, $3  }
0xc0: {  	[dreg:$0x1] =	wrdreg $0xFFFFFFFF  }
0xc1: {  	_ =	task.clear_ibuf [dreg:s6], $0x2FFFF;
	_ =	strace $0x9FFFFFFF  }
0xc2: {  	(tm) =	ssettm $0x7FFFFFFF  }
0xc3: {  	_ =	shalt  }
tec
execute0_lowered:
.L_overlay_start_1:
0x0: {  	(tag) =	ssettag $0x1  }
0x1: {  	s0 =	srdreg.scid;
	s6 =	rddreg [dreg:$0x0]  }
0x2: {  	s2 =	rddreg [dreg:$0x1];
	s1 =	stileid.u32  }
0x3: {  	s3 =	simm.s32 $0x0;
	s16 =	simm.s32 $0x2;
	s17 =	simm.s32 $0x3C00  }
0x4: {  	s18 =	simm.s32 $0x80;
	s19 =	simm.s32 $0x1;
	s20 =	simm.s32 $0x7C00  }
0x5: {  	s5 =	sand.u32 $0x1, s0;
	s0 =	rddreg [dreg:$0x2];
	s30 =	smul.u32 $0x4F000, s1  }
0x6: {  	s24 =	simm.s32 $0x0;
	[smem:$0x7FF] =	sst s3;
	s22 =	smul.u32 $0x2780, s1  }
0x7: {  	s31 =	sshll.u32 s1, $0x6;
	s4 =	sshll.u32 s5, $0x4;
	_ =	strace $0x80000047  }
0x8: {  	s9 =	smul.u32 $0x27800, s5;
	s10 =	ssub.s32 $0x2, s5;
	s4 =	sor.u32 s1, s4  }
0x9: {  	s5 =	sadd.s32 $0x3E800, s6;
	s11 =	sshrl.u32 s10, $0x1;
	s7 =	smul.u32 $0x280, s4  }
0xa: {  	s8 =	smul.u32 $0x500, s4;
	s14 =	sadd.s32 s9, s6;
	s15 =	ssub.s32 s10, s11  }
0xb: {  	s4 =	sadd.s32 $0x17600, s6;
	s21 =	sadd.s32 $0x3F000, s14;
	s14 =	smax.u32 s15, $0x1  }
0xc: {  	s15 =	simm.s32 $0x1400;
	s13 =	sadd.s32 s7, s6;
	s8 =	sadd.s32 s8, s6  }
0xd: {  	s7 =	sshrl.u32 s30, $0x2;
	s21 =	sadd.s32 s22, s21;
	s22 =	sor.u32 $0x1C02, s31  }
0xe: {  	s6 =	sadd.s32 s7, s2;
	s7 =	sadd.s32 $0xD600, s8;
	s12 =	sadd.s32 $0x8600, s13  }
0xf: {  	s13 =	sadd.s32 $0x3600, s13;
	s8 =	sadd.s32 $0x4000, s6;
	s9 =	sadd.s32 $0x8000, s6  }
0x10: {  	s10 =	sadd.s32 $0xC000, s6;
	s11 =	sadd.s32 $0x10000, s6;
	s23 =	sshrl.u32 s6, $0x3  }
.LBB2_1:
0x11: {  	[tilespmem:s15], [sflag:$0x2] =	stream.linear.gather [hbm4b:s7+s3], $0x2800, $0x38;
	[tilespmem:$0x1F800] =	vst v63  }
0x12: {  	_ =	swait.ge [sflag:s16], $0x2800  }
0x13: {  	[sflag:s16] =	ssyncset.done $0x0  }
0x14: {  	[sflag:s16] =	ssyncadd.s32 $0xFFFFD800  }
0x15: {  	[tilespmem:s17], [sflag:$0x2] =	stream.linear.gather [hbm4b:s5+s3], $0x4000, $0x38;
	[tilespmem:$0x1F800] =	vst v63  }
0x16: {  	_ =	swait.ge [sflag:s16], $0x4000  }
0x17: {  	[sflag:s16] =	ssyncset.done $0x0  }
0x18: {  	[sflag:s16] =	ssyncadd.s32 $0xFFFFC000  }
0x19: {  	[spmem:s6] =	stream.linear.scatter [tilespmem:s17], [sflag:$0x2], $0x4000, $0x38;
	[tilespmem:$0x1F800] =	vst v63  }
0x1a: {  	_ =	swait.ge [sflag:s16], $0x4000  }
0x1b: {  	[sflag:s16] =	ssyncset.done $0x0  }
0x1c: {  	[sflag:s16] =	ssyncadd.s32 $0xFFFFC000  }
0x1d: {  	[spmem:s8] =	stream.linear.scatter [tilespmem:s17], [sflag:$0x2], $0x4000, $0x38;
	[tilespmem:$0x1F800] =	vst v63  }
0x1e: {  	_ =	swait.ge [sflag:s16], $0x4000  }
0x1f: {  	[sflag:s16] =	ssyncset.done $0x0  }
0x20: {  	[sflag:s16] =	ssyncadd.s32 $0xFFFFC000  }
0x21: {  	[spmem:s9] =	stream.linear.scatter [tilespmem:s17], [sflag:$0x2], $0x4000, $0x38;
	[tilespmem:$0x1F800] =	vst v63  }
0x22: {  	_ =	swait.ge [sflag:s16], $0x4000  }
0x23: {  	[sflag:s16] =	ssyncset.done $0x0  }
0x24: {  	[sflag:s16] =	ssyncadd.s32 $0xFFFFC000  }
0x25: {  	[spmem:s10] =	stream.linear.scatter [tilespmem:s17], [sflag:$0x2], $0x4000, $0x38;
	[tilespmem:$0x1F800] =	vst v63  }
0x26: {  	_ =	swait.ge [sflag:s16], $0x4000  }
0x27: {  	[sflag:s16] =	ssyncset.done $0x0  }
0x28: {  	[sflag:s16] =	ssyncadd.s32 $0xFFFFC000  }
0x29: {  	[spmem:s11] =	stream.linear.scatter [tilespmem:s17], [sflag:$0x2], $0x3C00, $0x38;
	[tilespmem:$0x1F800] =	vst v63  }
0x2a: {  	_ =	swait.ge [sflag:s16], $0x3C00  }
0x2b: {  	[sflag:s16] =	ssyncset.done $0x0  }
0x2c: {  	[sflag:s16] =	ssyncadd.s32 $0xFFFFC400  }
0x2d: {  	[bflag:$0x0] =	sbarrier.arrive $0xFFFF  }
0x2e: {  	[tilespmem:s3], [sflag:$0x2] =	stream.linear.gather [hbm4b:s12+s3], $0x1400, $0x38;
	[tilespmem:$0x1F800] =	vst v63  }
0x2f: {  	_ =	swait.ge [sflag:s16], $0x1400  }
0x30: {  	[sflag:s16] =	ssyncset.done $0x0  }
0x31: {  	s25 =	simm.s32 $0x0;
	[sflag:s16] =	ssyncadd.s32 $0xFFFFEC00  }
0x32: {  	[tilespmem:s17], [sflag:$0x1] =	stream.indirect.gather [hbm4b:s4+s18], $0x80, s25, s18, $0xb8;
	[tilespmem:$0x1F800] =	vst v63  }
0x33: {  	_ =	swait.ge [sflag:s19], $0x4000  }
0x34: {  	[sflag:s19] =	ssyncset.done $0x0  }
0x35: {  	s29 =	simm.s32 $0x1400;
	[sflag:s19] =	ssyncadd.s32 $0xFFFFC000  }
0x36: {  	[spmem:s2] =	stream.indirect.scatter.add.f32 [tilespmem:s17], [sflag:$0x2], $0x80, s29, s18, $0xb8;
	[tilespmem:$0x1F800] =	vst v63  }
0x37: {  	_ =	swait.ge [sflag:s16], $0x4000  }
0x38: {  	[sflag:s16] =	ssyncset.done $0x0  }
0x39: {  	s30 =	simm.s32 $0x80;
	[sflag:s16] =	ssyncadd.s32 $0xFFFFC000  }
0x3a: {  	[tilespmem:s20], [sflag:$0x1] =	stream.indirect.gather [hbm4b:s4+s18], $0x80, s30, s18, $0xb8;
	[tilespmem:$0x1F800] =	vst v63  }
0x3b: {  	_ =	swait.ge [sflag:s19], $0x4000  }
0x3c: {  	[sflag:s19] =	ssyncset.done $0x0  }
0x3d: {  	s31 =	simm.s32 $0x1480;
	[sflag:s19] =	ssyncadd.s32 $0xFFFFC000  }
0x3e: {  	[spmem:s2] =	stream.indirect.scatter.add.f32 [tilespmem:s20], [sflag:$0x2], $0x80, s31, s18, $0xb8;
	[tilespmem:$0x1F800] =	vst v63  }
0x3f: {  	_ =	swait.ge [sflag:s16], $0x4000  }
0x40: {  	s26 =	simm.s32 $0x800;
	s25 =	simm.s32 $0x400;
	[sflag:s16] =	ssyncset.done $0x0  }
.LBB2_2:
0x41: {  	s28 =	sshra.s32 s25, $0x2  }
0x42: {  	[sflag:s16] =	ssyncadd.s32 $0xFFFFC000;
	s25 =	smov.u32 s26;
	s29 =	sadd.s32 $0x400, s26  }
0x43: {  	[tilespmem:s17], [sflag:$0x1] =	stream.indirect.gather [hbm4b:s4+s18], $0x80, s28, s18, $0xb8;
	[tilespmem:$0x1F800] =	vst v63  }
0x44: {  	p0 =	sne.s32 s26, $0x4C00;
	_ =	swait.ge [sflag:s19], $0x4000  }
0x45: {  	[sflag:s19] =	ssyncset.done $0x0  }
0x46: {  	s26 =	sadd.s32 $0x1400, s28;
	[sflag:s19] =	ssyncadd.s32 $0xFFFFC000  }
0x47: {  	[spmem:s2] =	stream.indirect.scatter.add.f32 [tilespmem:s17], [sflag:$0x2], $0x80, s26, s18, $0xb8;
	[tilespmem:$0x1F800] =	vst v63  }
0x48: {  	_ =	swait.ge [sflag:s16], $0x4000  }
0x49: {  	[sflag:s16] =	ssyncset.done $0x0  }
0x4a: {  	s26 =	sadd.s32 $0x80, s28;
	[sflag:s16] =	ssyncadd.s32 $0xFFFFC000  }
0x4b: {  	[tilespmem:s20], [sflag:$0x1] =	stream.indirect.gather [hbm4b:s4+s18], $0x80, s26, s18, $0xb8;
	[tilespmem:$0x1F800] =	vst v63  }
0x4c: {  	_ =	swait.ge [sflag:s19], $0x4000  }
.Ltmp0:
0x4d: {  	[sflag:s19] =	ssyncset.done $0x0;
	(pc) =	sbr.rel @p0 .LBB2_2-.Ltmp0, $4  }
0x4e: {  	s26 =	sadd.s32 $0x1480, s28;
	[sflag:s19] =	ssyncadd.s32 $0xFFFFC000  }
0x4f: {  	[spmem:s2] =	stream.indirect.scatter.add.f32 [tilespmem:s20], [sflag:$0x2], $0x80, s26, s18, $0xb8;
	[tilespmem:$0x1F800] =	vst v63  }
0x50: {  	_ =	swait.ge [sflag:s16], $0x4000  }
0x51: {  	s26 =	smov.u32 s29;
	[sflag:s16] =	ssyncset.done $0x0  }
0x52: {  	s25 =	sshra.s32 s25, $0x2;
	[sflag:s16] =	ssyncadd.s32 $0xFFFFC000  }
0x53: {  	[tilespmem:s17], [sflag:$0x1] =	stream.indirect.gather [hbm4b:s4+s18], $0x80, s25, s18, $0xb8;
	[tilespmem:$0x1F800] =	vst v63  }
0x54: {  	_ =	swait.ge [sflag:s19], $0x4000  }
0x55: {  	[sflag:s19] =	ssyncset.done $0x0  }
0x56: {  	s26 =	sadd.s32 $0x1400, s25;
	[sflag:s19] =	ssyncadd.s32 $0xFFFFC000  }
0x57: {  	[spmem:s2] =	stream.indirect.scatter.add.f32 [tilespmem:s17], [sflag:$0x2], $0x80, s26, s18, $0xb8;
	[tilespmem:$0x1F800] =	vst v63  }
0x58: {  	_ =	swait.ge [sflag:s16], $0x4000  }
0x59: {  	[sflag:s16] =	ssyncset.done $0x0  }
0x5a: {  	s31 =	sadd.s32 $0x80, s25;
	[sflag:s16] =	ssyncadd.s32 $0xFFFFC000  }
0x5b: {  	[tilespmem:s20], [sflag:$0x1] =	stream.indirect.gather [hbm4b:s4+s18], $0x80, s31, s18, $0xb8;
	[tilespmem:$0x1F800] =	vst v63  }
0x5c: {  	_ =	swait.ge [sflag:s19], $0x4000  }
0x5d: {  	[sflag:s19] =	ssyncset.done $0x0  }
0x5e: {  	s25 =	sadd.s32 $0x1480, s25;
	[sflag:s19] =	ssyncadd.s32 $0xFFFFC000  }
0x5f: {  	[spmem:s2] =	stream.indirect.scatter.add.f32 [tilespmem:s20], [sflag:$0x2], $0x80, s25, s18, $0xb8;
	[tilespmem:$0x1F800] =	vst v63  }
0x60: {  	_ =	swait.ge [sflag:s16], $0x4000  }
0x61: {  	[sflag:s16] =	ssyncset.done $0x0  }
0x62: {  	s26 =	simm.s32 $0x0;
	[sflag:s16] =	ssyncadd.s32 $0xFFFFC000  }
0x63: {  	[tilespmem:s26], [sflag:$0x2] =	stream.linear.gather [hbm4b:s13+s26], $0x1400, $0x38;
	[tilespmem:$0x1F800] =	vst v63  }
0x64: {  	_ =	swait.ge [sflag:s16], $0x1400  }
0x65: {  	[sflag:s16] =	ssyncset.done $0x0  }
0x66: {  	s28 =	simm.s32 $0x0;
	[sflag:s16] =	ssyncadd.s32 $0xFFFFEC00  }
0x67: {  	[tilespmem:s17], [sflag:$0x1] =	stream.indirect.gather [hbm4b:s4+s18], $0x80, s28, s18, $0xb8;
	[tilespmem:$0x1F800] =	vst v63  }
0x68: {  	_ =	swait.ge [sflag:s19], $0x4000  }
0x69: {  	[sflag:s19] =	ssyncset.done $0x0  }
0x6a: {  	s29 =	simm.s32 $0x2800;
	[sflag:s19] =	ssyncadd.s32 $0xFFFFC000  }
0x6b: {  	[spmem:s2] =	stream.indirect.scatter.add.f32 [tilespmem:s17], [sflag:$0x2], $0x80, s29, s18, $0xb8;
	[tilespmem:$0x1F800] =	vst v63  }
0x6c: {  	_ =	swait.ge [sflag:s16], $0x4000  }
0x6d: {  	[sflag:s16] =	ssyncset.done $0x0  }
0x6e: {  	s30 =	simm.s32 $0x80;
	[sflag:s16] =	ssyncadd.s32 $0xFFFFC000  }
0x6f: {  	[tilespmem:s20], [sflag:$0x1] =	stream.indirect.gather [hbm4b:s4+s18], $0x80, s30, s18, $0xb8;
	[tilespmem:$0x1F800] =	vst v63  }
0x70: {  	_ =	swait.ge [sflag:s19], $0x4000  }
0x71: {  	[sflag:s19] =	ssyncset.done $0x0  }
0x72: {  	s31 =	simm.s32 $0x2880;
	[sflag:s19] =	ssyncadd.s32 $0xFFFFC000  }
0x73: {  	[spmem:s2] =	stream.indirect.scatter.add.f32 [tilespmem:s20], [sflag:$0x2], $0x80, s31, s18, $0xb8;
	[tilespmem:$0x1F800] =	vst v63  }
0x74: {  	_ =	swait.ge [sflag:s16], $0x4000  }
0x75: {  	s25 =	simm.s32 $0x400;
	s26 =	simm.s32 $0x800;
	[sflag:s16] =	ssyncset.done $0x0  }
.LBB2_4:
0x76: {  	s28 =	sshra.s32 s25, $0x2  }
0x77: {  	[sflag:s16] =	ssyncadd.s32 $0xFFFFC000;
	s25 =	smov.u32 s26;
	s29 =	sadd.s32 $0x400, s26  }
0x78: {  	[tilespmem:s17], [sflag:$0x1] =	stream.indirect.gather [hbm4b:s4+s18], $0x80, s28, s18, $0xb8;
	[tilespmem:$0x1F800] =	vst v63  }
0x79: {  	p0 =	sne.s32 s26, $0x4C00;
	_ =	swait.ge [sflag:s19], $0x4000  }
0x7a: {  	[sflag:s19] =	ssyncset.done $0x0  }
0x7b: {  	s26 =	sadd.s32 $0x2800, s28;
	[sflag:s19] =	ssyncadd.s32 $0xFFFFC000  }
0x7c: {  	[spmem:s2] =	stream.indirect.scatter.add.f32 [tilespmem:s17], [sflag:$0x2], $0x80, s26, s18, $0xb8;
	[tilespmem:$0x1F800] =	vst v63  }
0x7d: {  	_ =	swait.ge [sflag:s16], $0x4000  }
0x7e: {  	[sflag:s16] =	ssyncset.done $0x0  }
0x7f: {  	s26 =	sadd.s32 $0x80, s28;
	[sflag:s16] =	ssyncadd.s32 $0xFFFFC000  }
0x80: {  	[tilespmem:s20], [sflag:$0x1] =	stream.indirect.gather [hbm4b:s4+s18], $0x80, s26, s18, $0xb8;
	[tilespmem:$0x1F800] =	vst v63  }
0x81: {  	_ =	swait.ge [sflag:s19], $0x4000  }
.Ltmp1:
0x82: {  	[sflag:s19] =	ssyncset.done $0x0;
	(pc) =	sbr.rel @p0 .LBB2_4-.Ltmp1, $4  }
0x83: {  	s26 =	sadd.s32 $0x2880, s28;
	[sflag:s19] =	ssyncadd.s32 $0xFFFFC000  }
0x84: {  	[spmem:s2] =	stream.indirect.scatter.add.f32 [tilespmem:s20], [sflag:$0x2], $0x80, s26, s18, $0xb8;
	[tilespmem:$0x1F800] =	vst v63  }
0x85: {  	_ =	swait.ge [sflag:s16], $0x4000  }
0x86: {  	s26 =	smov.u32 s29;
	[sflag:s16] =	ssyncset.done $0x0  }
0x87: {  	s25 =	sshra.s32 s25, $0x2;
	[sflag:s16] =	ssyncadd.s32 $0xFFFFC000  }
0x88: {  	[tilespmem:s17], [sflag:$0x1] =	stream.indirect.gather [hbm4b:s4+s18], $0x80, s25, s18, $0xb8;
	[tilespmem:$0x1F800] =	vst v63  }
0x89: {  	_ =	swait.ge [sflag:s19], $0x4000  }
0x8a: {  	[sflag:s19] =	ssyncset.done $0x0  }
0x8b: {  	s26 =	sadd.s32 $0x2800, s25;
	[sflag:s19] =	ssyncadd.s32 $0xFFFFC000  }
0x8c: {  	[spmem:s2] =	stream.indirect.scatter.add.f32 [tilespmem:s17], [sflag:$0x2], $0x80, s26, s18, $0xb8;
	[tilespmem:$0x1F800] =	vst v63  }
0x8d: {  	_ =	swait.ge [sflag:s16], $0x4000  }
0x8e: {  	[sflag:s16] =	ssyncset.done $0x0  }
0x8f: {  	s31 =	sadd.s32 $0x80, s25;
	[sflag:s16] =	ssyncadd.s32 $0xFFFFC000  }
0x90: {  	[tilespmem:s20], [sflag:$0x1] =	stream.indirect.gather [hbm4b:s4+s18], $0x80, s31, s18, $0xb8;
	[tilespmem:$0x1F800] =	vst v63  }
0x91: {  	_ =	swait.ge [sflag:s19], $0x4000  }
0x92: {  	[sflag:s19] =	ssyncset.done $0x0  }
0x93: {  	s25 =	sadd.s32 $0x2880, s25;
	[sflag:s19] =	ssyncadd.s32 $0xFFFFC000  }
0x94: {  	[spmem:s2] =	stream.indirect.scatter.add.f32 [tilespmem:s20], [sflag:$0x2], $0x80, s25, s18, $0xb8;
	[tilespmem:$0x1F800] =	vst v63  }
0x95: {  	_ =	swait.ge [sflag:s16], $0x4000  }
0x96: {  	s24 =	sadd.s32 $0x1, s24;
	[sflag:s16] =	ssyncset.done $0x0  }
0x97: {  	p0 =	sne.s32 s24, s14;
	[sflag:s16] =	ssyncadd.s32 $0xFFFFC000  }
.Ltmp2:
0x98: {  	[bflag:$0x0] =	sbarrier.arrive $0xFFFF;
	(pc) =	sbr.rel @p0 .LBB2_1-.Ltmp2, $4  }
0x99: {  	[hbm:s21], [sflag:s22] =	dma.local [spmem:s23], $0x2780  }
0x9a: {  	_ =	swait.ge [sflag:s16], $0x2780  }
0x9b: {  	[sflag:s16] =	ssyncset.done $0x0  }
0x9c: {  	[sflag:s16] =	ssyncadd.s32 $0xFFFFD880  }
0x9d: {  	_ =	sfence.sel $0x180000  }
0x9e: {  	[bflag:$0x0] =	sbarrier.arrive $0xFFFF  }
0x9f: {  	p0 =	sne.s32 s1, $0x0;
	_ =	strace $0x90000047  }
0xa0: {  	s0 =	sadd.s32 @!p0 $0x100000, s0;
	[bflag:$0x2] =	sbarrier.arrive $0xFFFF  }
0xa1: {  	[sflag:s0] =	ssyncadd.tile.s32 @!p0 $0x1;
	_ =	shalt  }
.Lfunc_end2:
_tile_overlayer_lowered:
.L_overlay_start_2:
0xa2: {  	(tag) =	ssettag $0x2  }
0xa3: {  	s0 =	rddreg [dreg:$0x0];
	s2 =	stileid.u32  }
0xa4: {  	s1 =	rddreg [dreg:$0x1];
	p0 =	sne.s32 s2, $0x0  }
0xa5: {  	s3 =	rddreg [dreg:$0x2];
	[bflag:$0x3] =	sbarrier.arrive $0xFFFF;
	s2 =	simm.s32 @!p0 $0x1C02  }
0xa6: {  	[timem:s3], [sflag:s2] =	dma.local @!p0 [hbm:s0], s1  }
0xa7: {  	s0 =	simm.s32 @!p0 $0x2  }
0xa8: {  	_ =	swait.ge @!p0 [sflag:s0], s1  }
0xa9: {  	s1 =	ssub.s32 @!p0 $0x0, s1;
	[sflag:s0] =	ssyncset.done @!p0 $0x0  }
0xaa: {  	[sflag:s0] =	ssyncadd.s32 @!p0 s1  }
0xab: {  	[bflag:$0x3] =	sbarrier.arrive $0xFFFF  }
0xac: {  	_ =	shalt  }

</sc_bundles>
